<compile_context>
chip_gen: v7x
topology: tpu7x:2x2x1
jax: 0.10.2.dev20260603
libtpu: 0.0.44.dev20260713+nightly
codegen_flags: <defaults>
</compile_context>

<pallas_src>
import functools

import jax
import jax.numpy as jnp
from jax import lax
from jax.experimental import pallas as pl
from jax.experimental.pallas import tpu as pltpu
from jax.experimental.pallas import tpu_sc as plsc

LANES = 16
TILES = 16
CORES = 2
EBLK = 2048
GB = 64
BAND = 256


@functools.lru_cache(maxsize=None)
def _make_spmm(n, b, nnz_pad):
    e_t = nnz_pad // TILES
    nblocks = nnz_pad // EBLK
    vpr = b // LANES
    acc_w = BAND * b
    slots = nnz_pad + nblocks * GB

    mesh = plsc.VectorSubcoreMesh(core_axis_name="c", subcore_axis_name="s")

    @functools.partial(
        pl.kernel,
        mesh=mesh,
        compiler_params=pltpu.CompilerParams(needs_layout_passes=False),
        out_type=(
            jax.ShapeDtypeStruct((n * b,), jnp.float32),
            jax.ShapeDtypeStruct((CORES * TILES, slots), jnp.int32),
            jax.ShapeDtypeStruct((CORES * TILES, slots), jnp.int32),
            jax.ShapeDtypeStruct((CORES * TILES, slots), jnp.float32),
        ),
        scratch_types=[
            pltpu.VMEM((acc_w,), jnp.float32),
            pltpu.VMEM((EBLK,), jnp.int32),
            pltpu.VMEM((EBLK,), jnp.int32),
            pltpu.VMEM((EBLK,), jnp.float32),
            pltpu.VMEM((EBLK + GB,), jnp.int32),
            pltpu.VMEM((EBLK + GB,), jnp.int32),
            pltpu.VMEM((EBLK + GB,), jnp.float32),
            pltpu.VMEM((EBLK + GB,), jnp.int32),
            pltpu.VMEM((EBLK + GB,), jnp.int32),
            pltpu.VMEM((EBLK + GB,), jnp.float32),
            pltpu.VMEM((GB, b), jnp.float32),
            pltpu.SemaphoreType.DMA,
        ],
    )
    def spmm(zt, rows_h, cols_h, vals_h, out, st_r, st_c, st_v,
             acc, rows_v, cols_v, vals_v,
             r0c, c0c, v0c, r1c, c1c, v1c,
             gbuf, sem):
        cid = lax.axis_index("c")
        sid = lax.axis_index("s")
        wid = cid * TILES + sid

        zvec = jnp.zeros((LANES,), jnp.float32)
        izero = jnp.zeros((LANES,), jnp.int32)
        lane = lax.iota(jnp.int32, LANES)
        band0 = cid * (2 * TILES) + sid
        band1 = band0 + TILES

        def zero_acc():
            def zb(i, _):
                acc[pl.ds(i * LANES, LANES)] = zvec
                return 0
            lax.fori_loop(0, acc_w // LANES, zb, 0)

        def pad_batch(rc, cc, vc, count):
            for p in range(GB // LANES):
                plsc.store_scatter(cc, [count + p * LANES + lane], izero)
                plsc.store_scatter(rc, [count + p * LANES + lane], izero)
                plsc.store_scatter(vc, [count + p * LANES + lane], zvec)

        def process(rc, cc, vc, nbatch):
            def gbody(g, _):
                gg = pl.multiple_of(g * GB, GB)
                pltpu.async_copy(zt.at[cc.at[pl.ds(gg, GB)]], gbuf,
                                 sem).wait()

                def jbody(j, _):
                    idxv = jnp.full((LANES,), gg + j, jnp.int32)
                    rlb = plsc.load_gather(rc, [idxv])
                    vb = plsc.load_gather(vc, [idxv])
                    base = rlb * b + lane
                    for q in range(vpr):
                        g16 = gbuf[j, pl.ds(q * LANES, LANES)]
                        plsc.addupdate_scatter(
                            acc, [base + q * LANES], g16 * vb)
                    return 0
                lax.fori_loop(0, GB, jbody, 0)
                return 0
            lax.fori_loop(0, nbatch, gbody, 0)

        zero_acc()

        def blk_body(blk, spill_n):
            e0 = pl.multiple_of(blk * EBLK, EBLK)
            pltpu.sync_copy(rows_h.at[pl.ds(e0, EBLK)], rows_v)
            pltpu.sync_copy(cols_h.at[pl.ds(e0, EBLK)], cols_v)
            pltpu.sync_copy(vals_h.at[pl.ds(e0, EBLK)], vals_v)

            def cbody(i, counts):
                n0, n1 = counts
                r = rows_v[pl.ds(i * LANES, LANES)]
                c = cols_v[pl.ds(i * LANES, LANES)]
                v = vals_v[pl.ds(i * LANES, LANES)]
                g = lax.shift_right_logical(r, 8)
                rl = r & (BAND - 1)
                m0 = g == band0
                m1 = g == band1
                mi0 = m0.astype(jnp.int32)
                mi1 = m1.astype(jnp.int32)
                p0 = n0 + plsc.cumsum(mi0) - 1
                p1 = n1 + plsc.cumsum(mi1) - 1
                plsc.store_scatter(c0c, [p0], c, mask=m0)
                plsc.store_scatter(r0c, [p0], rl, mask=m0)
                plsc.store_scatter(v0c, [p0], v, mask=m0)
                plsc.store_scatter(c1c, [p1], c, mask=m1)
                plsc.store_scatter(r1c, [p1], rl, mask=m1)
                plsc.store_scatter(v1c, [p1], v, mask=m1)
                return n0 + jnp.sum(mi0), n1 + jnp.sum(mi1)
            n0, n1 = lax.fori_loop(0, EBLK // LANES, cbody,
                                   (jnp.int32(0), jnp.int32(0)))

            pad_batch(r0c, c0c, v0c, n0)
            process(r0c, c0c, v0c, (n0 + GB - 1) // GB)

            pad_batch(r1c, c1c, v1c, n1)
            nsp = (n1 + GB - 1) // GB

            def sbody(k, _):
                src = pl.ds(pl.multiple_of(k * GB, GB), GB)
                dst = pl.ds(pl.multiple_of(spill_n + k * GB, GB), GB)
                pltpu.sync_copy(r1c.at[src], st_r.at[wid, dst])
                pltpu.sync_copy(c1c.at[src], st_c.at[wid, dst])
                pltpu.sync_copy(v1c.at[src], st_v.at[wid, dst])
                return 0
            lax.fori_loop(0, nsp, sbody, 0)
            return spill_n + nsp * GB
        spill_n = lax.fori_loop(0, nblocks, blk_body, jnp.int32(0))

        out0 = pl.multiple_of(band0 * BAND * b, BAND * b)
        pltpu.sync_copy(acc, out.at[pl.ds(out0, acc_w)])

        zero_acc()

        def rblk_body(blk, _):
            s0 = pl.multiple_of(blk * EBLK, EBLK)
            pltpu.sync_copy(st_r.at[wid, pl.ds(s0, EBLK)], rows_v)
            pltpu.sync_copy(st_c.at[wid, pl.ds(s0, EBLK)], cols_v)
            pltpu.sync_copy(st_v.at[wid, pl.ds(s0, EBLK)], vals_v)
            rem = spill_n - s0
            ng = jnp.minimum(rem, EBLK) // GB

            def gbody(g, _):
                gg = pl.multiple_of(g * GB, GB)
                pltpu.async_copy(zt.at[cols_v.at[pl.ds(gg, GB)]], gbuf,
                                 sem).wait()

                def jbody(j, _):
                    idxv = jnp.full((LANES,), gg + j, jnp.int32)
                    rlb = plsc.load_gather(rows_v, [idxv])
                    vb = plsc.load_gather(vals_v, [idxv])
                    base = rlb * b + lane
                    for q in range(vpr):
                        g16 = gbuf[j, pl.ds(q * LANES, LANES)]
                        plsc.addupdate_scatter(
                            acc, [base + q * LANES], g16 * vb)
                    return 0
                lax.fori_loop(0, GB, jbody, 0)
                return 0
            lax.fori_loop(0, ng, gbody, 0)
            return 0
        lax.fori_loop(0, (spill_n + EBLK - 1) // EBLK, rblk_body, 0)

        out1 = pl.multiple_of(band1 * BAND * b, BAND * b)
        pltpu.sync_copy(acc, out.at[pl.ds(out1, acc_w)])

    return spmm


def kernel(Z, A_rows, A_cols, A_vals, logit_alpha):
    b, n = Z.shape
    nnz = A_rows.shape[0]
    nnz_pad = -(-nnz // EBLK) * EBLK
    pad = nnz_pad - nnz
    if pad:
        A_rows = jnp.concatenate(
            [A_rows, jnp.full((pad,), n, jnp.int32)])
        A_cols = jnp.concatenate([A_cols, jnp.zeros((pad,), jnp.int32)])
        A_vals = jnp.concatenate([A_vals, jnp.zeros((pad,), jnp.float32)])
    zt = Z.T
    zs_flat, _, _, _ = _make_spmm(n, b, nnz_pad)(zt, A_rows, A_cols, A_vals)
    zs_t = zs_flat.reshape(n, b)
    alpha = jax.nn.sigmoid(logit_alpha)
    return alpha * zs_t.T + (1.0 - alpha) * Z

# --- scband reference (transcript-rebuilt; emitter-appended) ---
"""Pipeline reference for scband-pathway-graph-head-63814624084101 (READ-ONLY COPY).

The authoritative reference and input builder live on the scoring server;
editing this copy changes nothing except your own understanding.
"""

import jax, jax.numpy as jnp
import numpy as np

N = 16384
NNZ = 268435
B = 256

def setup_inputs(seed: int = 0) -> dict:
    key = jax.random.key(seed)
    k1, k2, k3, k4 = jax.random.split(key, 4)
    Z = jax.random.normal(k1, (B, N), dtype=jnp.float32)
    A_rows = jax.random.randint(k2, (NNZ,), 0, N, dtype=jnp.int32)
    A_cols = jax.random.randint(k3, (NNZ,), 0, N, dtype=jnp.int32)
    A_vals = jax.random.uniform(k4, (NNZ,), dtype=jnp.float32)
    logit_alpha = jnp.zeros((), dtype=jnp.float32)
    return {"Z": Z, "A_rows": A_rows, "A_cols": A_cols, "A_vals": A_vals, "logit_alpha": logit_alpha}

def reference(Z, A_rows, A_cols, A_vals, logit_alpha):
    # ZT = Z.transpose(0,1): [N, B]
    ZT = Z.T
    # sparse.mm(A_norm, ZT): for each nnz (r,c,v): out[r] += v * ZT[c]
    gathered = A_vals[:, None] * jnp.take(ZT, A_cols, axis=0)
    Zs_T = jax.ops.segment_sum(gathered, A_rows, num_segments=N)
    Zs = Zs_T.T
    alpha = jax.nn.sigmoid(logit_alpha)
    return alpha * Zs + (1.0 - alpha) * Z

if __name__ == "__main__":
    import jax
    _d = setup_inputs()
    print(jax.jit(kernel)(*tuple(_d.values())))

</pallas_src>

<mosaic_0001>
#map = affine_map<(d0, d1) -> (0, 0)>
#map1 = affine_map<(d0, d1) -> (0)>
module attributes {stable_mosaic.version = 14 : i64} {
  func.func @spmm(%arg0: i32, %arg1: i32, %arg2: memref<16384x256xf32, #tpu.memory_space<hbm>>, %arg3: memref<270336xi32, #tpu.memory_space<hbm>>, %arg4: memref<270336xi32, #tpu.memory_space<hbm>>, %arg5: memref<270336xf32, #tpu.memory_space<hbm>>, %arg6: memref<4194304xf32, #tpu.memory_space<hbm>>, %arg7: memref<32x278784xi32, #tpu.memory_space<hbm>>, %arg8: memref<32x278784xi32, #tpu.memory_space<hbm>>, %arg9: memref<32x278784xf32, #tpu.memory_space<hbm>>, %arg10: memref<65536xf32, #tpu.memory_space<vmem>>, %arg11: memref<2048xi32, #tpu.memory_space<vmem>>, %arg12: memref<2048xi32, #tpu.memory_space<vmem>>, %arg13: memref<2048xf32, #tpu.memory_space<vmem>>, %arg14: memref<2112xi32, #tpu.memory_space<vmem>>, %arg15: memref<2112xi32, #tpu.memory_space<vmem>>, %arg16: memref<2112xf32, #tpu.memory_space<vmem>>, %arg17: memref<2112xi32, #tpu.memory_space<vmem>>, %arg18: memref<2112xi32, #tpu.memory_space<vmem>>, %arg19: memref<2112xf32, #tpu.memory_space<vmem>>, %arg20: memref<64x256xf32, #tpu.memory_space<vmem>>, %arg21: memref<!tpu.dma_semaphore, #tpu.memory_space<semaphore_mem>>) attributes {dimension_semantics = [#tpu.dimension_semantics<core_parallel>, #tpu.dimension_semantics<subcore_parallel>], iteration_bounds = array<i64: 2, 16>, scalar_prefetch = 0 : i64, scratch_operands = 12 : i64, tpu.core_type = #tpu.core_type<sc_vector_subcore>, window_params = [{transform_indices = #map}, {transform_indices = #map1}, {transform_indices = #map1}, {transform_indices = #map1}, {transform_indices = #map1}, {transform_indices = #map}, {transform_indices = #map}, {transform_indices = #map}]} {
    %mul3A = arith.constant 16 : i32
    %mul3A_0 = arith.muli %arg0, %mul3A : i32
    %add3A = arith.addi %mul3A_0, %arg1 : i32
    %broadcast_in_dim3A = arith.constant 0.000000e+00 : f32
    %broadcast_in_dim3A_1 = vector.broadcast %broadcast_in_dim3A : f32 to vector<16xf32>
    %broadcast_in_dim3A_2 = arith.constant 0 : i32
    %broadcast_in_dim3A_3 = vector.broadcast %broadcast_in_dim3A_2 : i32 to vector<16xi32>
    %iota3A = tpu.iota {dimensions = array<i32: 0>} : vector<16xi32>
    %mul3A_4 = arith.constant 32 : i32
    %mul3A_5 = arith.muli %arg0, %mul3A_4 : i32
    %add3A_6 = arith.addi %mul3A_5, %arg1 : i32
    %add3A_7 = arith.constant 16 : i32
    %add3A_8 = arith.addi %add3A_6, %add3A_7 : i32
    %scan3A = arith.constant 0 : i32
    %scan3A_9 = arith.constant 0 : i32
    %scan3A_10 = arith.constant 4096 : i32
    %scan3A_11 = arith.addi %scan3A_9, %scan3A_10 : i32
    %scan3A_12 = arith.constant 1 : i32
    %scan3A_13 = scf.for %scan3A_69 = %scan3A_9 to %scan3A_11 step %scan3A_12 iter_args(%scan3A_70 = %scan3A) -> (i32)  : i32 {
      %mul3A_71 = arith.constant 16 : i32
      %mul3A_72 = arith.muli %scan3A_69, %mul3A_71 : i32
      %swap3A = arith.index_cast %mul3A_72 : i32 to index
      %swap3A_73 = tpu.vector_load %arg10[%swap3A] {strides = array<i32>} : memref<65536xf32, #tpu.memory_space<vmem>>, vector<16xf32>,
      tpu.vector_store %arg10[%swap3A], %broadcast_in_dim3A_1 {strides = array<i32>} : memref<65536xf32, #tpu.memory_space<vmem>>, vector<16xf32>,
      %scan3A_74 = arith.constant 0 : i32
      scf.yield %scan3A_74 : i32
    }
    %scan3A_14 = arith.constant 4096 : i32
    %scan3A_15 = arith.constant 0 : i32
    %scan3A_16 = arith.constant 0 : i32
    %scan3A_17 = arith.constant 132 : i32
    %scan3A_18 = arith.addi %scan3A_16, %scan3A_17 : i32
    %scan3A_19 = arith.constant 1 : i32
    %scan3A_20 = scf.for %scan3A_69 = %scan3A_16 to %scan3A_18 step %scan3A_19 iter_args(%scan3A_70 = %scan3A_15) -> (i32)  : i32 {
      %mul3A_71 = arith.constant 2048 : i32
      %mul3A_72 = arith.muli %scan3A_69, %mul3A_71 : i32
      %multiple_of3A_73 = tpu.assume_multiple %mul3A_72, 2048 : i32
      "tpu.region"() ({
        %run_scoped3A = tpu.sem_alloc : memref<!tpu.dma_semaphore, #tpu.memory_space<semaphore_mem>>
        %dma_start3A = tpu.memref_slice %arg3[%multiple_of3A_73] : memref<270336xi32, #tpu.memory_space<hbm>> -> memref<2048xi32, #tpu.memory_space<hbm>>
        %dma_start3A_261 = tpu.memref_slice %arg3[%multiple_of3A_73] : memref<270336xi32, #tpu.memory_space<hbm>> -> memref<2048xi32, #tpu.memory_space<hbm>>
        tpu.enqueue_dma source(%dma_start3A_261 : memref<2048xi32, #tpu.memory_space<hbm>>) target(%arg11 : memref<2048xi32, #tpu.memory_space<vmem>>) target_semaphore(%run_scoped3A : memref<!tpu.dma_semaphore, #tpu.memory_space<semaphore_mem>>)
        %dma_wait3A = tpu.memref_slice %arg3[%multiple_of3A_73] : memref<270336xi32, #tpu.memory_space<hbm>> -> memref<2048xi32, #tpu.memory_space<hbm>>
        %dma_wait3A_262 = tpu.memref_slice %arg3[%multiple_of3A_73] : memref<270336xi32, #tpu.memory_space<hbm>> -> memref<2048xi32, #tpu.memory_space<hbm>>
        tpu.wait_dma2 semaphore(%run_scoped3A : memref<!tpu.dma_semaphore, #tpu.memory_space<semaphore_mem>>) src(%dma_wait3A_262 : memref<2048xi32, #tpu.memory_space<hbm>>) dst(%arg11 : memref<2048xi32, #tpu.memory_space<vmem>>)
        tpu.yield
      }) : () -> ()
      "tpu.region"() ({
        %run_scoped3A = tpu.sem_alloc : memref<!tpu.dma_semaphore, #tpu.memory_space<semaphore_mem>>
        %dma_start3A = tpu.memref_slice %arg4[%multiple_of3A_73] : memref<270336xi32, #tpu.memory_space<hbm>> -> memref<2048xi32, #tpu.memory_space<hbm>>
        %dma_start3A_261 = tpu.memref_slice %arg4[%multiple_of3A_73] : memref<270336xi32, #tpu.memory_space<hbm>> -> memref<2048xi32, #tpu.memory_space<hbm>>
        tpu.enqueue_dma source(%dma_start3A_261 : memref<2048xi32, #tpu.memory_space<hbm>>) target(%arg12 : memref<2048xi32, #tpu.memory_space<vmem>>) target_semaphore(%run_scoped3A : memref<!tpu.dma_semaphore, #tpu.memory_space<semaphore_mem>>)
        %dma_wait3A = tpu.memref_slice %arg4[%multiple_of3A_73] : memref<270336xi32, #tpu.memory_space<hbm>> -> memref<2048xi32, #tpu.memory_space<hbm>>
        %dma_wait3A_262 = tpu.memref_slice %arg4[%multiple_of3A_73] : memref<270336xi32, #tpu.memory_space<hbm>> -> memref<2048xi32, #tpu.memory_space<hbm>>
        tpu.wait_dma2 semaphore(%run_scoped3A : memref<!tpu.dma_semaphore, #tpu.memory_space<semaphore_mem>>) src(%dma_wait3A_262 : memref<2048xi32, #tpu.memory_space<hbm>>) dst(%arg12 : memref<2048xi32, #tpu.memory_space<vmem>>)
        tpu.yield
      }) : () -> ()
      "tpu.region"() ({
        %run_scoped3A = tpu.sem_alloc : memref<!tpu.dma_semaphore, #tpu.memory_space<semaphore_mem>>
        %dma_start3A = tpu.memref_slice %arg5[%multiple_of3A_73] : memref<270336xf32, #tpu.memory_space<hbm>> -> memref<2048xf32, #tpu.memory_space<hbm>>
        %dma_start3A_261 = tpu.memref_slice %arg5[%multiple_of3A_73] : memref<270336xf32, #tpu.memory_space<hbm>> -> memref<2048xf32, #tpu.memory_space<hbm>>
        tpu.enqueue_dma source(%dma_start3A_261 : memref<2048xf32, #tpu.memory_space<hbm>>) target(%arg13 : memref<2048xf32, #tpu.memory_space<vmem>>) target_semaphore(%run_scoped3A : memref<!tpu.dma_semaphore, #tpu.memory_space<semaphore_mem>>)
        %dma_wait3A = tpu.memref_slice %arg5[%multiple_of3A_73] : memref<270336xf32, #tpu.memory_space<hbm>> -> memref<2048xf32, #tpu.memory_space<hbm>>
        %dma_wait3A_262 = tpu.memref_slice %arg5[%multiple_of3A_73] : memref<270336xf32, #tpu.memory_space<hbm>> -> memref<2048xf32, #tpu.memory_space<hbm>>
        tpu.wait_dma2 semaphore(%run_scoped3A : memref<!tpu.dma_semaphore, #tpu.memory_space<semaphore_mem>>) src(%dma_wait3A_262 : memref<2048xf32, #tpu.memory_space<hbm>>) dst(%arg13 : memref<2048xf32, #tpu.memory_space<vmem>>)
        tpu.yield
      }) : () -> ()
      %scan3A_74 = arith.constant 0 : i32
      %scan3A_75 = arith.constant 0 : i32
      %scan3A_76 = arith.constant 0 : i32
      %scan3A_77 = arith.constant 128 : i32
      %scan3A_78 = arith.addi %scan3A_76, %scan3A_77 : i32
      %scan3A_79 = arith.constant 1 : i32
      %scan3A_80:2 = scf.for %scan3A_261 = %scan3A_76 to %scan3A_78 step %scan3A_79 iter_args(%scan3A_262 = %scan3A_74, %scan3A_263 = %scan3A_75) -> (i32, i32)  : i32 {
        %mul3A_264 = arith.constant 16 : i32
        %mul3A_265 = arith.muli %scan3A_261, %mul3A_264 : i32
        %get3A = arith.index_cast %mul3A_265 : i32 to index
        %get3A_266 = tpu.vector_load %arg11[%get3A] {strides = array<i32>} : memref<2048xi32, #tpu.memory_space<vmem>>, vector<16xi32>,
        %mul3A_267 = arith.constant 16 : i32
        %mul3A_268 = arith.muli %scan3A_261, %mul3A_267 : i32
        %get3A_269 = arith.index_cast %mul3A_268 : i32 to index
        %get3A_270 = tpu.vector_load %arg12[%get3A_269] {strides = array<i32>} : memref<2048xi32, #tpu.memory_space<vmem>>, vector<16xi32>,
        %mul3A_271 = arith.constant 16 : i32
        %mul3A_272 = arith.muli %scan3A_261, %mul3A_271 : i32
        %get3A_273 = arith.index_cast %mul3A_272 : i32 to index
        %get3A_274 = tpu.vector_load %arg13[%get3A_273] {strides = array<i32>} : memref<2048xf32, #tpu.memory_space<vmem>>, vector<16xf32>,
        %shift_right_logical3A = arith.constant 8 : i32
        %shift_right_logical3A_275 = vector.broadcast %shift_right_logical3A : i32 to vector<16xi32>
        %shift_right_logical3A_276 = arith.shrui %get3A_266, %shift_right_logical3A_275 : vector<16xi32>
        %and3A_277 = arith.constant 255 : i32
        %and3A_278 = vector.broadcast %and3A_277 : i32 to vector<16xi32>
        %and3A_279 = arith.andi %get3A_266, %and3A_278 : vector<16xi32>
        %eq3A = vector.broadcast %add3A_6 : i32 to vector<16xi32>
        %eq3A_280 = arith.cmpi eq, %shift_right_logical3A_276, %eq3A : vector<16xi32>
        %eq3A_281 = vector.broadcast %add3A_8 : i32 to vector<16xi32>
        %eq3A_282 = arith.cmpi eq, %shift_right_logical3A_276, %eq3A_281 : vector<16xi32>
        %convert_element_type3A = arith.extui %eq3A_280 : vector<16xi1> to vector<16xi32>
        %convert_element_type3A_283 = arith.extui %eq3A_282 : vector<16xi1> to vector<16xi32>
        %broadcast_in_dim3A_284 = arith.constant true
        %broadcast_in_dim3A_285 = vector.broadcast %broadcast_in_dim3A_284 : i1 to vector<16xi1>
        %masked_cumsum3A = tpu.scan <sum>, %convert_element_type3A masked %broadcast_in_dim3A_285 : vector<16xi32>, vector<16xi1> -> vector<16xi32>
        %add3A_286 = vector.broadcast %scan3A_262 : i32 to vector<16xi32>
        %add3A_287 = arith.addi %add3A_286, %masked_cumsum3A : vector<16xi32>
        %sub3A_288 = arith.constant 1 : i32
        %sub3A_289 = vector.broadcast %sub3A_288 : i32 to vector<16xi32>
        %sub3A_290 = arith.subi %add3A_287, %sub3A_289 : vector<16xi32>
        %broadcast_in_dim3A_291 = arith.constant true
        %broadcast_in_dim3A_292 = vector.broadcast %broadcast_in_dim3A_291 : i1 to vector<16xi1>
        %masked_cumsum3A_293 = tpu.scan <sum>, %convert_element_type3A_283 masked %broadcast_in_dim3A_292 : vector<16xi32>, vector<16xi1> -> vector<16xi32>
        %add3A_294 = vector.broadcast %scan3A_263 : i32 to vector<16xi32>
        %add3A_295 = arith.addi %add3A_294, %masked_cumsum3A_293 : vector<16xi32>
        %sub3A_296 = arith.constant 1 : i32
        %sub3A_297 = vector.broadcast %sub3A_296 : i32 to vector<16xi32>
        %sub3A_298 = arith.subi %add3A_295, %sub3A_297 : vector<16xi32>
        tpu.vector_store_idx %arg15[%sub3A_290], %get3A_270 masked %eq3A_280 : memref<2112xi32, #tpu.memory_space<vmem>>[vector<16xi32>], vector<16xi32>, vector<16xi1>
        tpu.vector_store_idx %arg14[%sub3A_290], %and3A_279 masked %eq3A_280 : memref<2112xi32, #tpu.memory_space<vmem>>[vector<16xi32>], vector<16xi32>, vector<16xi1>
        tpu.vector_store_idx %arg16[%sub3A_290], %get3A_274 masked %eq3A_280 : memref<2112xf32, #tpu.memory_space<vmem>>[vector<16xi32>], vector<16xf32>, vector<16xi1>
        tpu.vector_store_idx %arg18[%sub3A_298], %get3A_270 masked %eq3A_282 : memref<2112xi32, #tpu.memory_space<vmem>>[vector<16xi32>], vector<16xi32>, vector<16xi1>
        tpu.vector_store_idx %arg17[%sub3A_298], %and3A_279 masked %eq3A_282 : memref<2112xi32, #tpu.memory_space<vmem>>[vector<16xi32>], vector<16xi32>, vector<16xi1>
        tpu.vector_store_idx %arg19[%sub3A_298], %get3A_274 masked %eq3A_282 : memref<2112xf32, #tpu.memory_space<vmem>>[vector<16xi32>], vector<16xf32>, vector<16xi1>
        %reduce_sum3A = arith.constant true
        %reduce_sum3A_299 = vector.broadcast %reduce_sum3A : i1 to vector<16xi1>
        %reduce_sum3A_300 = tpu.scan <sum>, %convert_element_type3A masked %reduce_sum3A_299 : vector<16xi32>, vector<16xi1> -> vector<16xi32>
        %reduce_sum3A_301 = vector.extract %reduce_sum3A_300[15] : i32 from vector<16xi32>
        %add3A_302 = arith.addi %scan3A_262, %reduce_sum3A_301 : i32
        %reduce_sum3A_303 = arith.constant true
        %reduce_sum3A_304 = vector.broadcast %reduce_sum3A_303 : i1 to vector<16xi1>
        %reduce_sum3A_305 = tpu.scan <sum>, %convert_element_type3A_283 masked %reduce_sum3A_304 : vector<16xi32>, vector<16xi1> -> vector<16xi32>
        %reduce_sum3A_306 = vector.extract %reduce_sum3A_305[15] : i32 from vector<16xi32>
        %add3A_307 = arith.addi %scan3A_263, %reduce_sum3A_306 : i32
        scf.yield %add3A_302, %add3A_307 : i32, i32
      }
      %scan3A_81 = arith.constant 128 : i32
      %add3A_82 = arith.constant 0 : i32
      %add3A_83 = arith.addi %scan3A_80#0, %add3A_82 : i32
      %add3A_84 = vector.broadcast %add3A_83 : i32 to vector<16xi32>
      %add3A_85 = arith.addi %add3A_84, %iota3A : vector<16xi32>
      tpu.vector_store_idx %arg15[%add3A_85], %broadcast_in_dim3A_3 : memref<2112xi32, #tpu.memory_space<vmem>>[vector<16xi32>], vector<16xi32>,
      %add3A_86 = arith.constant 0 : i32
      %add3A_87 = arith.addi %scan3A_80#0, %add3A_86 : i32
      %add3A_88 = vector.broadcast %add3A_87 : i32 to vector<16xi32>
      %add3A_89 = arith.addi %add3A_88, %iota3A : vector<16xi32>
      tpu.vector_store_idx %arg14[%add3A_89], %broadcast_in_dim3A_3 : memref<2112xi32, #tpu.memory_space<vmem>>[vector<16xi32>], vector<16xi32>,
      %add3A_90 = arith.constant 0 : i32
      %add3A_91 = arith.addi %scan3A_80#0, %add3A_90 : i32
      %add3A_92 = vector.broadcast %add3A_91 : i32 to vector<16xi32>
      %add3A_93 = arith.addi %add3A_92, %iota3A : vector<16xi32>
      tpu.vector_store_idx %arg16[%add3A_93], %broadcast_in_dim3A_1 : memref<2112xf32, #tpu.memory_space<vmem>>[vector<16xi32>], vector<16xf32>,
      %add3A_94 = arith.constant 16 : i32
      %add3A_95 = arith.addi %scan3A_80#0, %add3A_94 : i32
      %add3A_96 = vector.broadcast %add3A_95 : i32 to vector<16xi32>
      %add3A_97 = arith.addi %add3A_96, %iota3A : vector<16xi32>
      tpu.vector_store_idx %arg15[%add3A_97], %broadcast_in_dim3A_3 : memref<2112xi32, #tpu.memory_space<vmem>>[vector<16xi32>], vector<16xi32>,
      %add3A_98 = arith.constant 16 : i32
      %add3A_99 = arith.addi %scan3A_80#0, %add3A_98 : i32
      %add3A_100 = vector.broadcast %add3A_99 : i32 to vector<16xi32>
      %add3A_101 = arith.addi %add3A_100, %iota3A : vector<16xi32>
      tpu.vector_store_idx %arg14[%add3A_101], %broadcast_in_dim3A_3 : memref<2112xi32, #tpu.memory_space<vmem>>[vector<16xi32>], vector<16xi32>,
      %add3A_102 = arith.constant 16 : i32
      %add3A_103 = arith.addi %scan3A_80#0, %add3A_102 : i32
      %add3A_104 = vector.broadcast %add3A_103 : i32 to vector<16xi32>
      %add3A_105 = arith.addi %add3A_104, %iota3A : vector<16xi32>
      tpu.vector_store_idx %arg16[%add3A_105], %broadcast_in_dim3A_1 : memref<2112xf32, #tpu.memory_space<vmem>>[vector<16xi32>], vector<16xf32>,
      %add3A_106 = arith.constant 32 : i32
      %add3A_107 = arith.addi %scan3A_80#0, %add3A_106 : i32
      %add3A_108 = vector.broadcast %add3A_107 : i32 to vector<16xi32>
      %add3A_109 = arith.addi %add3A_108, %iota3A : vector<16xi32>
      tpu.vector_store_idx %arg15[%add3A_109], %broadcast_in_dim3A_3 : memref<2112xi32, #tpu.memory_space<vmem>>[vector<16xi32>], vector<16xi32>,
      %add3A_110 = arith.constant 32 : i32
      %add3A_111 = arith.addi %scan3A_80#0, %add3A_110 : i32
      %add3A_112 = vector.broadcast %add3A_111 : i32 to vector<16xi32>
      %add3A_113 = arith.addi %add3A_112, %iota3A : vector<16xi32>
      tpu.vector_store_idx %arg14[%add3A_113], %broadcast_in_dim3A_3 : memref<2112xi32, #tpu.memory_space<vmem>>[vector<16xi32>], vector<16xi32>,
      %add3A_114 = arith.constant 32 : i32
      %add3A_115 = arith.addi %scan3A_80#0, %add3A_114 : i32
      %add3A_116 = vector.broadcast %add3A_115 : i32 to vector<16xi32>
      %add3A_117 = arith.addi %add3A_116, %iota3A : vector<16xi32>
      tpu.vector_store_idx %arg16[%add3A_117], %broadcast_in_dim3A_1 : memref<2112xf32, #tpu.memory_space<vmem>>[vector<16xi32>], vector<16xf32>,
      %add3A_118 = arith.constant 48 : i32
      %add3A_119 = arith.addi %scan3A_80#0, %add3A_118 : i32
      %add3A_120 = vector.broadcast %add3A_119 : i32 to vector<16xi32>
      %add3A_121 = arith.addi %add3A_120, %iota3A : vector<16xi32>
      tpu.vector_store_idx %arg15[%add3A_121], %broadcast_in_dim3A_3 : memref<2112xi32, #tpu.memory_space<vmem>>[vector<16xi32>], vector<16xi32>,
      %add3A_122 = arith.constant 48 : i32
      %add3A_123 = arith.addi %scan3A_80#0, %add3A_122 : i32
      %add3A_124 = vector.broadcast %add3A_123 : i32 to vector<16xi32>
      %add3A_125 = arith.addi %add3A_124, %iota3A : vector<16xi32>
      tpu.vector_store_idx %arg14[%add3A_125], %broadcast_in_dim3A_3 : memref<2112xi32, #tpu.memory_space<vmem>>[vector<16xi32>], vector<16xi32>,
      %add3A_126 = arith.constant 48 : i32
      %add3A_127 = arith.addi %scan3A_80#0, %add3A_126 : i32
      %add3A_128 = vector.broadcast %add3A_127 : i32 to vector<16xi32>
      %add3A_129 = arith.addi %add3A_128, %iota3A : vector<16xi32>
      tpu.vector_store_idx %arg16[%add3A_129], %broadcast_in_dim3A_1 : memref<2112xf32, #tpu.memory_space<vmem>>[vector<16xi32>], vector<16xf32>,
      %add3A_130 = arith.constant 64 : i32
      %add3A_131 = arith.addi %scan3A_80#0, %add3A_130 : i32
      %sub3A_132 = arith.constant 1 : i32
      %sub3A_133 = arith.subi %add3A_131, %sub3A_132 : i32
      %jit3A_134 = arith.constant 64 : i32
      %div3A_135 = arith.divsi %sub3A_133, %jit3A_134 : i32
      %sign3A_136 = arith.constant 0 : i32
      %sign3A_137 = arith.cmpi sgt, %sub3A_133, %sign3A_136 : i32
      %sign3A_138 = arith.extui %sign3A_137 : i1 to i32
      %sign3A_139 = arith.constant 0 : i32
      %sign3A_140 = arith.cmpi slt, %sub3A_133, %sign3A_139 : i32
      %sign3A_141 = arith.extui %sign3A_140 : i1 to i32
      %sign3A_142 = arith.subi %sign3A_138, %sign3A_141 : i32
      %sign3A_143 = arith.constant 0 : i32
      %sign3A_144 = arith.cmpi sgt, %jit3A_134, %sign3A_143 : i32
      %sign3A_145 = arith.extui %sign3A_144 : i1 to i32
      %sign3A_146 = arith.constant 0 : i32
      %sign3A_147 = arith.cmpi slt, %jit3A_134, %sign3A_146 : i32
      %sign3A_148 = arith.extui %sign3A_147 : i1 to i32
      %sign3A_149 = arith.subi %sign3A_145, %sign3A_148 : i32
      %ne3A_150 = arith.cmpi ne, %sign3A_142, %sign3A_149 : i32
      %rem3A_151 = arith.remsi %sub3A_133, %jit3A_134 : i32
      %ne3A_152 = arith.constant 0 : i32
      %ne3A_153 = arith.cmpi ne, %rem3A_151, %ne3A_152 : i32
      %and3A_154 = arith.andi %ne3A_150, %ne3A_153 : i1
      %sub3A_155 = arith.constant 1 : i32
      %sub3A_156 = arith.subi %div3A_135, %sub3A_155 : i32
      %select_n3A_157 = arith.select %and3A_154, %sub3A_156, %div3A_135 : i32
      %while3A_158 = arith.constant 0 : i32
      %while3A_159 = arith.constant 0 : i32
      %while3A_160 = arith.subi %select_n3A_157, %while3A_158 : i32
      %while3A_161 = arith.addi %while3A_158, %while3A_160 : i32
      %while3A_162 = arith.constant 1 : i32
      %while3A_163 = arith.divsi %while3A_160, %while3A_162 : i32
      %while3A_164 = arith.muli %while3A_163, %while3A_162 : i32
      %while3A_165 = arith.addi %while3A_158, %while3A_164 : i32
      %while3A_166 = arith.constant 1 : i32
      %while3A_167 = scf.for %while3A_261 = %while3A_158 to %while3A_165 step %while3A_166 iter_args(%while3A_262 = %while3A_159) -> (i32)  : i32 {
        %mul3A_263 = arith.constant 64 : i32
        %mul3A_264 = arith.muli %while3A_261, %mul3A_263 : i32
        %multiple_of3A_265 = tpu.assume_multiple %mul3A_264, 64 : i32
        %dma_start3A = tpu.memref_slice %arg15[%multiple_of3A_265] : memref<2112xi32, #tpu.memory_space<vmem>> -> memref<64xi32, #tpu.memory_space<vmem>>
        %dma_start3A_266 = arith.constant 0 : i32
        %dma_start3A_267 = arith.constant 0 : i32
        %dma_start3A_268 = tpu.memref_slice %arg2[%dma_start3A_266, %dma_start3A_267] : memref<16384x256xf32, #tpu.memory_space<hbm>> -> memref<16384x256xf32, #tpu.memory_space<hbm>>
        tpu.enqueue_indirect_dma source(%dma_start3A_268 : memref<16384x256xf32, #tpu.memory_space<hbm>>) target(%arg20 : memref<64x256xf32, #tpu.memory_space<vmem>>) offsets(%dma_start3A : memref<64xi32, #tpu.memory_space<vmem>>) semaphore(%arg21 : memref<!tpu.dma_semaphore, #tpu.memory_space<semaphore_mem>>)
        %dma_wait3A = tpu.memref_slice %arg15[%multiple_of3A_265] : memref<2112xi32, #tpu.memory_space<vmem>> -> memref<64xi32, #tpu.memory_space<vmem>>
        %dma_wait3A_269 = arith.constant 0 : i32
        %dma_wait3A_270 = arith.constant 0 : i32
        %dma_wait3A_271 = tpu.memref_slice %arg2[%dma_wait3A_269, %dma_wait3A_270] : memref<16384x256xf32, #tpu.memory_space<hbm>> -> memref<16384x256xf32, #tpu.memory_space<hbm>>
        tpu.wait_indirect_dma semaphore(%arg21 : memref<!tpu.dma_semaphore, #tpu.memory_space<semaphore_mem>>) src(%dma_wait3A_271 : memref<16384x256xf32, #tpu.memory_space<hbm>>) dst(%arg20 : memref<64x256xf32, #tpu.memory_space<vmem>>)
        %scan3A_272 = arith.constant 0 : i32
        %scan3A_273 = arith.constant 0 : i32
        %scan3A_274 = arith.constant 64 : i32
        %scan3A_275 = arith.addi %scan3A_273, %scan3A_274 : i32
        %scan3A_276 = arith.constant 1 : i32
        %scan3A_277 = scf.for %scan3A_280 = %scan3A_273 to %scan3A_275 step %scan3A_276 iter_args(%scan3A_281 = %scan3A_272) -> (i32)  : i32 {
          %add3A_282 = arith.addi %multiple_of3A_265, %scan3A_280 : i32
          %broadcast_in_dim3A_283 = vector.broadcast %add3A_282 : i32 to vector<16xi32>
          %gather3A = tpu.vector_load_idx %arg14[%broadcast_in_dim3A_283] : memref<2112xi32, #tpu.memory_space<vmem>>[vector<16xi32>], vector<16xi32>,
          %gather3A_284 = tpu.vector_load_idx %arg16[%broadcast_in_dim3A_283] : memref<2112xf32, #tpu.memory_space<vmem>>[vector<16xi32>], vector<16xf32>,
          %mul3A_285 = arith.constant 256 : i32
          %mul3A_286 = vector.broadcast %mul3A_285 : i32 to vector<16xi32>
          %mul3A_287 = arith.muli %gather3A, %mul3A_286 : vector<16xi32>
          %add3A_288 = arith.addi %mul3A_287, %iota3A : vector<16xi32>
          %get3A = arith.index_cast %scan3A_280 : i32 to index
          %get3A_289 = arith.constant 0 : index
          %get3A_290 = tpu.vector_load %arg20[%get3A, %get3A_289] {strides = array<i32>} : memref<64x256xf32, #tpu.memory_space<vmem>>, vector<16xf32>,
          %add3A_291 = arith.constant 0 : i32
          %add3A_292 = vector.broadcast %add3A_291 : i32 to vector<16xi32>
          %add3A_293 = arith.addi %add3A_288, %add3A_292 : vector<16xi32>
          %mul3A_294 = arith.mulf %get3A_290, %gather3A_284 : vector<16xf32>
          tpu.vector_store_idx %arg10[%add3A_293], %mul3A_294 {add = true} : memref<65536xf32, #tpu.memory_space<vmem>>[vector<16xi32>], vector<16xf32>,
          %get3A_295 = arith.index_cast %scan3A_280 : i32 to index
          %get3A_296 = arith.constant 16 : index
          %get3A_297 = tpu.vector_load %arg20[%get3A_295, %get3A_296] {strides = array<i32>} : memref<64x256xf32, #tpu.memory_space<vmem>>, vector<16xf32>,
          %add3A_298 = arith.constant 16 : i32
          %add3A_299 = vector.broadcast %add3A_298 : i32 to vector<16xi32>
          %add3A_300 = arith.addi %add3A_288, %add3A_299 : vector<16xi32>
          %mul3A_301 = arith.mulf %get3A_297, %gather3A_284 : vector<16xf32>
          tpu.vector_store_idx %arg10[%add3A_300], %mul3A_301 {add = true} : memref<65536xf32, #tpu.memory_space<vmem>>[vector<16xi32>], vector<16xf32>,
          %get3A_302 = arith.index_cast %scan3A_280 : i32 to index
          %get3A_303 = arith.constant 32 : index
          %get3A_304 = tpu.vector_load %arg20[%get3A_302, %get3A_303] {strides = array<i32>} : memref<64x256xf32, #tpu.memory_space<vmem>>, vector<16xf32>,
          %add3A_305 = arith.constant 32 : i32
          %add3A_306 = vector.broadcast %add3A_305 : i32 to vector<16xi32>
          %add3A_307 = arith.addi %add3A_288, %add3A_306 : vector<16xi32>
          %mul3A_308 = arith.mulf %get3A_304, %gather3A_284 : vector<16xf32>
          tpu.vector_store_idx %arg10[%add3A_307], %mul3A_308 {add = true} : memref<65536xf32, #tpu.memory_space<vmem>>[vector<16xi32>], vector<16xf32>,
          %get3A_309 = arith.index_cast %scan3A_280 : i32 to index
          %get3A_310 = arith.constant 48 : index
          %get3A_311 = tpu.vector_load %arg20[%get3A_309, %get3A_310] {strides = array<i32>} : memref<64x256xf32, #tpu.memory_space<vmem>>, vector<16xf32>,
          %add3A_312 = arith.constant 48 : i32
          %add3A_313 = vector.broadcast %add3A_312 : i32 to vector<16xi32>
          %add3A_314 = arith.addi %add3A_288, %add3A_313 : vector<16xi32>
          %mul3A_315 = arith.mulf %get3A_311, %gather3A_284 : vector<16xf32>
          tpu.vector_store_idx %arg10[%add3A_314], %mul3A_315 {add = true} : memref<65536xf32, #tpu.memory_space<vmem>>[vector<16xi32>], vector<16xf32>,
          %get3A_316 = arith.index_cast %scan3A_280 : i32 to index
          %get3A_317 = arith.constant 64 : index
          %get3A_318 = tpu.vector_load %arg20[%get3A_316, %get3A_317] {strides = array<i32>} : memref<64x256xf32, #tpu.memory_space<vmem>>, vector<16xf32>,
          %add3A_319 = arith.constant 64 : i32
          %add3A_320 = vector.broadcast %add3A_319 : i32 to vector<16xi32>
          %add3A_321 = arith.addi %add3A_288, %add3A_320 : vector<16xi32>
          %mul3A_322 = arith.mulf %get3A_318, %gather3A_284 : vector<16xf32>
          tpu.vector_store_idx %arg10[%add3A_321], %mul3A_322 {add = true} : memref<65536xf32, #tpu.memory_space<vmem>>[vector<16xi32>], vector<16xf32>,
          %get3A_323 = arith.index_cast %scan3A_280 : i32 to index
          %get3A_324 = arith.constant 80 : index
          %get3A_325 = tpu.vector_load %arg20[%get3A_323, %get3A_324] {strides = array<i32>} : memref<64x256xf32, #tpu.memory_space<vmem>>, vector<16xf32>,
          %add3A_326 = arith.constant 80 : i32
          %add3A_327 = vector.broadcast %add3A_326 : i32 to vector<16xi32>
          %add3A_328 = arith.addi %add3A_288, %add3A_327 : vector<16xi32>
          %mul3A_329 = arith.mulf %get3A_325, %gather3A_284 : vector<16xf32>
          tpu.vector_store_idx %arg10[%add3A_328], %mul3A_329 {add = true} : memref<65536xf32, #tpu.memory_space<vmem>>[vector<16xi32>], vector<16xf32>,
          %get3A_330 = arith.index_cast %scan3A_280 : i32 to index
          %get3A_331 = arith.constant 96 : index
          %get3A_332 = tpu.vector_load %arg20[%get3A_330, %get3A_331] {strides = array<i32>} : memref<64x256xf32, #tpu.memory_space<vmem>>, vector<16xf32>,
          %add3A_333 = arith.constant 96 : i32
          %add3A_334 = vector.broadcast %add3A_333 : i32 to vector<16xi32>
          %add3A_335 = arith.addi %add3A_288, %add3A_334 : vector<16xi32>
          %mul3A_336 = arith.mulf %get3A_332, %gather3A_284 : vector<16xf32>
          tpu.vector_store_idx %arg10[%add3A_335], %mul3A_336 {add = true} : memref<65536xf32, #tpu.memory_space<vmem>>[vector<16xi32>], vector<16xf32>,
          %get3A_337 = arith.index_cast %scan3A_280 : i32 to index
          %get3A_338 = arith.constant 112 : index
          %get3A_339 = tpu.vector_load %arg20[%get3A_337, %get3A_338] {strides = array<i32>} : memref<64x256xf32, #tpu.memory_space<vmem>>, vector<16xf32>,
          %add3A_340 = arith.constant 112 : i32
          %add3A_341 = vector.broadcast %add3A_340 : i32 to vector<16xi32>
          %add3A_342 = arith.addi %add3A_288, %add3A_341 : vector<16xi32>
          %mul3A_343 = arith.mulf %get3A_339, %gather3A_284 : vector<16xf32>
          tpu.vector_store_idx %arg10[%add3A_342], %mul3A_343 {add = true} : memref<65536xf32, #tpu.memory_space<vmem>>[vector<16xi32>], vector<16xf32>,
          %get3A_344 = arith.index_cast %scan3A_280 : i32 to index
          %get3A_345 = arith.constant 128 : index
          %get3A_346 = tpu.vector_load %arg20[%get3A_344, %get3A_345] {strides = array<i32>} : memref<64x256xf32, #tpu.memory_space<vmem>>, vector<16xf32>,
          %add3A_347 = arith.constant 128 : i32
          %add3A_348 = vector.broadcast %add3A_347 : i32 to vector<16xi32>
          %add3A_349 = arith.addi %add3A_288, %add3A_348 : vector<16xi32>
          %mul3A_350 = arith.mulf %get3A_346, %gather3A_284 : vector<16xf32>
          tpu.vector_store_idx %arg10[%add3A_349], %mul3A_350 {add = true} : memref<65536xf32, #tpu.memory_space<vmem>>[vector<16xi32>], vector<16xf32>,
          %get3A_351 = arith.index_cast %scan3A_280 : i32 to index
          %get3A_352 = arith.constant 144 : index
          %get3A_353 = tpu.vector_load %arg20[%get3A_351, %get3A_352] {strides = array<i32>} : memref<64x256xf32, #tpu.memory_space<vmem>>, vector<16xf32>,
          %add3A_354 = arith.constant 144 : i32
          %add3A_355 = vector.broadcast %add3A_354 : i32 to vector<16xi32>
          %add3A_356 = arith.addi %add3A_288, %add3A_355 : vector<16xi32>
          %mul3A_357 = arith.mulf %get3A_353, %gather3A_284 : vector<16xf32>
          tpu.vector_store_idx %arg10[%add3A_356], %mul3A_357 {add = true} : memref<65536xf32, #tpu.memory_space<vmem>>[vector<16xi32>], vector<16xf32>,
          %get3A_358 = arith.index_cast %scan3A_280 : i32 to index
          %get3A_359 = arith.constant 160 : index
          %get3A_360 = tpu.vector_load %arg20[%get3A_358, %get3A_359] {strides = array<i32>} : memref<64x256xf32, #tpu.memory_space<vmem>>, vector<16xf32>,
          %add3A_361 = arith.constant 160 : i32
          %add3A_362 = vector.broadcast %add3A_361 : i32 to vector<16xi32>
          %add3A_363 = arith.addi %add3A_288, %add3A_362 : vector<16xi32>
          %mul3A_364 = arith.mulf %get3A_360, %gather3A_284 : vector<16xf32>
          tpu.vector_store_idx %arg10[%add3A_363], %mul3A_364 {add = true} : memref<65536xf32, #tpu.memory_space<vmem>>[vector<16xi32>], vector<16xf32>,
          %get3A_365 = arith.index_cast %scan3A_280 : i32 to index
          %get3A_366 = arith.constant 176 : index
          %get3A_367 = tpu.vector_load %arg20[%get3A_365, %get3A_366] {strides = array<i32>} : memref<64x256xf32, #tpu.memory_space<vmem>>, vector<16xf32>,
          %add3A_368 = arith.constant 176 : i32
          %add3A_369 = vector.broadcast %add3A_368 : i32 to vector<16xi32>
          %add3A_370 = arith.addi %add3A_288, %add3A_369 : vector<16xi32>
          %mul3A_371 = arith.mulf %get3A_367, %gather3A_284 : vector<16xf32>
          tpu.vector_store_idx %arg10[%add3A_370], %mul3A_371 {add = true} : memref<65536xf32, #tpu.memory_space<vmem>>[vector<16xi32>], vector<16xf32>,
          %get3A_372 = arith.index_cast %scan3A_280 : i32 to index
          %get3A_373 = arith.constant 192 : index
          %get3A_374 = tpu.vector_load %arg20[%get3A_372, %get3A_373] {strides = array<i32>} : memref<64x256xf32, #tpu.memory_space<vmem>>, vector<16xf32>,
          %add3A_375 = arith.constant 192 : i32
          %add3A_376 = vector.broadcast %add3A_375 : i32 to vector<16xi32>
          %add3A_377 = arith.addi %add3A_288, %add3A_376 : vector<16xi32>
          %mul3A_378 = arith.mulf %get3A_374, %gather3A_284 : vector<16xf32>
          tpu.vector_store_idx %arg10[%add3A_377], %mul3A_378 {add = true} : memref<65536xf32, #tpu.memory_space<vmem>>[vector<16xi32>], vector<16xf32>,
          %get3A_379 = arith.index_cast %scan3A_280 : i32 to index
          %get3A_380 = arith.constant 208 : index
          %get3A_381 = tpu.vector_load %arg20[%get3A_379, %get3A_380] {strides = array<i32>} : memref<64x256xf32, #tpu.memory_space<vmem>>, vector<16xf32>,
          %add3A_382 = arith.constant 208 : i32
          %add3A_383 = vector.broadcast %add3A_382 : i32 to vector<16xi32>
          %add3A_384 = arith.addi %add3A_288, %add3A_383 : vector<16xi32>
          %mul3A_385 = arith.mulf %get3A_381, %gather3A_284 : vector<16xf32>
          tpu.vector_store_idx %arg10[%add3A_384], %mul3A_385 {add = true} : memref<65536xf32, #tpu.memory_space<vmem>>[vector<16xi32>], vector<16xf32>,
          %get3A_386 = arith.index_cast %scan3A_280 : i32 to index
          %get3A_387 = arith.constant 224 : index
          %get3A_388 = tpu.vector_load %arg20[%get3A_386, %get3A_387] {strides = array<i32>} : memref<64x256xf32, #tpu.memory_space<vmem>>, vector<16xf32>,
          %add3A_389 = arith.constant 224 : i32
          %add3A_390 = vector.broadcast %add3A_389 : i32 to vector<16xi32>
          %add3A_391 = arith.addi %add3A_288, %add3A_390 : vector<16xi32>
          %mul3A_392 = arith.mulf %get3A_388, %gather3A_284 : vector<16xf32>
          tpu.vector_store_idx %arg10[%add3A_391], %mul3A_392 {add = true} : memref<65536xf32, #tpu.memory_space<vmem>>[vector<16xi32>], vector<16xf32>,
          %get3A_393 = arith.index_cast %scan3A_280 : i32 to index
          %get3A_394 = arith.constant 240 : index
          %get3A_395 = tpu.vector_load %arg20[%get3A_393, %get3A_394] {strides = array<i32>} : memref<64x256xf32, #tpu.memory_space<vmem>>, vector<16xf32>,
          %add3A_396 = arith.constant 240 : i32
          %add3A_397 = vector.broadcast %add3A_396 : i32 to vector<16xi32>
          %add3A_398 = arith.addi %add3A_288, %add3A_397 : vector<16xi32>
          %mul3A_399 = arith.mulf %get3A_395, %gather3A_284 : vector<16xf32>
          tpu.vector_store_idx %arg10[%add3A_398], %mul3A_399 {add = true} : memref<65536xf32, #tpu.memory_space<vmem>>[vector<16xi32>], vector<16xf32>,
          %scan3A_400 = arith.constant 0 : i32
          scf.yield %scan3A_400 : i32
        }
        %scan3A_278 = arith.constant 64 : i32
        %while3A_279 = arith.constant 0 : i32
        scf.yield %while3A_279 : i32
      }
      %while3A_168 = arith.constant 1 : i32
      %while3A_169 = scf.for %while3A_261 = %while3A_165 to %while3A_161 step %while3A_168 iter_args(%while3A_262 = %while3A_167) -> (i32)  : i32 {
        %mul3A_263 = arith.constant 64 : i32
        %mul3A_264 = arith.muli %while3A_261, %mul3A_263 : i32
        %multiple_of3A_265 = tpu.assume_multiple %mul3A_264, 64 : i32
        %dma_start3A = tpu.memref_slice %arg15[%multiple_of3A_265] : memref<2112xi32, #tpu.memory_space<vmem>> -> memref<64xi32, #tpu.memory_space<vmem>>
        %dma_start3A_266 = arith.constant 0 : i32
        %dma_start3A_267 = arith.constant 0 : i32
        %dma_start3A_268 = tpu.memref_slice %arg2[%dma_start3A_266, %dma_start3A_267] : memref<16384x256xf32, #tpu.memory_space<hbm>> -> memref<16384x256xf32, #tpu.memory_space<hbm>>
        tpu.enqueue_indirect_dma source(%dma_start3A_268 : memref<16384x256xf32, #tpu.memory_space<hbm>>) target(%arg20 : memref<64x256xf32, #tpu.memory_space<vmem>>) offsets(%dma_start3A : memref<64xi32, #tpu.memory_space<vmem>>) semaphore(%arg21 : memref<!tpu.dma_semaphore, #tpu.memory_space<semaphore_mem>>)
        %dma_wait3A = tpu.memref_slice %arg15[%multiple_of3A_265] : memref<2112xi32, #tpu.memory_space<vmem>> -> memref<64xi32, #tpu.memory_space<vmem>>
        %dma_wait3A_269 = arith.constant 0 : i32
        %dma_wait3A_270 = arith.constant 0 : i32
        %dma_wait3A_271 = tpu.memref_slice %arg2[%dma_wait3A_269, %dma_wait3A_270] : memref<16384x256xf32, #tpu.memory_space<hbm>> -> memref<16384x256xf32, #tpu.memory_space<hbm>>
        tpu.wait_indirect_dma semaphore(%arg21 : memref<!tpu.dma_semaphore, #tpu.memory_space<semaphore_mem>>) src(%dma_wait3A_271 : memref<16384x256xf32, #tpu.memory_space<hbm>>) dst(%arg20 : memref<64x256xf32, #tpu.memory_space<vmem>>)
        %scan3A_272 = arith.constant 0 : i32
        %scan3A_273 = arith.constant 0 : i32
        %scan3A_274 = arith.constant 64 : i32
        %scan3A_275 = arith.addi %scan3A_273, %scan3A_274 : i32
        %scan3A_276 = arith.constant 1 : i32
        %scan3A_277 = scf.for %scan3A_280 = %scan3A_273 to %scan3A_275 step %scan3A_276 iter_args(%scan3A_281 = %scan3A_272) -> (i32)  : i32 {
          %add3A_282 = arith.addi %multiple_of3A_265, %scan3A_280 : i32
          %broadcast_in_dim3A_283 = vector.broadcast %add3A_282 : i32 to vector<16xi32>
          %gather3A = tpu.vector_load_idx %arg14[%broadcast_in_dim3A_283] : memref<2112xi32, #tpu.memory_space<vmem>>[vector<16xi32>], vector<16xi32>,
          %gather3A_284 = tpu.vector_load_idx %arg16[%broadcast_in_dim3A_283] : memref<2112xf32, #tpu.memory_space<vmem>>[vector<16xi32>], vector<16xf32>,
          %mul3A_285 = arith.constant 256 : i32
          %mul3A_286 = vector.broadcast %mul3A_285 : i32 to vector<16xi32>
          %mul3A_287 = arith.muli %gather3A, %mul3A_286 : vector<16xi32>
          %add3A_288 = arith.addi %mul3A_287, %iota3A : vector<16xi32>
          %get3A = arith.index_cast %scan3A_280 : i32 to index
          %get3A_289 = arith.constant 0 : index
          %get3A_290 = tpu.vector_load %arg20[%get3A, %get3A_289] {strides = array<i32>} : memref<64x256xf32, #tpu.memory_space<vmem>>, vector<16xf32>,
          %add3A_291 = arith.constant 0 : i32
          %add3A_292 = vector.broadcast %add3A_291 : i32 to vector<16xi32>
          %add3A_293 = arith.addi %add3A_288, %add3A_292 : vector<16xi32>
          %mul3A_294 = arith.mulf %get3A_290, %gather3A_284 : vector<16xf32>
          tpu.vector_store_idx %arg10[%add3A_293], %mul3A_294 {add = true} : memref<65536xf32, #tpu.memory_space<vmem>>[vector<16xi32>], vector<16xf32>,
          %get3A_295 = arith.index_cast %scan3A_280 : i32 to index
          %get3A_296 = arith.constant 16 : index
          %get3A_297 = tpu.vector_load %arg20[%get3A_295, %get3A_296] {strides = array<i32>} : memref<64x256xf32, #tpu.memory_space<vmem>>, vector<16xf32>,
          %add3A_298 = arith.constant 16 : i32
          %add3A_299 = vector.broadcast %add3A_298 : i32 to vector<16xi32>
          %add3A_300 = arith.addi %add3A_288, %add3A_299 : vector<16xi32>
          %mul3A_301 = arith.mulf %get3A_297, %gather3A_284 : vector<16xf32>
          tpu.vector_store_idx %arg10[%add3A_300], %mul3A_301 {add = true} : memref<65536xf32, #tpu.memory_space<vmem>>[vector<16xi32>], vector<16xf32>,
          %get3A_302 = arith.index_cast %scan3A_280 : i32 to index
          %get3A_303 = arith.constant 32 : index
          %get3A_304 = tpu.vector_load %arg20[%get3A_302, %get3A_303] {strides = array<i32>} : memref<64x256xf32, #tpu.memory_space<vmem>>, vector<16xf32>,
          %add3A_305 = arith.constant 32 : i32
          %add3A_306 = vector.broadcast %add3A_305 : i32 to vector<16xi32>
          %add3A_307 = arith.addi %add3A_288, %add3A_306 : vector<16xi32>
          %mul3A_308 = arith.mulf %get3A_304, %gather3A_284 : vector<16xf32>
          tpu.vector_store_idx %arg10[%add3A_307], %mul3A_308 {add = true} : memref<65536xf32, #tpu.memory_space<vmem>>[vector<16xi32>], vector<16xf32>,
          %get3A_309 = arith.index_cast %scan3A_280 : i32 to index
          %get3A_310 = arith.constant 48 : index
          %get3A_311 = tpu.vector_load %arg20[%get3A_309, %get3A_310] {strides = array<i32>} : memref<64x256xf32, #tpu.memory_space<vmem>>, vector<16xf32>,
          %add3A_312 = arith.constant 48 : i32
          %add3A_313 = vector.broadcast %add3A_312 : i32 to vector<16xi32>
          %add3A_314 = arith.addi %add3A_288, %add3A_313 : vector<16xi32>
          %mul3A_315 = arith.mulf %get3A_311, %gather3A_284 : vector<16xf32>
          tpu.vector_store_idx %arg10[%add3A_314], %mul3A_315 {add = true} : memref<65536xf32, #tpu.memory_space<vmem>>[vector<16xi32>], vector<16xf32>,
          %get3A_316 = arith.index_cast %scan3A_280 : i32 to index
          %get3A_317 = arith.constant 64 : index
          %get3A_318 = tpu.vector_load %arg20[%get3A_316, %get3A_317] {strides = array<i32>} : memref<64x256xf32, #tpu.memory_space<vmem>>, vector<16xf32>,
          %add3A_319 = arith.constant 64 : i32
          %add3A_320 = vector.broadcast %add3A_319 : i32 to vector<16xi32>
          %add3A_321 = arith.addi %add3A_288, %add3A_320 : vector<16xi32>
          %mul3A_322 = arith.mulf %get3A_318, %gather3A_284 : vector<16xf32>
          tpu.vector_store_idx %arg10[%add3A_321], %mul3A_322 {add = true} : memref<65536xf32, #tpu.memory_space<vmem>>[vector<16xi32>], vector<16xf32>,
          %get3A_323 = arith.index_cast %scan3A_280 : i32 to index
          %get3A_324 = arith.constant 80 : index
          %get3A_325 = tpu.vector_load %arg20[%get3A_323, %get3A_324] {strides = array<i32>} : memref<64x256xf32, #tpu.memory_space<vmem>>, vector<16xf32>,
          %add3A_326 = arith.constant 80 : i32
          %add3A_327 = vector.broadcast %add3A_326 : i32 to vector<16xi32>
          %add3A_328 = arith.addi %add3A_288, %add3A_327 : vector<16xi32>
          %mul3A_329 = arith.mulf %get3A_325, %gather3A_284 : vector<16xf32>
          tpu.vector_store_idx %arg10[%add3A_328], %mul3A_329 {add = true} : memref<65536xf32, #tpu.memory_space<vmem>>[vector<16xi32>], vector<16xf32>,
          %get3A_330 = arith.index_cast %scan3A_280 : i32 to index
          %get3A_331 = arith.constant 96 : index
          %get3A_332 = tpu.vector_load %arg20[%get3A_330, %get3A_331] {strides = array<i32>} : memref<64x256xf32, #tpu.memory_space<vmem>>, vector<16xf32>,
          %add3A_333 = arith.constant 96 : i32
          %add3A_334 = vector.broadcast %add3A_333 : i32 to vector<16xi32>
          %add3A_335 = arith.addi %add3A_288, %add3A_334 : vector<16xi32>
          %mul3A_336 = arith.mulf %get3A_332, %gather3A_284 : vector<16xf32>
          tpu.vector_store_idx %arg10[%add3A_335], %mul3A_336 {add = true} : memref<65536xf32, #tpu.memory_space<vmem>>[vector<16xi32>], vector<16xf32>,
          %get3A_337 = arith.index_cast %scan3A_280 : i32 to index
          %get3A_338 = arith.constant 112 : index
          %get3A_339 = tpu.vector_load %arg20[%get3A_337, %get3A_338] {strides = array<i32>} : memref<64x256xf32, #tpu.memory_space<vmem>>, vector<16xf32>,
          %add3A_340 = arith.constant 112 : i32
          %add3A_341 = vector.broadcast %add3A_340 : i32 to vector<16xi32>
          %add3A_342 = arith.addi %add3A_288, %add3A_341 : vector<16xi32>
          %mul3A_343 = arith.mulf %get3A_339, %gather3A_284 : vector<16xf32>
          tpu.vector_store_idx %arg10[%add3A_342], %mul3A_343 {add = true} : memref<65536xf32, #tpu.memory_space<vmem>>[vector<16xi32>], vector<16xf32>,
          %get3A_344 = arith.index_cast %scan3A_280 : i32 to index
          %get3A_345 = arith.constant 128 : index
          %get3A_346 = tpu.vector_load %arg20[%get3A_344, %get3A_345] {strides = array<i32>} : memref<64x256xf32, #tpu.memory_space<vmem>>, vector<16xf32>,
          %add3A_347 = arith.constant 128 : i32
          %add3A_348 = vector.broadcast %add3A_347 : i32 to vector<16xi32>
          %add3A_349 = arith.addi %add3A_288, %add3A_348 : vector<16xi32>
          %mul3A_350 = arith.mulf %get3A_346, %gather3A_284 : vector<16xf32>
          tpu.vector_store_idx %arg10[%add3A_349], %mul3A_350 {add = true} : memref<65536xf32, #tpu.memory_space<vmem>>[vector<16xi32>], vector<16xf32>,
          %get3A_351 = arith.index_cast %scan3A_280 : i32 to index
          %get3A_352 = arith.constant 144 : index
          %get3A_353 = tpu.vector_load %arg20[%get3A_351, %get3A_352] {strides = array<i32>} : memref<64x256xf32, #tpu.memory_space<vmem>>, vector<16xf32>,
          %add3A_354 = arith.constant 144 : i32
          %add3A_355 = vector.broadcast %add3A_354 : i32 to vector<16xi32>
          %add3A_356 = arith.addi %add3A_288, %add3A_355 : vector<16xi32>
          %mul3A_357 = arith.mulf %get3A_353, %gather3A_284 : vector<16xf32>
          tpu.vector_store_idx %arg10[%add3A_356], %mul3A_357 {add = true} : memref<65536xf32, #tpu.memory_space<vmem>>[vector<16xi32>], vector<16xf32>,
          %get3A_358 = arith.index_cast %scan3A_280 : i32 to index
          %get3A_359 = arith.constant 160 : index
          %get3A_360 = tpu.vector_load %arg20[%get3A_358, %get3A_359] {strides = array<i32>} : memref<64x256xf32, #tpu.memory_space<vmem>>, vector<16xf32>,
          %add3A_361 = arith.constant 160 : i32
          %add3A_362 = vector.broadcast %add3A_361 : i32 to vector<16xi32>
          %add3A_363 = arith.addi %add3A_288, %add3A_362 : vector<16xi32>
          %mul3A_364 = arith.mulf %get3A_360, %gather3A_284 : vector<16xf32>
          tpu.vector_store_idx %arg10[%add3A_363], %mul3A_364 {add = true} : memref<65536xf32, #tpu.memory_space<vmem>>[vector<16xi32>], vector<16xf32>,
          %get3A_365 = arith.index_cast %scan3A_280 : i32 to index
          %get3A_366 = arith.constant 176 : index
          %get3A_367 = tpu.vector_load %arg20[%get3A_365, %get3A_366] {strides = array<i32>} : memref<64x256xf32, #tpu.memory_space<vmem>>, vector<16xf32>,
          %add3A_368 = arith.constant 176 : i32
          %add3A_369 = vector.broadcast %add3A_368 : i32 to vector<16xi32>
          %add3A_370 = arith.addi %add3A_288, %add3A_369 : vector<16xi32>
          %mul3A_371 = arith.mulf %get3A_367, %gather3A_284 : vector<16xf32>
          tpu.vector_store_idx %arg10[%add3A_370], %mul3A_371 {add = true} : memref<65536xf32, #tpu.memory_space<vmem>>[vector<16xi32>], vector<16xf32>,
          %get3A_372 = arith.index_cast %scan3A_280 : i32 to index
          %get3A_373 = arith.constant 192 : index
          %get3A_374 = tpu.vector_load %arg20[%get3A_372, %get3A_373] {strides = array<i32>} : memref<64x256xf32, #tpu.memory_space<vmem>>, vector<16xf32>,
          %add3A_375 = arith.constant 192 : i32
          %add3A_376 = vector.broadcast %add3A_375 : i32 to vector<16xi32>
          %add3A_377 = arith.addi %add3A_288, %add3A_376 : vector<16xi32>
          %mul3A_378 = arith.mulf %get3A_374, %gather3A_284 : vector<16xf32>
          tpu.vector_store_idx %arg10[%add3A_377], %mul3A_378 {add = true} : memref<65536xf32, #tpu.memory_space<vmem>>[vector<16xi32>], vector<16xf32>,
          %get3A_379 = arith.index_cast %scan3A_280 : i32 to index
          %get3A_380 = arith.constant 208 : index
          %get3A_381 = tpu.vector_load %arg20[%get3A_379, %get3A_380] {strides = array<i32>} : memref<64x256xf32, #tpu.memory_space<vmem>>, vector<16xf32>,
          %add3A_382 = arith.constant 208 : i32
          %add3A_383 = vector.broadcast %add3A_382 : i32 to vector<16xi32>
          %add3A_384 = arith.addi %add3A_288, %add3A_383 : vector<16xi32>
          %mul3A_385 = arith.mulf %get3A_381, %gather3A_284 : vector<16xf32>
          tpu.vector_store_idx %arg10[%add3A_384], %mul3A_385 {add = true} : memref<65536xf32, #tpu.memory_space<vmem>>[vector<16xi32>], vector<16xf32>,
          %get3A_386 = arith.index_cast %scan3A_280 : i32 to index
          %get3A_387 = arith.constant 224 : index
          %get3A_388 = tpu.vector_load %arg20[%get3A_386, %get3A_387] {strides = array<i32>} : memref<64x256xf32, #tpu.memory_space<vmem>>, vector<16xf32>,
          %add3A_389 = arith.constant 224 : i32
          %add3A_390 = vector.broadcast %add3A_389 : i32 to vector<16xi32>
          %add3A_391 = arith.addi %add3A_288, %add3A_390 : vector<16xi32>
          %mul3A_392 = arith.mulf %get3A_388, %gather3A_284 : vector<16xf32>
          tpu.vector_store_idx %arg10[%add3A_391], %mul3A_392 {add = true} : memref<65536xf32, #tpu.memory_space<vmem>>[vector<16xi32>], vector<16xf32>,
          %get3A_393 = arith.index_cast %scan3A_280 : i32 to index
          %get3A_394 = arith.constant 240 : index
          %get3A_395 = tpu.vector_load %arg20[%get3A_393, %get3A_394] {strides = array<i32>} : memref<64x256xf32, #tpu.memory_space<vmem>>, vector<16xf32>,
          %add3A_396 = arith.constant 240 : i32
          %add3A_397 = vector.broadcast %add3A_396 : i32 to vector<16xi32>
          %add3A_398 = arith.addi %add3A_288, %add3A_397 : vector<16xi32>
          %mul3A_399 = arith.mulf %get3A_395, %gather3A_284 : vector<16xf32>
          tpu.vector_store_idx %arg10[%add3A_398], %mul3A_399 {add = true} : memref<65536xf32, #tpu.memory_space<vmem>>[vector<16xi32>], vector<16xf32>,
          %scan3A_400 = arith.constant 0 : i32
          scf.yield %scan3A_400 : i32
        }
        %scan3A_278 = arith.constant 64 : i32
        %while3A_279 = arith.constant 0 : i32
        scf.yield %while3A_279 : i32
      }
      %add3A_170 = arith.constant 0 : i32
      %add3A_171 = arith.addi %scan3A_80#1, %add3A_170 : i32
      %add3A_172 = vector.broadcast %add3A_171 : i32 to vector<16xi32>
      %add3A_173 = arith.addi %add3A_172, %iota3A : vector<16xi32>
      tpu.vector_store_idx %arg18[%add3A_173], %broadcast_in_dim3A_3 : memref<2112xi32, #tpu.memory_space<vmem>>[vector<16xi32>], vector<16xi32>,
      %add3A_174 = arith.constant 0 : i32
      %add3A_175 = arith.addi %scan3A_80#1, %add3A_174 : i32
      %add3A_176 = vector.broadcast %add3A_175 : i32 to vector<16xi32>
      %add3A_177 = arith.addi %add3A_176, %iota3A : vector<16xi32>
      tpu.vector_store_idx %arg17[%add3A_177], %broadcast_in_dim3A_3 : memref<2112xi32, #tpu.memory_space<vmem>>[vector<16xi32>], vector<16xi32>,
      %add3A_178 = arith.constant 0 : i32
      %add3A_179 = arith.addi %scan3A_80#1, %add3A_178 : i32
      %add3A_180 = vector.broadcast %add3A_179 : i32 to vector<16xi32>
      %add3A_181 = arith.addi %add3A_180, %iota3A : vector<16xi32>
      tpu.vector_store_idx %arg19[%add3A_181], %broadcast_in_dim3A_1 : memref<2112xf32, #tpu.memory_space<vmem>>[vector<16xi32>], vector<16xf32>,
      %add3A_182 = arith.constant 16 : i32
      %add3A_183 = arith.addi %scan3A_80#1, %add3A_182 : i32
      %add3A_184 = vector.broadcast %add3A_183 : i32 to vector<16xi32>
      %add3A_185 = arith.addi %add3A_184, %iota3A : vector<16xi32>
      tpu.vector_store_idx %arg18[%add3A_185], %broadcast_in_dim3A_3 : memref<2112xi32, #tpu.memory_space<vmem>>[vector<16xi32>], vector<16xi32>,
      %add3A_186 = arith.constant 16 : i32
      %add3A_187 = arith.addi %scan3A_80#1, %add3A_186 : i32
      %add3A_188 = vector.broadcast %add3A_187 : i32 to vector<16xi32>
      %add3A_189 = arith.addi %add3A_188, %iota3A : vector<16xi32>
      tpu.vector_store_idx %arg17[%add3A_189], %broadcast_in_dim3A_3 : memref<2112xi32, #tpu.memory_space<vmem>>[vector<16xi32>], vector<16xi32>,
      %add3A_190 = arith.constant 16 : i32
      %add3A_191 = arith.addi %scan3A_80#1, %add3A_190 : i32
      %add3A_192 = vector.broadcast %add3A_191 : i32 to vector<16xi32>
      %add3A_193 = arith.addi %add3A_192, %iota3A : vector<16xi32>
      tpu.vector_store_idx %arg19[%add3A_193], %broadcast_in_dim3A_1 : memref<2112xf32, #tpu.memory_space<vmem>>[vector<16xi32>], vector<16xf32>,
      %add3A_194 = arith.constant 32 : i32
      %add3A_195 = arith.addi %scan3A_80#1, %add3A_194 : i32
      %add3A_196 = vector.broadcast %add3A_195 : i32 to vector<16xi32>
      %add3A_197 = arith.addi %add3A_196, %iota3A : vector<16xi32>
      tpu.vector_store_idx %arg18[%add3A_197], %broadcast_in_dim3A_3 : memref<2112xi32, #tpu.memory_space<vmem>>[vector<16xi32>], vector<16xi32>,
      %add3A_198 = arith.constant 32 : i32
      %add3A_199 = arith.addi %scan3A_80#1, %add3A_198 : i32
      %add3A_200 = vector.broadcast %add3A_199 : i32 to vector<16xi32>
      %add3A_201 = arith.addi %add3A_200, %iota3A : vector<16xi32>
      tpu.vector_store_idx %arg17[%add3A_201], %broadcast_in_dim3A_3 : memref<2112xi32, #tpu.memory_space<vmem>>[vector<16xi32>], vector<16xi32>,
      %add3A_202 = arith.constant 32 : i32
      %add3A_203 = arith.addi %scan3A_80#1, %add3A_202 : i32
      %add3A_204 = vector.broadcast %add3A_203 : i32 to vector<16xi32>
      %add3A_205 = arith.addi %add3A_204, %iota3A : vector<16xi32>
      tpu.vector_store_idx %arg19[%add3A_205], %broadcast_in_dim3A_1 : memref<2112xf32, #tpu.memory_space<vmem>>[vector<16xi32>], vector<16xf32>,
      %add3A_206 = arith.constant 48 : i32
      %add3A_207 = arith.addi %scan3A_80#1, %add3A_206 : i32
      %add3A_208 = vector.broadcast %add3A_207 : i32 to vector<16xi32>
      %add3A_209 = arith.addi %add3A_208, %iota3A : vector<16xi32>
      tpu.vector_store_idx %arg18[%add3A_209], %broadcast_in_dim3A_3 : memref<2112xi32, #tpu.memory_space<vmem>>[vector<16xi32>], vector<16xi32>,
      %add3A_210 = arith.constant 48 : i32
      %add3A_211 = arith.addi %scan3A_80#1, %add3A_210 : i32
      %add3A_212 = vector.broadcast %add3A_211 : i32 to vector<16xi32>
      %add3A_213 = arith.addi %add3A_212, %iota3A : vector<16xi32>
      tpu.vector_store_idx %arg17[%add3A_213], %broadcast_in_dim3A_3 : memref<2112xi32, #tpu.memory_space<vmem>>[vector<16xi32>], vector<16xi32>,
      %add3A_214 = arith.constant 48 : i32
      %add3A_215 = arith.addi %scan3A_80#1, %add3A_214 : i32
      %add3A_216 = vector.broadcast %add3A_215 : i32 to vector<16xi32>
      %add3A_217 = arith.addi %add3A_216, %iota3A : vector<16xi32>
      tpu.vector_store_idx %arg19[%add3A_217], %broadcast_in_dim3A_1 : memref<2112xf32, #tpu.memory_space<vmem>>[vector<16xi32>], vector<16xf32>,
      %add3A_218 = arith.constant 64 : i32
      %add3A_219 = arith.addi %scan3A_80#1, %add3A_218 : i32
      %sub3A_220 = arith.constant 1 : i32
      %sub3A_221 = arith.subi %add3A_219, %sub3A_220 : i32
      %jit3A_222 = arith.constant 64 : i32
      %div3A_223 = arith.divsi %sub3A_221, %jit3A_222 : i32
      %sign3A_224 = arith.constant 0 : i32
      %sign3A_225 = arith.cmpi sgt, %sub3A_221, %sign3A_224 : i32
      %sign3A_226 = arith.extui %sign3A_225 : i1 to i32
      %sign3A_227 = arith.constant 0 : i32
      %sign3A_228 = arith.cmpi slt, %sub3A_221, %sign3A_227 : i32
      %sign3A_229 = arith.extui %sign3A_228 : i1 to i32
      %sign3A_230 = arith.subi %sign3A_226, %sign3A_229 : i32
      %sign3A_231 = arith.constant 0 : i32
      %sign3A_232 = arith.cmpi sgt, %jit3A_222, %sign3A_231 : i32
      %sign3A_233 = arith.extui %sign3A_232 : i1 to i32
      %sign3A_234 = arith.constant 0 : i32
      %sign3A_235 = arith.cmpi slt, %jit3A_222, %sign3A_234 : i32
      %sign3A_236 = arith.extui %sign3A_235 : i1 to i32
      %sign3A_237 = arith.subi %sign3A_233, %sign3A_236 : i32
      %ne3A_238 = arith.cmpi ne, %sign3A_230, %sign3A_237 : i32
      %rem3A_239 = arith.remsi %sub3A_221, %jit3A_222 : i32
      %ne3A_240 = arith.constant 0 : i32
      %ne3A_241 = arith.cmpi ne, %rem3A_239, %ne3A_240 : i32
      %and3A_242 = arith.andi %ne3A_238, %ne3A_241 : i1
      %sub3A_243 = arith.constant 1 : i32
      %sub3A_244 = arith.subi %div3A_223, %sub3A_243 : i32
      %select_n3A_245 = arith.select %and3A_242, %sub3A_244, %div3A_223 : i32
      %while3A_246 = arith.constant 0 : i32
      %while3A_247 = arith.constant 0 : i32
      %while3A_248 = arith.subi %select_n3A_245, %while3A_246 : i32
      %while3A_249 = arith.addi %while3A_246, %while3A_248 : i32
      %while3A_250 = arith.constant 1 : i32
      %while3A_251 = arith.divsi %while3A_248, %while3A_250 : i32
      %while3A_252 = arith.muli %while3A_251, %while3A_250 : i32
      %while3A_253 = arith.addi %while3A_246, %while3A_252 : i32
      %while3A_254 = arith.constant 1 : i32
      %while3A_255 = scf.for %while3A_261 = %while3A_246 to %while3A_253 step %while3A_254 iter_args(%while3A_262 = %while3A_247) -> (i32)  : i32 {
        %mul3A_263 = arith.constant 64 : i32
        %mul3A_264 = arith.muli %while3A_261, %mul3A_263 : i32
        %multiple_of3A_265 = tpu.assume_multiple %mul3A_264, 64 : i32
        %mul3A_266 = arith.constant 64 : i32
        %mul3A_267 = arith.muli %while3A_261, %mul3A_266 : i32
        %add3A_268 = arith.addi %scan3A_70, %mul3A_267 : i32
        %multiple_of3A_269 = tpu.assume_multiple %add3A_268, 64 : i32
        "tpu.region"() ({
          %run_scoped3A = tpu.sem_alloc : memref<!tpu.dma_semaphore, #tpu.memory_space<semaphore_mem>>
          %dma_start3A = tpu.memref_slice %arg17[%multiple_of3A_265] : memref<2112xi32, #tpu.memory_space<vmem>> -> memref<64xi32, #tpu.memory_space<vmem>>
          %dma_start3A_271 = tpu.memref_slice %arg7[%add3A, %multiple_of3A_269] : memref<32x278784xi32, #tpu.memory_space<hbm>> -> memref<1x64xi32, #tpu.memory_space<hbm>>
          %dma_start3A_272 = tpu.memref_squeeze %dma_start3A_271 : memref<1x64xi32, #tpu.memory_space<hbm>> -> memref<64xi32, #tpu.memory_space<hbm>>
          %dma_start3A_273 = tpu.memref_slice %arg7[%add3A, %multiple_of3A_269] : memref<32x278784xi32, #tpu.memory_space<hbm>> -> memref<1x64xi32, #tpu.memory_space<hbm>>
          %dma_start3A_274 = tpu.memref_squeeze %dma_start3A_273 : memref<1x64xi32, #tpu.memory_space<hbm>> -> memref<64xi32, #tpu.memory_space<hbm>>
          %dma_start3A_275 = tpu.memref_slice %arg17[%multiple_of3A_265] : memref<2112xi32, #tpu.memory_space<vmem>> -> memref<64xi32, #tpu.memory_space<vmem>>
          tpu.enqueue_dma source(%dma_start3A_275 : memref<64xi32, #tpu.memory_space<vmem>>) target(%dma_start3A_274 : memref<64xi32, #tpu.memory_space<hbm>>) target_semaphore(%run_scoped3A : memref<!tpu.dma_semaphore, #tpu.memory_space<semaphore_mem>>)
          %dma_wait3A = tpu.memref_slice %arg17[%multiple_of3A_265] : memref<2112xi32, #tpu.memory_space<vmem>> -> memref<64xi32, #tpu.memory_space<vmem>>
          %dma_wait3A_276 = tpu.memref_slice %arg7[%add3A, %multiple_of3A_269] : memref<32x278784xi32, #tpu.memory_space<hbm>> -> memref<1x64xi32, #tpu.memory_space<hbm>>
          %dma_wait3A_277 = tpu.memref_squeeze %dma_wait3A_276 : memref<1x64xi32, #tpu.memory_space<hbm>> -> memref<64xi32, #tpu.memory_space<hbm>>
          %dma_wait3A_278 = tpu.memref_slice %arg7[%add3A, %multiple_of3A_269] : memref<32x278784xi32, #tpu.memory_space<hbm>> -> memref<1x64xi32, #tpu.memory_space<hbm>>
          %dma_wait3A_279 = tpu.memref_squeeze %dma_wait3A_278 : memref<1x64xi32, #tpu.memory_space<hbm>> -> memref<64xi32, #tpu.memory_space<hbm>>
          %dma_wait3A_280 = tpu.memref_slice %arg17[%multiple_of3A_265] : memref<2112xi32, #tpu.memory_space<vmem>> -> memref<64xi32, #tpu.memory_space<vmem>>
          tpu.wait_dma2 semaphore(%run_scoped3A : memref<!tpu.dma_semaphore, #tpu.memory_space<semaphore_mem>>) src(%dma_wait3A_280 : memref<64xi32, #tpu.memory_space<vmem>>) dst(%dma_wait3A_279 : memref<64xi32, #tpu.memory_space<hbm>>)
          tpu.yield
        }) : () -> ()
        "tpu.region"() ({
          %run_scoped3A = tpu.sem_alloc : memref<!tpu.dma_semaphore, #tpu.memory_space<semaphore_mem>>
          %dma_start3A = tpu.memref_slice %arg18[%multiple_of3A_265] : memref<2112xi32, #tpu.memory_space<vmem>> -> memref<64xi32, #tpu.memory_space<vmem>>
          %dma_start3A_271 = tpu.memref_slice %arg8[%add3A, %multiple_of3A_269] : memref<32x278784xi32, #tpu.memory_space<hbm>> -> memref<1x64xi32, #tpu.memory_space<hbm>>
          %dma_start3A_272 = tpu.memref_squeeze %dma_start3A_271 : memref<1x64xi32, #tpu.memory_space<hbm>> -> memref<64xi32, #tpu.memory_space<hbm>>
          %dma_start3A_273 = tpu.memref_slice %arg8[%add3A, %multiple_of3A_269] : memref<32x278784xi32, #tpu.memory_space<hbm>> -> memref<1x64xi32, #tpu.memory_space<hbm>>
          %dma_start3A_274 = tpu.memref_squeeze %dma_start3A_273 : memref<1x64xi32, #tpu.memory_space<hbm>> -> memref<64xi32, #tpu.memory_space<hbm>>
          %dma_start3A_275 = tpu.memref_slice %arg18[%multiple_of3A_265] : memref<2112xi32, #tpu.memory_space<vmem>> -> memref<64xi32, #tpu.memory_space<vmem>>
          tpu.enqueue_dma source(%dma_start3A_275 : memref<64xi32, #tpu.memory_space<vmem>>) target(%dma_start3A_274 : memref<64xi32, #tpu.memory_space<hbm>>) target_semaphore(%run_scoped3A : memref<!tpu.dma_semaphore, #tpu.memory_space<semaphore_mem>>)
          %dma_wait3A = tpu.memref_slice %arg18[%multiple_of3A_265] : memref<2112xi32, #tpu.memory_space<vmem>> -> memref<64xi32, #tpu.memory_space<vmem>>
          %dma_wait3A_276 = tpu.memref_slice %arg8[%add3A, %multiple_of3A_269] : memref<32x278784xi32, #tpu.memory_space<hbm>> -> memref<1x64xi32, #tpu.memory_space<hbm>>
          %dma_wait3A_277 = tpu.memref_squeeze %dma_wait3A_276 : memref<1x64xi32, #tpu.memory_space<hbm>> -> memref<64xi32, #tpu.memory_space<hbm>>
          %dma_wait3A_278 = tpu.memref_slice %arg8[%add3A, %multiple_of3A_269] : memref<32x278784xi32, #tpu.memory_space<hbm>> -> memref<1x64xi32, #tpu.memory_space<hbm>>
          %dma_wait3A_279 = tpu.memref_squeeze %dma_wait3A_278 : memref<1x64xi32, #tpu.memory_space<hbm>> -> memref<64xi32, #tpu.memory_space<hbm>>
          %dma_wait3A_280 = tpu.memref_slice %arg18[%multiple_of3A_265] : memref<2112xi32, #tpu.memory_space<vmem>> -> memref<64xi32, #tpu.memory_space<vmem>>
          tpu.wait_dma2 semaphore(%run_scoped3A : memref<!tpu.dma_semaphore, #tpu.memory_space<semaphore_mem>>) src(%dma_wait3A_280 : memref<64xi32, #tpu.memory_space<vmem>>) dst(%dma_wait3A_279 : memref<64xi32, #tpu.memory_space<hbm>>)
          tpu.yield
        }) : () -> ()
        "tpu.region"() ({
          %run_scoped3A = tpu.sem_alloc : memref<!tpu.dma_semaphore, #tpu.memory_space<semaphore_mem>>
          %dma_start3A = tpu.memref_slice %arg19[%multiple_of3A_265] : memref<2112xf32, #tpu.memory_space<vmem>> -> memref<64xf32, #tpu.memory_space<vmem>>
          %dma_start3A_271 = tpu.memref_slice %arg9[%add3A, %multiple_of3A_269] : memref<32x278784xf32, #tpu.memory_space<hbm>> -> memref<1x64xf32, #tpu.memory_space<hbm>>
          %dma_start3A_272 = tpu.memref_squeeze %dma_start3A_271 : memref<1x64xf32, #tpu.memory_space<hbm>> -> memref<64xf32, #tpu.memory_space<hbm>>
          %dma_start3A_273 = tpu.memref_slice %arg9[%add3A, %multiple_of3A_269] : memref<32x278784xf32, #tpu.memory_space<hbm>> -> memref<1x64xf32, #tpu.memory_space<hbm>>
          %dma_start3A_274 = tpu.memref_squeeze %dma_start3A_273 : memref<1x64xf32, #tpu.memory_space<hbm>> -> memref<64xf32, #tpu.memory_space<hbm>>
          %dma_start3A_275 = tpu.memref_slice %arg19[%multiple_of3A_265] : memref<2112xf32, #tpu.memory_space<vmem>> -> memref<64xf32, #tpu.memory_space<vmem>>
          tpu.enqueue_dma source(%dma_start3A_275 : memref<64xf32, #tpu.memory_space<vmem>>) target(%dma_start3A_274 : memref<64xf32, #tpu.memory_space<hbm>>) target_semaphore(%run_scoped3A : memref<!tpu.dma_semaphore, #tpu.memory_space<semaphore_mem>>)
          %dma_wait3A = tpu.memref_slice %arg19[%multiple_of3A_265] : memref<2112xf32, #tpu.memory_space<vmem>> -> memref<64xf32, #tpu.memory_space<vmem>>
          %dma_wait3A_276 = tpu.memref_slice %arg9[%add3A, %multiple_of3A_269] : memref<32x278784xf32, #tpu.memory_space<hbm>> -> memref<1x64xf32, #tpu.memory_space<hbm>>
          %dma_wait3A_277 = tpu.memref_squeeze %dma_wait3A_276 : memref<1x64xf32, #tpu.memory_space<hbm>> -> memref<64xf32, #tpu.memory_space<hbm>>
          %dma_wait3A_278 = tpu.memref_slice %arg9[%add3A, %multiple_of3A_269] : memref<32x278784xf32, #tpu.memory_space<hbm>> -> memref<1x64xf32, #tpu.memory_space<hbm>>
          %dma_wait3A_279 = tpu.memref_squeeze %dma_wait3A_278 : memref<1x64xf32, #tpu.memory_space<hbm>> -> memref<64xf32, #tpu.memory_space<hbm>>
          %dma_wait3A_280 = tpu.memref_slice %arg19[%multiple_of3A_265] : memref<2112xf32, #tpu.memory_space<vmem>> -> memref<64xf32, #tpu.memory_space<vmem>>
          tpu.wait_dma2 semaphore(%run_scoped3A : memref<!tpu.dma_semaphore, #tpu.memory_space<semaphore_mem>>) src(%dma_wait3A_280 : memref<64xf32, #tpu.memory_space<vmem>>) dst(%dma_wait3A_279 : memref<64xf32, #tpu.memory_space<hbm>>)
          tpu.yield
        }) : () -> ()
        %while3A_270 = arith.constant 0 : i32
        scf.yield %while3A_270 : i32
      }
      %while3A_256 = arith.constant 1 : i32
      %while3A_257 = scf.for %while3A_261 = %while3A_253 to %while3A_249 step %while3A_256 iter_args(%while3A_262 = %while3A_255) -> (i32)  : i32 {
        %mul3A_263 = arith.constant 64 : i32
        %mul3A_264 = arith.muli %while3A_261, %mul3A_263 : i32
        %multiple_of3A_265 = tpu.assume_multiple %mul3A_264, 64 : i32
        %mul3A_266 = arith.constant 64 : i32
        %mul3A_267 = arith.muli %while3A_261, %mul3A_266 : i32
        %add3A_268 = arith.addi %scan3A_70, %mul3A_267 : i32
        %multiple_of3A_269 = tpu.assume_multiple %add3A_268, 64 : i32
        "tpu.region"() ({
          %run_scoped3A = tpu.sem_alloc : memref<!tpu.dma_semaphore, #tpu.memory_space<semaphore_mem>>
          %dma_start3A = tpu.memref_slice %arg17[%multiple_of3A_265] : memref<2112xi32, #tpu.memory_space<vmem>> -> memref<64xi32, #tpu.memory_space<vmem>>
          %dma_start3A_271 = tpu.memref_slice %arg7[%add3A, %multiple_of3A_269] : memref<32x278784xi32, #tpu.memory_space<hbm>> -> memref<1x64xi32, #tpu.memory_space<hbm>>
          %dma_start3A_272 = tpu.memref_squeeze %dma_start3A_271 : memref<1x64xi32, #tpu.memory_space<hbm>> -> memref<64xi32, #tpu.memory_space<hbm>>
          %dma_start3A_273 = tpu.memref_slice %arg7[%add3A, %multiple_of3A_269] : memref<32x278784xi32, #tpu.memory_space<hbm>> -> memref<1x64xi32, #tpu.memory_space<hbm>>
          %dma_start3A_274 = tpu.memref_squeeze %dma_start3A_273 : memref<1x64xi32, #tpu.memory_space<hbm>> -> memref<64xi32, #tpu.memory_space<hbm>>
          %dma_start3A_275 = tpu.memref_slice %arg17[%multiple_of3A_265] : memref<2112xi32, #tpu.memory_space<vmem>> -> memref<64xi32, #tpu.memory_space<vmem>>
          tpu.enqueue_dma source(%dma_start3A_275 : memref<64xi32, #tpu.memory_space<vmem>>) target(%dma_start3A_274 : memref<64xi32, #tpu.memory_space<hbm>>) target_semaphore(%run_scoped3A : memref<!tpu.dma_semaphore, #tpu.memory_space<semaphore_mem>>)
          %dma_wait3A = tpu.memref_slice %arg17[%multiple_of3A_265] : memref<2112xi32, #tpu.memory_space<vmem>> -> memref<64xi32, #tpu.memory_space<vmem>>
          %dma_wait3A_276 = tpu.memref_slice %arg7[%add3A, %multiple_of3A_269] : memref<32x278784xi32, #tpu.memory_space<hbm>> -> memref<1x64xi32, #tpu.memory_space<hbm>>
          %dma_wait3A_277 = tpu.memref_squeeze %dma_wait3A_276 : memref<1x64xi32, #tpu.memory_space<hbm>> -> memref<64xi32, #tpu.memory_space<hbm>>
          %dma_wait3A_278 = tpu.memref_slice %arg7[%add3A, %multiple_of3A_269] : memref<32x278784xi32, #tpu.memory_space<hbm>> -> memref<1x64xi32, #tpu.memory_space<hbm>>
          %dma_wait3A_279 = tpu.memref_squeeze %dma_wait3A_278 : memref<1x64xi32, #tpu.memory_space<hbm>> -> memref<64xi32, #tpu.memory_space<hbm>>
          %dma_wait3A_280 = tpu.memref_slice %arg17[%multiple_of3A_265] : memref<2112xi32, #tpu.memory_space<vmem>> -> memref<64xi32, #tpu.memory_space<vmem>>
          tpu.wait_dma2 semaphore(%run_scoped3A : memref<!tpu.dma_semaphore, #tpu.memory_space<semaphore_mem>>) src(%dma_wait3A_280 : memref<64xi32, #tpu.memory_space<vmem>>) dst(%dma_wait3A_279 : memref<64xi32, #tpu.memory_space<hbm>>)
          tpu.yield
        }) : () -> ()
        "tpu.region"() ({
          %run_scoped3A = tpu.sem_alloc : memref<!tpu.dma_semaphore, #tpu.memory_space<semaphore_mem>>
          %dma_start3A = tpu.memref_slice %arg18[%multiple_of3A_265] : memref<2112xi32, #tpu.memory_space<vmem>> -> memref<64xi32, #tpu.memory_space<vmem>>
          %dma_start3A_271 = tpu.memref_slice %arg8[%add3A, %multiple_of3A_269] : memref<32x278784xi32, #tpu.memory_space<hbm>> -> memref<1x64xi32, #tpu.memory_space<hbm>>
          %dma_start3A_272 = tpu.memref_squeeze %dma_start3A_271 : memref<1x64xi32, #tpu.memory_space<hbm>> -> memref<64xi32, #tpu.memory_space<hbm>>
          %dma_start3A_273 = tpu.memref_slice %arg8[%add3A, %multiple_of3A_269] : memref<32x278784xi32, #tpu.memory_space<hbm>> -> memref<1x64xi32, #tpu.memory_space<hbm>>
          %dma_start3A_274 = tpu.memref_squeeze %dma_start3A_273 : memref<1x64xi32, #tpu.memory_space<hbm>> -> memref<64xi32, #tpu.memory_space<hbm>>
          %dma_start3A_275 = tpu.memref_slice %arg18[%multiple_of3A_265] : memref<2112xi32, #tpu.memory_space<vmem>> -> memref<64xi32, #tpu.memory_space<vmem>>
          tpu.enqueue_dma source(%dma_start3A_275 : memref<64xi32, #tpu.memory_space<vmem>>) target(%dma_start3A_274 : memref<64xi32, #tpu.memory_space<hbm>>) target_semaphore(%run_scoped3A : memref<!tpu.dma_semaphore, #tpu.memory_space<semaphore_mem>>)
          %dma_wait3A = tpu.memref_slice %arg18[%multiple_of3A_265] : memref<2112xi32, #tpu.memory_space<vmem>> -> memref<64xi32, #tpu.memory_space<vmem>>
          %dma_wait3A_276 = tpu.memref_slice %arg8[%add3A, %multiple_of3A_269] : memref<32x278784xi32, #tpu.memory_space<hbm>> -> memref<1x64xi32, #tpu.memory_space<hbm>>
          %dma_wait3A_277 = tpu.memref_squeeze %dma_wait3A_276 : memref<1x64xi32, #tpu.memory_space<hbm>> -> memref<64xi32, #tpu.memory_space<hbm>>
          %dma_wait3A_278 = tpu.memref_slice %arg8[%add3A, %multiple_of3A_269] : memref<32x278784xi32, #tpu.memory_space<hbm>> -> memref<1x64xi32, #tpu.memory_space<hbm>>
          %dma_wait3A_279 = tpu.memref_squeeze %dma_wait3A_278 : memref<1x64xi32, #tpu.memory_space<hbm>> -> memref<64xi32, #tpu.memory_space<hbm>>
          %dma_wait3A_280 = tpu.memref_slice %arg18[%multiple_of3A_265] : memref<2112xi32, #tpu.memory_space<vmem>> -> memref<64xi32, #tpu.memory_space<vmem>>
          tpu.wait_dma2 semaphore(%run_scoped3A : memref<!tpu.dma_semaphore, #tpu.memory_space<semaphore_mem>>) src(%dma_wait3A_280 : memref<64xi32, #tpu.memory_space<vmem>>) dst(%dma_wait3A_279 : memref<64xi32, #tpu.memory_space<hbm>>)
          tpu.yield
        }) : () -> ()
        "tpu.region"() ({
          %run_scoped3A = tpu.sem_alloc : memref<!tpu.dma_semaphore, #tpu.memory_space<semaphore_mem>>
          %dma_start3A = tpu.memref_slice %arg19[%multiple_of3A_265] : memref<2112xf32, #tpu.memory_space<vmem>> -> memref<64xf32, #tpu.memory_space<vmem>>
          %dma_start3A_271 = tpu.memref_slice %arg9[%add3A, %multiple_of3A_269] : memref<32x278784xf32, #tpu.memory_space<hbm>> -> memref<1x64xf32, #tpu.memory_space<hbm>>
          %dma_start3A_272 = tpu.memref_squeeze %dma_start3A_271 : memref<1x64xf32, #tpu.memory_space<hbm>> -> memref<64xf32, #tpu.memory_space<hbm>>
          %dma_start3A_273 = tpu.memref_slice %arg9[%add3A, %multiple_of3A_269] : memref<32x278784xf32, #tpu.memory_space<hbm>> -> memref<1x64xf32, #tpu.memory_space<hbm>>
          %dma_start3A_274 = tpu.memref_squeeze %dma_start3A_273 : memref<1x64xf32, #tpu.memory_space<hbm>> -> memref<64xf32, #tpu.memory_space<hbm>>
          %dma_start3A_275 = tpu.memref_slice %arg19[%multiple_of3A_265] : memref<2112xf32, #tpu.memory_space<vmem>> -> memref<64xf32, #tpu.memory_space<vmem>>
          tpu.enqueue_dma source(%dma_start3A_275 : memref<64xf32, #tpu.memory_space<vmem>>) target(%dma_start3A_274 : memref<64xf32, #tpu.memory_space<hbm>>) target_semaphore(%run_scoped3A : memref<!tpu.dma_semaphore, #tpu.memory_space<semaphore_mem>>)
          %dma_wait3A = tpu.memref_slice %arg19[%multiple_of3A_265] : memref<2112xf32, #tpu.memory_space<vmem>> -> memref<64xf32, #tpu.memory_space<vmem>>
          %dma_wait3A_276 = tpu.memref_slice %arg9[%add3A, %multiple_of3A_269] : memref<32x278784xf32, #tpu.memory_space<hbm>> -> memref<1x64xf32, #tpu.memory_space<hbm>>
          %dma_wait3A_277 = tpu.memref_squeeze %dma_wait3A_276 : memref<1x64xf32, #tpu.memory_space<hbm>> -> memref<64xf32, #tpu.memory_space<hbm>>
          %dma_wait3A_278 = tpu.memref_slice %arg9[%add3A, %multiple_of3A_269] : memref<32x278784xf32, #tpu.memory_space<hbm>> -> memref<1x64xf32, #tpu.memory_space<hbm>>
          %dma_wait3A_279 = tpu.memref_squeeze %dma_wait3A_278 : memref<1x64xf32, #tpu.memory_space<hbm>> -> memref<64xf32, #tpu.memory_space<hbm>>
          %dma_wait3A_280 = tpu.memref_slice %arg19[%multiple_of3A_265] : memref<2112xf32, #tpu.memory_space<vmem>> -> memref<64xf32, #tpu.memory_space<vmem>>
          tpu.wait_dma2 semaphore(%run_scoped3A : memref<!tpu.dma_semaphore, #tpu.memory_space<semaphore_mem>>) src(%dma_wait3A_280 : memref<64xf32, #tpu.memory_space<vmem>>) dst(%dma_wait3A_279 : memref<64xf32, #tpu.memory_space<hbm>>)
          tpu.yield
        }) : () -> ()
        %while3A_270 = arith.constant 0 : i32
        scf.yield %while3A_270 : i32
      }
      %mul3A_258 = arith.constant 64 : i32
      %mul3A_259 = arith.muli %select_n3A_245, %mul3A_258 : i32
      %add3A_260 = arith.addi %scan3A_70, %mul3A_259 : i32
      scf.yield %add3A_260 : i32
    }
    %scan3A_21 = arith.constant 132 : i32
    %mul3A_22 = arith.constant 256 : i32
    %mul3A_23 = arith.muli %add3A_6, %mul3A_22 : i32
    %mul3A_24 = arith.constant 256 : i32
    %mul3A_25 = arith.muli %mul3A_23, %mul3A_24 : i32
    %multiple_of3A = tpu.assume_multiple %mul3A_25, 65536 : i32
    "tpu.region"() ({
      %run_scoped3A = tpu.sem_alloc : memref<!tpu.dma_semaphore, #tpu.memory_space<semaphore_mem>>
      %dma_start3A = tpu.memref_slice %arg6[%multiple_of3A] : memref<4194304xf32, #tpu.memory_space<hbm>> -> memref<65536xf32, #tpu.memory_space<hbm>>
      %dma_start3A_69 = tpu.memref_slice %arg6[%multiple_of3A] : memref<4194304xf32, #tpu.memory_space<hbm>> -> memref<65536xf32, #tpu.memory_space<hbm>>
      tpu.enqueue_dma source(%arg10 : memref<65536xf32, #tpu.memory_space<vmem>>) target(%dma_start3A_69 : memref<65536xf32, #tpu.memory_space<hbm>>) target_semaphore(%run_scoped3A : memref<!tpu.dma_semaphore, #tpu.memory_space<semaphore_mem>>)
      %dma_wait3A = tpu.memref_slice %arg6[%multiple_of3A] : memref<4194304xf32, #tpu.memory_space<hbm>> -> memref<65536xf32, #tpu.memory_space<hbm>>
      %dma_wait3A_70 = tpu.memref_slice %arg6[%multiple_of3A] : memref<4194304xf32, #tpu.memory_space<hbm>> -> memref<65536xf32, #tpu.memory_space<hbm>>
      tpu.wait_dma2 semaphore(%run_scoped3A : memref<!tpu.dma_semaphore, #tpu.memory_space<semaphore_mem>>) src(%arg10 : memref<65536xf32, #tpu.memory_space<vmem>>) dst(%dma_wait3A_70 : memref<65536xf32, #tpu.memory_space<hbm>>)
      tpu.yield
    }) : () -> ()
    %scan3A_26 = arith.constant 0 : i32
    %scan3A_27 = arith.constant 0 : i32
    %scan3A_28 = arith.constant 4096 : i32
    %scan3A_29 = arith.addi %scan3A_27, %scan3A_28 : i32
    %scan3A_30 = arith.constant 1 : i32
    %scan3A_31 = scf.for %scan3A_69 = %scan3A_27 to %scan3A_29 step %scan3A_30 iter_args(%scan3A_70 = %scan3A_26) -> (i32)  : i32 {
      %mul3A_71 = arith.constant 16 : i32
      %mul3A_72 = arith.muli %scan3A_69, %mul3A_71 : i32
      %swap3A = arith.index_cast %mul3A_72 : i32 to index
      %swap3A_73 = tpu.vector_load %arg10[%swap3A] {strides = array<i32>} : memref<65536xf32, #tpu.memory_space<vmem>>, vector<16xf32>,
      tpu.vector_store %arg10[%swap3A], %broadcast_in_dim3A_1 {strides = array<i32>} : memref<65536xf32, #tpu.memory_space<vmem>>, vector<16xf32>,
      %scan3A_74 = arith.constant 0 : i32
      scf.yield %scan3A_74 : i32
    }
    %scan3A_32 = arith.constant 4096 : i32
    %add3A_33 = arith.constant 2048 : i32
    %add3A_34 = arith.addi %scan3A_20, %add3A_33 : i32
    %sub3A = arith.constant 1 : i32
    %sub3A_35 = arith.subi %add3A_34, %sub3A : i32
    %jit3A = arith.constant 2048 : i32
    %div3A = arith.divsi %sub3A_35, %jit3A : i32
    %sign3A = arith.constant 0 : i32
    %sign3A_36 = arith.cmpi sgt, %sub3A_35, %sign3A : i32
    %sign3A_37 = arith.extui %sign3A_36 : i1 to i32
    %sign3A_38 = arith.constant 0 : i32
    %sign3A_39 = arith.cmpi slt, %sub3A_35, %sign3A_38 : i32
    %sign3A_40 = arith.extui %sign3A_39 : i1 to i32
    %sign3A_41 = arith.subi %sign3A_37, %sign3A_40 : i32
    %sign3A_42 = arith.constant 0 : i32
    %sign3A_43 = arith.cmpi sgt, %jit3A, %sign3A_42 : i32
    %sign3A_44 = arith.extui %sign3A_43 : i1 to i32
    %sign3A_45 = arith.constant 0 : i32
    %sign3A_46 = arith.cmpi slt, %jit3A, %sign3A_45 : i32
    %sign3A_47 = arith.extui %sign3A_46 : i1 to i32
    %sign3A_48 = arith.subi %sign3A_44, %sign3A_47 : i32
    %ne3A = arith.cmpi ne, %sign3A_41, %sign3A_48 : i32
    %rem3A = arith.remsi %sub3A_35, %jit3A : i32
    %ne3A_49 = arith.constant 0 : i32
    %ne3A_50 = arith.cmpi ne, %rem3A, %ne3A_49 : i32
    %and3A = arith.andi %ne3A, %ne3A_50 : i1
    %sub3A_51 = arith.constant 1 : i32
    %sub3A_52 = arith.subi %div3A, %sub3A_51 : i32
    %select_n3A = arith.select %and3A, %sub3A_52, %div3A : i32
    %while3A = arith.constant 0 : i32
    %while3A_53 = arith.constant 0 : i32
    %while3A_54 = arith.subi %select_n3A, %while3A : i32
    %while3A_55 = arith.addi %while3A, %while3A_54 : i32
    %while3A_56 = arith.constant 1 : i32
    %while3A_57 = arith.divsi %while3A_54, %while3A_56 : i32
    %while3A_58 = arith.muli %while3A_57, %while3A_56 : i32
    %while3A_59 = arith.addi %while3A, %while3A_58 : i32
    %while3A_60 = arith.constant 1 : i32
    %while3A_61 = scf.for %while3A_69 = %while3A to %while3A_59 step %while3A_60 iter_args(%while3A_70 = %while3A_53) -> (i32)  : i32 {
      %mul3A_71 = arith.constant 2048 : i32
      %mul3A_72 = arith.muli %while3A_69, %mul3A_71 : i32
      %multiple_of3A_73 = tpu.assume_multiple %mul3A_72, 2048 : i32
      "tpu.region"() ({
        %run_scoped3A = tpu.sem_alloc : memref<!tpu.dma_semaphore, #tpu.memory_space<semaphore_mem>>
        %dma_start3A = tpu.memref_slice %arg7[%add3A, %multiple_of3A_73] : memref<32x278784xi32, #tpu.memory_space<hbm>> -> memref<1x2048xi32, #tpu.memory_space<hbm>>
        %dma_start3A_113 = tpu.memref_squeeze %dma_start3A : memref<1x2048xi32, #tpu.memory_space<hbm>> -> memref<2048xi32, #tpu.memory_space<hbm>>
        %dma_start3A_114 = tpu.memref_slice %arg7[%add3A, %multiple_of3A_73] : memref<32x278784xi32, #tpu.memory_space<hbm>> -> memref<1x2048xi32, #tpu.memory_space<hbm>>
        %dma_start3A_115 = tpu.memref_squeeze %dma_start3A_114 : memref<1x2048xi32, #tpu.memory_space<hbm>> -> memref<2048xi32, #tpu.memory_space<hbm>>
        tpu.enqueue_dma source(%dma_start3A_115 : memref<2048xi32, #tpu.memory_space<hbm>>) target(%arg11 : memref<2048xi32, #tpu.memory_space<vmem>>) target_semaphore(%run_scoped3A : memref<!tpu.dma_semaphore, #tpu.memory_space<semaphore_mem>>)
        %dma_wait3A = tpu.memref_slice %arg7[%add3A, %multiple_of3A_73] : memref<32x278784xi32, #tpu.memory_space<hbm>> -> memref<1x2048xi32, #tpu.memory_space<hbm>>
        %dma_wait3A_116 = tpu.memref_squeeze %dma_wait3A : memref<1x2048xi32, #tpu.memory_space<hbm>> -> memref<2048xi32, #tpu.memory_space<hbm>>
        %dma_wait3A_117 = tpu.memref_slice %arg7[%add3A, %multiple_of3A_73] : memref<32x278784xi32, #tpu.memory_space<hbm>> -> memref<1x2048xi32, #tpu.memory_space<hbm>>
        %dma_wait3A_118 = tpu.memref_squeeze %dma_wait3A_117 : memref<1x2048xi32, #tpu.memory_space<hbm>> -> memref<2048xi32, #tpu.memory_space<hbm>>
        tpu.wait_dma2 semaphore(%run_scoped3A : memref<!tpu.dma_semaphore, #tpu.memory_space<semaphore_mem>>) src(%dma_wait3A_118 : memref<2048xi32, #tpu.memory_space<hbm>>) dst(%arg11 : memref<2048xi32, #tpu.memory_space<vmem>>)
        tpu.yield
      }) : () -> ()
      "tpu.region"() ({
        %run_scoped3A = tpu.sem_alloc : memref<!tpu.dma_semaphore, #tpu.memory_space<semaphore_mem>>
        %dma_start3A = tpu.memref_slice %arg8[%add3A, %multiple_of3A_73] : memref<32x278784xi32, #tpu.memory_space<hbm>> -> memref<1x2048xi32, #tpu.memory_space<hbm>>
        %dma_start3A_113 = tpu.memref_squeeze %dma_start3A : memref<1x2048xi32, #tpu.memory_space<hbm>> -> memref<2048xi32, #tpu.memory_space<hbm>>
        %dma_start3A_114 = tpu.memref_slice %arg8[%add3A, %multiple_of3A_73] : memref<32x278784xi32, #tpu.memory_space<hbm>> -> memref<1x2048xi32, #tpu.memory_space<hbm>>
        %dma_start3A_115 = tpu.memref_squeeze %dma_start3A_114 : memref<1x2048xi32, #tpu.memory_space<hbm>> -> memref<2048xi32, #tpu.memory_space<hbm>>
        tpu.enqueue_dma source(%dma_start3A_115 : memref<2048xi32, #tpu.memory_space<hbm>>) target(%arg12 : memref<2048xi32, #tpu.memory_space<vmem>>) target_semaphore(%run_scoped3A : memref<!tpu.dma_semaphore, #tpu.memory_space<semaphore_mem>>)
        %dma_wait3A = tpu.memref_slice %arg8[%add3A, %multiple_of3A_73] : memref<32x278784xi32, #tpu.memory_space<hbm>> -> memref<1x2048xi32, #tpu.memory_space<hbm>>
        %dma_wait3A_116 = tpu.memref_squeeze %dma_wait3A : memref<1x2048xi32, #tpu.memory_space<hbm>> -> memref<2048xi32, #tpu.memory_space<hbm>>
        %dma_wait3A_117 = tpu.memref_slice %arg8[%add3A, %multiple_of3A_73] : memref<32x278784xi32, #tpu.memory_space<hbm>> -> memref<1x2048xi32, #tpu.memory_space<hbm>>
        %dma_wait3A_118 = tpu.memref_squeeze %dma_wait3A_117 : memref<1x2048xi32, #tpu.memory_space<hbm>> -> memref<2048xi32, #tpu.memory_space<hbm>>
        tpu.wait_dma2 semaphore(%run_scoped3A : memref<!tpu.dma_semaphore, #tpu.memory_space<semaphore_mem>>) src(%dma_wait3A_118 : memref<2048xi32, #tpu.memory_space<hbm>>) dst(%arg12 : memref<2048xi32, #tpu.memory_space<vmem>>)
        tpu.yield
      }) : () -> ()
      "tpu.region"() ({
        %run_scoped3A = tpu.sem_alloc : memref<!tpu.dma_semaphore, #tpu.memory_space<semaphore_mem>>
        %dma_start3A = tpu.memref_slice %arg9[%add3A, %multiple_of3A_73] : memref<32x278784xf32, #tpu.memory_space<hbm>> -> memref<1x2048xf32, #tpu.memory_space<hbm>>
        %dma_start3A_113 = tpu.memref_squeeze %dma_start3A : memref<1x2048xf32, #tpu.memory_space<hbm>> -> memref<2048xf32, #tpu.memory_space<hbm>>
        %dma_start3A_114 = tpu.memref_slice %arg9[%add3A, %multiple_of3A_73] : memref<32x278784xf32, #tpu.memory_space<hbm>> -> memref<1x2048xf32, #tpu.memory_space<hbm>>
        %dma_start3A_115 = tpu.memref_squeeze %dma_start3A_114 : memref<1x2048xf32, #tpu.memory_space<hbm>> -> memref<2048xf32, #tpu.memory_space<hbm>>
        tpu.enqueue_dma source(%dma_start3A_115 : memref<2048xf32, #tpu.memory_space<hbm>>) target(%arg13 : memref<2048xf32, #tpu.memory_space<vmem>>) target_semaphore(%run_scoped3A : memref<!tpu.dma_semaphore, #tpu.memory_space<semaphore_mem>>)
        %dma_wait3A = tpu.memref_slice %arg9[%add3A, %multiple_of3A_73] : memref<32x278784xf32, #tpu.memory_space<hbm>> -> memref<1x2048xf32, #tpu.memory_space<hbm>>
        %dma_wait3A_116 = tpu.memref_squeeze %dma_wait3A : memref<1x2048xf32, #tpu.memory_space<hbm>> -> memref<2048xf32, #tpu.memory_space<hbm>>
        %dma_wait3A_117 = tpu.memref_slice %arg9[%add3A, %multiple_of3A_73] : memref<32x278784xf32, #tpu.memory_space<hbm>> -> memref<1x2048xf32, #tpu.memory_space<hbm>>
        %dma_wait3A_118 = tpu.memref_squeeze %dma_wait3A_117 : memref<1x2048xf32, #tpu.memory_space<hbm>> -> memref<2048xf32, #tpu.memory_space<hbm>>
        tpu.wait_dma2 semaphore(%run_scoped3A : memref<!tpu.dma_semaphore, #tpu.memory_space<semaphore_mem>>) src(%dma_wait3A_118 : memref<2048xf32, #tpu.memory_space<hbm>>) dst(%arg13 : memref<2048xf32, #tpu.memory_space<vmem>>)
        tpu.yield
      }) : () -> ()
      %sub3A_74 = arith.subi %scan3A_20, %multiple_of3A_73 : i32
      %min3A = arith.constant 2048 : i32
      %min3A_75 = arith.minsi %sub3A_74, %min3A : i32
      %jit3A_76 = arith.constant 64 : i32
      %div3A_77 = arith.divsi %min3A_75, %jit3A_76 : i32
      %sign3A_78 = arith.constant 0 : i32
      %sign3A_79 = arith.cmpi sgt, %min3A_75, %sign3A_78 : i32
      %sign3A_80 = arith.extui %sign3A_79 : i1 to i32
      %sign3A_81 = arith.constant 0 : i32
      %sign3A_82 = arith.cmpi slt, %min3A_75, %sign3A_81 : i32
      %sign3A_83 = arith.extui %sign3A_82 : i1 to i32
      %sign3A_84 = arith.subi %sign3A_80, %sign3A_83 : i32
      %sign3A_85 = arith.constant 0 : i32
      %sign3A_86 = arith.cmpi sgt, %jit3A_76, %sign3A_85 : i32
      %sign3A_87 = arith.extui %sign3A_86 : i1 to i32
      %sign3A_88 = arith.constant 0 : i32
      %sign3A_89 = arith.cmpi slt, %jit3A_76, %sign3A_88 : i32
      %sign3A_90 = arith.extui %sign3A_89 : i1 to i32
      %sign3A_91 = arith.subi %sign3A_87, %sign3A_90 : i32
      %ne3A_92 = arith.cmpi ne, %sign3A_84, %sign3A_91 : i32
      %rem3A_93 = arith.remsi %min3A_75, %jit3A_76 : i32
      %ne3A_94 = arith.constant 0 : i32
      %ne3A_95 = arith.cmpi ne, %rem3A_93, %ne3A_94 : i32
      %and3A_96 = arith.andi %ne3A_92, %ne3A_95 : i1
      %sub3A_97 = arith.constant 1 : i32
      %sub3A_98 = arith.subi %div3A_77, %sub3A_97 : i32
      %select_n3A_99 = arith.select %and3A_96, %sub3A_98, %div3A_77 : i32
      %while3A_100 = arith.constant 0 : i32
      %while3A_101 = arith.constant 0 : i32
      %while3A_102 = arith.subi %select_n3A_99, %while3A_100 : i32
      %while3A_103 = arith.addi %while3A_100, %while3A_102 : i32
      %while3A_104 = arith.constant 1 : i32
      %while3A_105 = arith.divsi %while3A_102, %while3A_104 : i32
      %while3A_106 = arith.muli %while3A_105, %while3A_104 : i32
      %while3A_107 = arith.addi %while3A_100, %while3A_106 : i32
      %while3A_108 = arith.constant 1 : i32
      %while3A_109 = scf.for %while3A_113 = %while3A_100 to %while3A_107 step %while3A_108 iter_args(%while3A_114 = %while3A_101) -> (i32)  : i32 {
        %mul3A_115 = arith.constant 64 : i32
        %mul3A_116 = arith.muli %while3A_113, %mul3A_115 : i32
        %multiple_of3A_117 = tpu.assume_multiple %mul3A_116, 64 : i32
        %dma_start3A = tpu.memref_slice %arg12[%multiple_of3A_117] : memref<2048xi32, #tpu.memory_space<vmem>> -> memref<64xi32, #tpu.memory_space<vmem>>
        %dma_start3A_118 = arith.constant 0 : i32
        %dma_start3A_119 = arith.constant 0 : i32
        %dma_start3A_120 = tpu.memref_slice %arg2[%dma_start3A_118, %dma_start3A_119] : memref<16384x256xf32, #tpu.memory_space<hbm>> -> memref<16384x256xf32, #tpu.memory_space<hbm>>
        tpu.enqueue_indirect_dma source(%dma_start3A_120 : memref<16384x256xf32, #tpu.memory_space<hbm>>) target(%arg20 : memref<64x256xf32, #tpu.memory_space<vmem>>) offsets(%dma_start3A : memref<64xi32, #tpu.memory_space<vmem>>) semaphore(%arg21 : memref<!tpu.dma_semaphore, #tpu.memory_space<semaphore_mem>>)
        %dma_wait3A = tpu.memref_slice %arg12[%multiple_of3A_117] : memref<2048xi32, #tpu.memory_space<vmem>> -> memref<64xi32, #tpu.memory_space<vmem>>
        %dma_wait3A_121 = arith.constant 0 : i32
        %dma_wait3A_122 = arith.constant 0 : i32
        %dma_wait3A_123 = tpu.memref_slice %arg2[%dma_wait3A_121, %dma_wait3A_122] : memref<16384x256xf32, #tpu.memory_space<hbm>> -> memref<16384x256xf32, #tpu.memory_space<hbm>>
        tpu.wait_indirect_dma semaphore(%arg21 : memref<!tpu.dma_semaphore, #tpu.memory_space<semaphore_mem>>) src(%dma_wait3A_123 : memref<16384x256xf32, #tpu.memory_space<hbm>>) dst(%arg20 : memref<64x256xf32, #tpu.memory_space<vmem>>)
        %scan3A_124 = arith.constant 0 : i32
        %scan3A_125 = arith.constant 0 : i32
        %scan3A_126 = arith.constant 64 : i32
        %scan3A_127 = arith.addi %scan3A_125, %scan3A_126 : i32
        %scan3A_128 = arith.constant 1 : i32
        %scan3A_129 = scf.for %scan3A_132 = %scan3A_125 to %scan3A_127 step %scan3A_128 iter_args(%scan3A_133 = %scan3A_124) -> (i32)  : i32 {
          %add3A_134 = arith.addi %multiple_of3A_117, %scan3A_132 : i32
          %broadcast_in_dim3A_135 = vector.broadcast %add3A_134 : i32 to vector<16xi32>
          %gather3A = tpu.vector_load_idx %arg11[%broadcast_in_dim3A_135] : memref<2048xi32, #tpu.memory_space<vmem>>[vector<16xi32>], vector<16xi32>,
          %gather3A_136 = tpu.vector_load_idx %arg13[%broadcast_in_dim3A_135] : memref<2048xf32, #tpu.memory_space<vmem>>[vector<16xi32>], vector<16xf32>,
          %mul3A_137 = arith.constant 256 : i32
          %mul3A_138 = vector.broadcast %mul3A_137 : i32 to vector<16xi32>
          %mul3A_139 = arith.muli %gather3A, %mul3A_138 : vector<16xi32>
          %add3A_140 = arith.addi %mul3A_139, %iota3A : vector<16xi32>
          %get3A = arith.index_cast %scan3A_132 : i32 to index
          %get3A_141 = arith.constant 0 : index
          %get3A_142 = tpu.vector_load %arg20[%get3A, %get3A_141] {strides = array<i32>} : memref<64x256xf32, #tpu.memory_space<vmem>>, vector<16xf32>,
          %add3A_143 = arith.constant 0 : i32
          %add3A_144 = vector.broadcast %add3A_143 : i32 to vector<16xi32>
          %add3A_145 = arith.addi %add3A_140, %add3A_144 : vector<16xi32>
          %mul3A_146 = arith.mulf %get3A_142, %gather3A_136 : vector<16xf32>
          tpu.vector_store_idx %arg10[%add3A_145], %mul3A_146 {add = true} : memref<65536xf32, #tpu.memory_space<vmem>>[vector<16xi32>], vector<16xf32>,
          %get3A_147 = arith.index_cast %scan3A_132 : i32 to index
          %get3A_148 = arith.constant 16 : index
          %get3A_149 = tpu.vector_load %arg20[%get3A_147, %get3A_148] {strides = array<i32>} : memref<64x256xf32, #tpu.memory_space<vmem>>, vector<16xf32>,
          %add3A_150 = arith.constant 16 : i32
          %add3A_151 = vector.broadcast %add3A_150 : i32 to vector<16xi32>
          %add3A_152 = arith.addi %add3A_140, %add3A_151 : vector<16xi32>
          %mul3A_153 = arith.mulf %get3A_149, %gather3A_136 : vector<16xf32>
          tpu.vector_store_idx %arg10[%add3A_152], %mul3A_153 {add = true} : memref<65536xf32, #tpu.memory_space<vmem>>[vector<16xi32>], vector<16xf32>,
          %get3A_154 = arith.index_cast %scan3A_132 : i32 to index
          %get3A_155 = arith.constant 32 : index
          %get3A_156 = tpu.vector_load %arg20[%get3A_154, %get3A_155] {strides = array<i32>} : memref<64x256xf32, #tpu.memory_space<vmem>>, vector<16xf32>,
          %add3A_157 = arith.constant 32 : i32
          %add3A_158 = vector.broadcast %add3A_157 : i32 to vector<16xi32>
          %add3A_159 = arith.addi %add3A_140, %add3A_158 : vector<16xi32>
          %mul3A_160 = arith.mulf %get3A_156, %gather3A_136 : vector<16xf32>
          tpu.vector_store_idx %arg10[%add3A_159], %mul3A_160 {add = true} : memref<65536xf32, #tpu.memory_space<vmem>>[vector<16xi32>], vector<16xf32>,
          %get3A_161 = arith.index_cast %scan3A_132 : i32 to index
          %get3A_162 = arith.constant 48 : index
          %get3A_163 = tpu.vector_load %arg20[%get3A_161, %get3A_162] {strides = array<i32>} : memref<64x256xf32, #tpu.memory_space<vmem>>, vector<16xf32>,
          %add3A_164 = arith.constant 48 : i32
          %add3A_165 = vector.broadcast %add3A_164 : i32 to vector<16xi32>
          %add3A_166 = arith.addi %add3A_140, %add3A_165 : vector<16xi32>
          %mul3A_167 = arith.mulf %get3A_163, %gather3A_136 : vector<16xf32>
          tpu.vector_store_idx %arg10[%add3A_166], %mul3A_167 {add = true} : memref<65536xf32, #tpu.memory_space<vmem>>[vector<16xi32>], vector<16xf32>,
          %get3A_168 = arith.index_cast %scan3A_132 : i32 to index
          %get3A_169 = arith.constant 64 : index
          %get3A_170 = tpu.vector_load %arg20[%get3A_168, %get3A_169] {strides = array<i32>} : memref<64x256xf32, #tpu.memory_space<vmem>>, vector<16xf32>,
          %add3A_171 = arith.constant 64 : i32
          %add3A_172 = vector.broadcast %add3A_171 : i32 to vector<16xi32>
          %add3A_173 = arith.addi %add3A_140, %add3A_172 : vector<16xi32>
          %mul3A_174 = arith.mulf %get3A_170, %gather3A_136 : vector<16xf32>
          tpu.vector_store_idx %arg10[%add3A_173], %mul3A_174 {add = true} : memref<65536xf32, #tpu.memory_space<vmem>>[vector<16xi32>], vector<16xf32>,
          %get3A_175 = arith.index_cast %scan3A_132 : i32 to index
          %get3A_176 = arith.constant 80 : index
          %get3A_177 = tpu.vector_load %arg20[%get3A_175, %get3A_176] {strides = array<i32>} : memref<64x256xf32, #tpu.memory_space<vmem>>, vector<16xf32>,
          %add3A_178 = arith.constant 80 : i32
          %add3A_179 = vector.broadcast %add3A_178 : i32 to vector<16xi32>
          %add3A_180 = arith.addi %add3A_140, %add3A_179 : vector<16xi32>
          %mul3A_181 = arith.mulf %get3A_177, %gather3A_136 : vector<16xf32>
          tpu.vector_store_idx %arg10[%add3A_180], %mul3A_181 {add = true} : memref<65536xf32, #tpu.memory_space<vmem>>[vector<16xi32>], vector<16xf32>,
          %get3A_182 = arith.index_cast %scan3A_132 : i32 to index
          %get3A_183 = arith.constant 96 : index
          %get3A_184 = tpu.vector_load %arg20[%get3A_182, %get3A_183] {strides = array<i32>} : memref<64x256xf32, #tpu.memory_space<vmem>>, vector<16xf32>,
          %add3A_185 = arith.constant 96 : i32
          %add3A_186 = vector.broadcast %add3A_185 : i32 to vector<16xi32>
          %add3A_187 = arith.addi %add3A_140, %add3A_186 : vector<16xi32>
          %mul3A_188 = arith.mulf %get3A_184, %gather3A_136 : vector<16xf32>
          tpu.vector_store_idx %arg10[%add3A_187], %mul3A_188 {add = true} : memref<65536xf32, #tpu.memory_space<vmem>>[vector<16xi32>], vector<16xf32>,
          %get3A_189 = arith.index_cast %scan3A_132 : i32 to index
          %get3A_190 = arith.constant 112 : index
          %get3A_191 = tpu.vector_load %arg20[%get3A_189, %get3A_190] {strides = array<i32>} : memref<64x256xf32, #tpu.memory_space<vmem>>, vector<16xf32>,
          %add3A_192 = arith.constant 112 : i32
          %add3A_193 = vector.broadcast %add3A_192 : i32 to vector<16xi32>
          %add3A_194 = arith.addi %add3A_140, %add3A_193 : vector<16xi32>
          %mul3A_195 = arith.mulf %get3A_191, %gather3A_136 : vector<16xf32>
          tpu.vector_store_idx %arg10[%add3A_194], %mul3A_195 {add = true} : memref<65536xf32, #tpu.memory_space<vmem>>[vector<16xi32>], vector<16xf32>,
          %get3A_196 = arith.index_cast %scan3A_132 : i32 to index
          %get3A_197 = arith.constant 128 : index
          %get3A_198 = tpu.vector_load %arg20[%get3A_196, %get3A_197] {strides = array<i32>} : memref<64x256xf32, #tpu.memory_space<vmem>>, vector<16xf32>,
          %add3A_199 = arith.constant 128 : i32
          %add3A_200 = vector.broadcast %add3A_199 : i32 to vector<16xi32>
          %add3A_201 = arith.addi %add3A_140, %add3A_200 : vector<16xi32>
          %mul3A_202 = arith.mulf %get3A_198, %gather3A_136 : vector<16xf32>
          tpu.vector_store_idx %arg10[%add3A_201], %mul3A_202 {add = true} : memref<65536xf32, #tpu.memory_space<vmem>>[vector<16xi32>], vector<16xf32>,
          %get3A_203 = arith.index_cast %scan3A_132 : i32 to index
          %get3A_204 = arith.constant 144 : index
          %get3A_205 = tpu.vector_load %arg20[%get3A_203, %get3A_204] {strides = array<i32>} : memref<64x256xf32, #tpu.memory_space<vmem>>, vector<16xf32>,
          %add3A_206 = arith.constant 144 : i32
          %add3A_207 = vector.broadcast %add3A_206 : i32 to vector<16xi32>
          %add3A_208 = arith.addi %add3A_140, %add3A_207 : vector<16xi32>
          %mul3A_209 = arith.mulf %get3A_205, %gather3A_136 : vector<16xf32>
          tpu.vector_store_idx %arg10[%add3A_208], %mul3A_209 {add = true} : memref<65536xf32, #tpu.memory_space<vmem>>[vector<16xi32>], vector<16xf32>,
          %get3A_210 = arith.index_cast %scan3A_132 : i32 to index
          %get3A_211 = arith.constant 160 : index
          %get3A_212 = tpu.vector_load %arg20[%get3A_210, %get3A_211] {strides = array<i32>} : memref<64x256xf32, #tpu.memory_space<vmem>>, vector<16xf32>,
          %add3A_213 = arith.constant 160 : i32
          %add3A_214 = vector.broadcast %add3A_213 : i32 to vector<16xi32>
          %add3A_215 = arith.addi %add3A_140, %add3A_214 : vector<16xi32>
          %mul3A_216 = arith.mulf %get3A_212, %gather3A_136 : vector<16xf32>
          tpu.vector_store_idx %arg10[%add3A_215], %mul3A_216 {add = true} : memref<65536xf32, #tpu.memory_space<vmem>>[vector<16xi32>], vector<16xf32>,
          %get3A_217 = arith.index_cast %scan3A_132 : i32 to index
          %get3A_218 = arith.constant 176 : index
          %get3A_219 = tpu.vector_load %arg20[%get3A_217, %get3A_218] {strides = array<i32>} : memref<64x256xf32, #tpu.memory_space<vmem>>, vector<16xf32>,
          %add3A_220 = arith.constant 176 : i32
          %add3A_221 = vector.broadcast %add3A_220 : i32 to vector<16xi32>
          %add3A_222 = arith.addi %add3A_140, %add3A_221 : vector<16xi32>
          %mul3A_223 = arith.mulf %get3A_219, %gather3A_136 : vector<16xf32>
          tpu.vector_store_idx %arg10[%add3A_222], %mul3A_223 {add = true} : memref<65536xf32, #tpu.memory_space<vmem>>[vector<16xi32>], vector<16xf32>,
          %get3A_224 = arith.index_cast %scan3A_132 : i32 to index
          %get3A_225 = arith.constant 192 : index
          %get3A_226 = tpu.vector_load %arg20[%get3A_224, %get3A_225] {strides = array<i32>} : memref<64x256xf32, #tpu.memory_space<vmem>>, vector<16xf32>,
          %add3A_227 = arith.constant 192 : i32
          %add3A_228 = vector.broadcast %add3A_227 : i32 to vector<16xi32>
          %add3A_229 = arith.addi %add3A_140, %add3A_228 : vector<16xi32>
          %mul3A_230 = arith.mulf %get3A_226, %gather3A_136 : vector<16xf32>
          tpu.vector_store_idx %arg10[%add3A_229], %mul3A_230 {add = true} : memref<65536xf32, #tpu.memory_space<vmem>>[vector<16xi32>], vector<16xf32>,
          %get3A_231 = arith.index_cast %scan3A_132 : i32 to index
          %get3A_232 = arith.constant 208 : index
          %get3A_233 = tpu.vector_load %arg20[%get3A_231, %get3A_232] {strides = array<i32>} : memref<64x256xf32, #tpu.memory_space<vmem>>, vector<16xf32>,
          %add3A_234 = arith.constant 208 : i32
          %add3A_235 = vector.broadcast %add3A_234 : i32 to vector<16xi32>
          %add3A_236 = arith.addi %add3A_140, %add3A_235 : vector<16xi32>
          %mul3A_237 = arith.mulf %get3A_233, %gather3A_136 : vector<16xf32>
          tpu.vector_store_idx %arg10[%add3A_236], %mul3A_237 {add = true} : memref<65536xf32, #tpu.memory_space<vmem>>[vector<16xi32>], vector<16xf32>,
          %get3A_238 = arith.index_cast %scan3A_132 : i32 to index
          %get3A_239 = arith.constant 224 : index
          %get3A_240 = tpu.vector_load %arg20[%get3A_238, %get3A_239] {strides = array<i32>} : memref<64x256xf32, #tpu.memory_space<vmem>>, vector<16xf32>,
          %add3A_241 = arith.constant 224 : i32
          %add3A_242 = vector.broadcast %add3A_241 : i32 to vector<16xi32>
          %add3A_243 = arith.addi %add3A_140, %add3A_242 : vector<16xi32>
          %mul3A_244 = arith.mulf %get3A_240, %gather3A_136 : vector<16xf32>
          tpu.vector_store_idx %arg10[%add3A_243], %mul3A_244 {add = true} : memref<65536xf32, #tpu.memory_space<vmem>>[vector<16xi32>], vector<16xf32>,
          %get3A_245 = arith.index_cast %scan3A_132 : i32 to index
          %get3A_246 = arith.constant 240 : index
          %get3A_247 = tpu.vector_load %arg20[%get3A_245, %get3A_246] {strides = array<i32>} : memref<64x256xf32, #tpu.memory_space<vmem>>, vector<16xf32>,
          %add3A_248 = arith.constant 240 : i32
          %add3A_249 = vector.broadcast %add3A_248 : i32 to vector<16xi32>
          %add3A_250 = arith.addi %add3A_140, %add3A_249 : vector<16xi32>
          %mul3A_251 = arith.mulf %get3A_247, %gather3A_136 : vector<16xf32>
          tpu.vector_store_idx %arg10[%add3A_250], %mul3A_251 {add = true} : memref<65536xf32, #tpu.memory_space<vmem>>[vector<16xi32>], vector<16xf32>,
          %scan3A_252 = arith.constant 0 : i32
          scf.yield %scan3A_252 : i32
        }
        %scan3A_130 = arith.constant 64 : i32
        %while3A_131 = arith.constant 0 : i32
        scf.yield %while3A_131 : i32
      }
      %while3A_110 = arith.constant 1 : i32
      %while3A_111 = scf.for %while3A_113 = %while3A_107 to %while3A_103 step %while3A_110 iter_args(%while3A_114 = %while3A_109) -> (i32)  : i32 {
        %mul3A_115 = arith.constant 64 : i32
        %mul3A_116 = arith.muli %while3A_113, %mul3A_115 : i32
        %multiple_of3A_117 = tpu.assume_multiple %mul3A_116, 64 : i32
        %dma_start3A = tpu.memref_slice %arg12[%multiple_of3A_117] : memref<2048xi32, #tpu.memory_space<vmem>> -> memref<64xi32, #tpu.memory_space<vmem>>
        %dma_start3A_118 = arith.constant 0 : i32
        %dma_start3A_119 = arith.constant 0 : i32
        %dma_start3A_120 = tpu.memref_slice %arg2[%dma_start3A_118, %dma_start3A_119] : memref<16384x256xf32, #tpu.memory_space<hbm>> -> memref<16384x256xf32, #tpu.memory_space<hbm>>
        tpu.enqueue_indirect_dma source(%dma_start3A_120 : memref<16384x256xf32, #tpu.memory_space<hbm>>) target(%arg20 : memref<64x256xf32, #tpu.memory_space<vmem>>) offsets(%dma_start3A : memref<64xi32, #tpu.memory_space<vmem>>) semaphore(%arg21 : memref<!tpu.dma_semaphore, #tpu.memory_space<semaphore_mem>>)
        %dma_wait3A = tpu.memref_slice %arg12[%multiple_of3A_117] : memref<2048xi32, #tpu.memory_space<vmem>> -> memref<64xi32, #tpu.memory_space<vmem>>
        %dma_wait3A_121 = arith.constant 0 : i32
        %dma_wait3A_122 = arith.constant 0 : i32
        %dma_wait3A_123 = tpu.memref_slice %arg2[%dma_wait3A_121, %dma_wait3A_122] : memref<16384x256xf32, #tpu.memory_space<hbm>> -> memref<16384x256xf32, #tpu.memory_space<hbm>>
        tpu.wait_indirect_dma semaphore(%arg21 : memref<!tpu.dma_semaphore, #tpu.memory_space<semaphore_mem>>) src(%dma_wait3A_123 : memref<16384x256xf32, #tpu.memory_space<hbm>>) dst(%arg20 : memref<64x256xf32, #tpu.memory_space<vmem>>)
        %scan3A_124 = arith.constant 0 : i32
        %scan3A_125 = arith.constant 0 : i32
        %scan3A_126 = arith.constant 64 : i32
        %scan3A_127 = arith.addi %scan3A_125, %scan3A_126 : i32
        %scan3A_128 = arith.constant 1 : i32
        %scan3A_129 = scf.for %scan3A_132 = %scan3A_125 to %scan3A_127 step %scan3A_128 iter_args(%scan3A_133 = %scan3A_124) -> (i32)  : i32 {
          %add3A_134 = arith.addi %multiple_of3A_117, %scan3A_132 : i32
          %broadcast_in_dim3A_135 = vector.broadcast %add3A_134 : i32 to vector<16xi32>
          %gather3A = tpu.vector_load_idx %arg11[%broadcast_in_dim3A_135] : memref<2048xi32, #tpu.memory_space<vmem>>[vector<16xi32>], vector<16xi32>,
          %gather3A_136 = tpu.vector_load_idx %arg13[%broadcast_in_dim3A_135] : memref<2048xf32, #tpu.memory_space<vmem>>[vector<16xi32>], vector<16xf32>,
          %mul3A_137 = arith.constant 256 : i32
          %mul3A_138 = vector.broadcast %mul3A_137 : i32 to vector<16xi32>
          %mul3A_139 = arith.muli %gather3A, %mul3A_138 : vector<16xi32>
          %add3A_140 = arith.addi %mul3A_139, %iota3A : vector<16xi32>
          %get3A = arith.index_cast %scan3A_132 : i32 to index
          %get3A_141 = arith.constant 0 : index
          %get3A_142 = tpu.vector_load %arg20[%get3A, %get3A_141] {strides = array<i32>} : memref<64x256xf32, #tpu.memory_space<vmem>>, vector<16xf32>,
          %add3A_143 = arith.constant 0 : i32
          %add3A_144 = vector.broadcast %add3A_143 : i32 to vector<16xi32>
          %add3A_145 = arith.addi %add3A_140, %add3A_144 : vector<16xi32>
          %mul3A_146 = arith.mulf %get3A_142, %gather3A_136 : vector<16xf32>
          tpu.vector_store_idx %arg10[%add3A_145], %mul3A_146 {add = true} : memref<65536xf32, #tpu.memory_space<vmem>>[vector<16xi32>], vector<16xf32>,
          %get3A_147 = arith.index_cast %scan3A_132 : i32 to index
          %get3A_148 = arith.constant 16 : index
          %get3A_149 = tpu.vector_load %arg20[%get3A_147, %get3A_148] {strides = array<i32>} : memref<64x256xf32, #tpu.memory_space<vmem>>, vector<16xf32>,
          %add3A_150 = arith.constant 16 : i32
          %add3A_151 = vector.broadcast %add3A_150 : i32 to vector<16xi32>
          %add3A_152 = arith.addi %add3A_140, %add3A_151 : vector<16xi32>
          %mul3A_153 = arith.mulf %get3A_149, %gather3A_136 : vector<16xf32>
          tpu.vector_store_idx %arg10[%add3A_152], %mul3A_153 {add = true} : memref<65536xf32, #tpu.memory_space<vmem>>[vector<16xi32>], vector<16xf32>,
          %get3A_154 = arith.index_cast %scan3A_132 : i32 to index
          %get3A_155 = arith.constant 32 : index
          %get3A_156 = tpu.vector_load %arg20[%get3A_154, %get3A_155] {strides = array<i32>} : memref<64x256xf32, #tpu.memory_space<vmem>>, vector<16xf32>,
          %add3A_157 = arith.constant 32 : i32
          %add3A_158 = vector.broadcast %add3A_157 : i32 to vector<16xi32>
          %add3A_159 = arith.addi %add3A_140, %add3A_158 : vector<16xi32>
          %mul3A_160 = arith.mulf %get3A_156, %gather3A_136 : vector<16xf32>
          tpu.vector_store_idx %arg10[%add3A_159], %mul3A_160 {add = true} : memref<65536xf32, #tpu.memory_space<vmem>>[vector<16xi32>], vector<16xf32>,
          %get3A_161 = arith.index_cast %scan3A_132 : i32 to index
          %get3A_162 = arith.constant 48 : index
          %get3A_163 = tpu.vector_load %arg20[%get3A_161, %get3A_162] {strides = array<i32>} : memref<64x256xf32, #tpu.memory_space<vmem>>, vector<16xf32>,
          %add3A_164 = arith.constant 48 : i32
          %add3A_165 = vector.broadcast %add3A_164 : i32 to vector<16xi32>
          %add3A_166 = arith.addi %add3A_140, %add3A_165 : vector<16xi32>
          %mul3A_167 = arith.mulf %get3A_163, %gather3A_136 : vector<16xf32>
          tpu.vector_store_idx %arg10[%add3A_166], %mul3A_167 {add = true} : memref<65536xf32, #tpu.memory_space<vmem>>[vector<16xi32>], vector<16xf32>,
          %get3A_168 = arith.index_cast %scan3A_132 : i32 to index
          %get3A_169 = arith.constant 64 : index
          %get3A_170 = tpu.vector_load %arg20[%get3A_168, %get3A_169] {strides = array<i32>} : memref<64x256xf32, #tpu.memory_space<vmem>>, vector<16xf32>,
          %add3A_171 = arith.constant 64 : i32
          %add3A_172 = vector.broadcast %add3A_171 : i32 to vector<16xi32>
          %add3A_173 = arith.addi %add3A_140, %add3A_172 : vector<16xi32>
          %mul3A_174 = arith.mulf %get3A_170, %gather3A_136 : vector<16xf32>
          tpu.vector_store_idx %arg10[%add3A_173], %mul3A_174 {add = true} : memref<65536xf32, #tpu.memory_space<vmem>>[vector<16xi32>], vector<16xf32>,
          %get3A_175 = arith.index_cast %scan3A_132 : i32 to index
          %get3A_176 = arith.constant 80 : index
          %get3A_177 = tpu.vector_load %arg20[%get3A_175, %get3A_176] {strides = array<i32>} : memref<64x256xf32, #tpu.memory_space<vmem>>, vector<16xf32>,
          %add3A_178 = arith.constant 80 : i32
          %add3A_179 = vector.broadcast %add3A_178 : i32 to vector<16xi32>
          %add3A_180 = arith.addi %add3A_140, %add3A_179 : vector<16xi32>
          %mul3A_181 = arith.mulf %get3A_177, %gather3A_136 : vector<16xf32>
          tpu.vector_store_idx %arg10[%add3A_180], %mul3A_181 {add = true} : memref<65536xf32, #tpu.memory_space<vmem>>[vector<16xi32>], vector<16xf32>,
          %get3A_182 = arith.index_cast %scan3A_132 : i32 to index
          %get3A_183 = arith.constant 96 : index
          %get3A_184 = tpu.vector_load %arg20[%get3A_182, %get3A_183] {strides = array<i32>} : memref<64x256xf32, #tpu.memory_space<vmem>>, vector<16xf32>,
          %add3A_185 = arith.constant 96 : i32
          %add3A_186 = vector.broadcast %add3A_185 : i32 to vector<16xi32>
          %add3A_187 = arith.addi %add3A_140, %add3A_186 : vector<16xi32>
          %mul3A_188 = arith.mulf %get3A_184, %gather3A_136 : vector<16xf32>
          tpu.vector_store_idx %arg10[%add3A_187], %mul3A_188 {add = true} : memref<65536xf32, #tpu.memory_space<vmem>>[vector<16xi32>], vector<16xf32>,
          %get3A_189 = arith.index_cast %scan3A_132 : i32 to index
          %get3A_190 = arith.constant 112 : index
          %get3A_191 = tpu.vector_load %arg20[%get3A_189, %get3A_190] {strides = array<i32>} : memref<64x256xf32, #tpu.memory_space<vmem>>, vector<16xf32>,
          %add3A_192 = arith.constant 112 : i32
          %add3A_193 = vector.broadcast %add3A_192 : i32 to vector<16xi32>
          %add3A_194 = arith.addi %add3A_140, %add3A_193 : vector<16xi32>
          %mul3A_195 = arith.mulf %get3A_191, %gather3A_136 : vector<16xf32>
          tpu.vector_store_idx %arg10[%add3A_194], %mul3A_195 {add = true} : memref<65536xf32, #tpu.memory_space<vmem>>[vector<16xi32>], vector<16xf32>,
          %get3A_196 = arith.index_cast %scan3A_132 : i32 to index
          %get3A_197 = arith.constant 128 : index
          %get3A_198 = tpu.vector_load %arg20[%get3A_196, %get3A_197] {strides = array<i32>} : memref<64x256xf32, #tpu.memory_space<vmem>>, vector<16xf32>,
          %add3A_199 = arith.constant 128 : i32
          %add3A_200 = vector.broadcast %add3A_199 : i32 to vector<16xi32>
          %add3A_201 = arith.addi %add3A_140, %add3A_200 : vector<16xi32>
          %mul3A_202 = arith.mulf %get3A_198, %gather3A_136 : vector<16xf32>
          tpu.vector_store_idx %arg10[%add3A_201], %mul3A_202 {add = true} : memref<65536xf32, #tpu.memory_space<vmem>>[vector<16xi32>], vector<16xf32>,
          %get3A_203 = arith.index_cast %scan3A_132 : i32 to index
          %get3A_204 = arith.constant 144 : index
          %get3A_205 = tpu.vector_load %arg20[%get3A_203, %get3A_204] {strides = array<i32>} : memref<64x256xf32, #tpu.memory_space<vmem>>, vector<16xf32>,
          %add3A_206 = arith.constant 144 : i32
          %add3A_207 = vector.broadcast %add3A_206 : i32 to vector<16xi32>
          %add3A_208 = arith.addi %add3A_140, %add3A_207 : vector<16xi32>
          %mul3A_209 = arith.mulf %get3A_205, %gather3A_136 : vector<16xf32>
          tpu.vector_store_idx %arg10[%add3A_208], %mul3A_209 {add = true} : memref<65536xf32, #tpu.memory_space<vmem>>[vector<16xi32>], vector<16xf32>,
          %get3A_210 = arith.index_cast %scan3A_132 : i32 to index
          %get3A_211 = arith.constant 160 : index
          %get3A_212 = tpu.vector_load %arg20[%get3A_210, %get3A_211] {strides = array<i32>} : memref<64x256xf32, #tpu.memory_space<vmem>>, vector<16xf32>,
          %add3A_213 = arith.constant 160 : i32
          %add3A_214 = vector.broadcast %add3A_213 : i32 to vector<16xi32>
          %add3A_215 = arith.addi %add3A_140, %add3A_214 : vector<16xi32>
          %mul3A_216 = arith.mulf %get3A_212, %gather3A_136 : vector<16xf32>
          tpu.vector_store_idx %arg10[%add3A_215], %mul3A_216 {add = true} : memref<65536xf32, #tpu.memory_space<vmem>>[vector<16xi32>], vector<16xf32>,
          %get3A_217 = arith.index_cast %scan3A_132 : i32 to index
          %get3A_218 = arith.constant 176 : index
          %get3A_219 = tpu.vector_load %arg20[%get3A_217, %get3A_218] {strides = array<i32>} : memref<64x256xf32, #tpu.memory_space<vmem>>, vector<16xf32>,
          %add3A_220 = arith.constant 176 : i32
          %add3A_221 = vector.broadcast %add3A_220 : i32 to vector<16xi32>
          %add3A_222 = arith.addi %add3A_140, %add3A_221 : vector<16xi32>
          %mul3A_223 = arith.mulf %get3A_219, %gather3A_136 : vector<16xf32>
          tpu.vector_store_idx %arg10[%add3A_222], %mul3A_223 {add = true} : memref<65536xf32, #tpu.memory_space<vmem>>[vector<16xi32>], vector<16xf32>,
          %get3A_224 = arith.index_cast %scan3A_132 : i32 to index
          %get3A_225 = arith.constant 192 : index
          %get3A_226 = tpu.vector_load %arg20[%get3A_224, %get3A_225] {strides = array<i32>} : memref<64x256xf32, #tpu.memory_space<vmem>>, vector<16xf32>,
          %add3A_227 = arith.constant 192 : i32
          %add3A_228 = vector.broadcast %add3A_227 : i32 to vector<16xi32>
          %add3A_229 = arith.addi %add3A_140, %add3A_228 : vector<16xi32>
          %mul3A_230 = arith.mulf %get3A_226, %gather3A_136 : vector<16xf32>
          tpu.vector_store_idx %arg10[%add3A_229], %mul3A_230 {add = true} : memref<65536xf32, #tpu.memory_space<vmem>>[vector<16xi32>], vector<16xf32>,
          %get3A_231 = arith.index_cast %scan3A_132 : i32 to index
          %get3A_232 = arith.constant 208 : index
          %get3A_233 = tpu.vector_load %arg20[%get3A_231, %get3A_232] {strides = array<i32>} : memref<64x256xf32, #tpu.memory_space<vmem>>, vector<16xf32>,
          %add3A_234 = arith.constant 208 : i32
          %add3A_235 = vector.broadcast %add3A_234 : i32 to vector<16xi32>
          %add3A_236 = arith.addi %add3A_140, %add3A_235 : vector<16xi32>
          %mul3A_237 = arith.mulf %get3A_233, %gather3A_136 : vector<16xf32>
          tpu.vector_store_idx %arg10[%add3A_236], %mul3A_237 {add = true} : memref<65536xf32, #tpu.memory_space<vmem>>[vector<16xi32>], vector<16xf32>,
          %get3A_238 = arith.index_cast %scan3A_132 : i32 to index
          %get3A_239 = arith.constant 224 : index
          %get3A_240 = tpu.vector_load %arg20[%get3A_238, %get3A_239] {strides = array<i32>} : memref<64x256xf32, #tpu.memory_space<vmem>>, vector<16xf32>,
          %add3A_241 = arith.constant 224 : i32
          %add3A_242 = vector.broadcast %add3A_241 : i32 to vector<16xi32>
          %add3A_243 = arith.addi %add3A_140, %add3A_242 : vector<16xi32>
          %mul3A_244 = arith.mulf %get3A_240, %gather3A_136 : vector<16xf32>
          tpu.vector_store_idx %arg10[%add3A_243], %mul3A_244 {add = true} : memref<65536xf32, #tpu.memory_space<vmem>>[vector<16xi32>], vector<16xf32>,
          %get3A_245 = arith.index_cast %scan3A_132 : i32 to index
          %get3A_246 = arith.constant 240 : index
          %get3A_247 = tpu.vector_load %arg20[%get3A_245, %get3A_246] {strides = array<i32>} : memref<64x256xf32, #tpu.memory_space<vmem>>, vector<16xf32>,
          %add3A_248 = arith.constant 240 : i32
          %add3A_249 = vector.broadcast %add3A_248 : i32 to vector<16xi32>
          %add3A_250 = arith.addi %add3A_140, %add3A_249 : vector<16xi32>
          %mul3A_251 = arith.mulf %get3A_247, %gather3A_136 : vector<16xf32>
          tpu.vector_store_idx %arg10[%add3A_250], %mul3A_251 {add = true} : memref<65536xf32, #tpu.memory_space<vmem>>[vector<16xi32>], vector<16xf32>,
          %scan3A_252 = arith.constant 0 : i32
          scf.yield %scan3A_252 : i32
        }
        %scan3A_130 = arith.constant 64 : i32
        %while3A_131 = arith.constant 0 : i32
        scf.yield %while3A_131 : i32
      }
      %while3A_112 = arith.constant 0 : i32
      scf.yield %while3A_112 : i32
    }
    %while3A_62 = arith.constant 1 : i32
    %while3A_63 = scf.for %while3A_69 = %while3A_59 to %while3A_55 step %while3A_62 iter_args(%while3A_70 = %while3A_61) -> (i32)  : i32 {
      %mul3A_71 = arith.constant 2048 : i32
      %mul3A_72 = arith.muli %while3A_69, %mul3A_71 : i32
      %multiple_of3A_73 = tpu.assume_multiple %mul3A_72, 2048 : i32
      "tpu.region"() ({
        %run_scoped3A = tpu.sem_alloc : memref<!tpu.dma_semaphore, #tpu.memory_space<semaphore_mem>>
        %dma_start3A = tpu.memref_slice %arg7[%add3A, %multiple_of3A_73] : memref<32x278784xi32, #tpu.memory_space<hbm>> -> memref<1x2048xi32, #tpu.memory_space<hbm>>
        %dma_start3A_113 = tpu.memref_squeeze %dma_start3A : memref<1x2048xi32, #tpu.memory_space<hbm>> -> memref<2048xi32, #tpu.memory_space<hbm>>
        %dma_start3A_114 = tpu.memref_slice %arg7[%add3A, %multiple_of3A_73] : memref<32x278784xi32, #tpu.memory_space<hbm>> -> memref<1x2048xi32, #tpu.memory_space<hbm>>
        %dma_start3A_115 = tpu.memref_squeeze %dma_start3A_114 : memref<1x2048xi32, #tpu.memory_space<hbm>> -> memref<2048xi32, #tpu.memory_space<hbm>>
        tpu.enqueue_dma source(%dma_start3A_115 : memref<2048xi32, #tpu.memory_space<hbm>>) target(%arg11 : memref<2048xi32, #tpu.memory_space<vmem>>) target_semaphore(%run_scoped3A : memref<!tpu.dma_semaphore, #tpu.memory_space<semaphore_mem>>)
        %dma_wait3A = tpu.memref_slice %arg7[%add3A, %multiple_of3A_73] : memref<32x278784xi32, #tpu.memory_space<hbm>> -> memref<1x2048xi32, #tpu.memory_space<hbm>>
        %dma_wait3A_116 = tpu.memref_squeeze %dma_wait3A : memref<1x2048xi32, #tpu.memory_space<hbm>> -> memref<2048xi32, #tpu.memory_space<hbm>>
        %dma_wait3A_117 = tpu.memref_slice %arg7[%add3A, %multiple_of3A_73] : memref<32x278784xi32, #tpu.memory_space<hbm>> -> memref<1x2048xi32, #tpu.memory_space<hbm>>
        %dma_wait3A_118 = tpu.memref_squeeze %dma_wait3A_117 : memref<1x2048xi32, #tpu.memory_space<hbm>> -> memref<2048xi32, #tpu.memory_space<hbm>>
        tpu.wait_dma2 semaphore(%run_scoped3A : memref<!tpu.dma_semaphore, #tpu.memory_space<semaphore_mem>>) src(%dma_wait3A_118 : memref<2048xi32, #tpu.memory_space<hbm>>) dst(%arg11 : memref<2048xi32, #tpu.memory_space<vmem>>)
        tpu.yield
      }) : () -> ()
      "tpu.region"() ({
        %run_scoped3A = tpu.sem_alloc : memref<!tpu.dma_semaphore, #tpu.memory_space<semaphore_mem>>
        %dma_start3A = tpu.memref_slice %arg8[%add3A, %multiple_of3A_73] : memref<32x278784xi32, #tpu.memory_space<hbm>> -> memref<1x2048xi32, #tpu.memory_space<hbm>>
        %dma_start3A_113 = tpu.memref_squeeze %dma_start3A : memref<1x2048xi32, #tpu.memory_space<hbm>> -> memref<2048xi32, #tpu.memory_space<hbm>>
        %dma_start3A_114 = tpu.memref_slice %arg8[%add3A, %multiple_of3A_73] : memref<32x278784xi32, #tpu.memory_space<hbm>> -> memref<1x2048xi32, #tpu.memory_space<hbm>>
        %dma_start3A_115 = tpu.memref_squeeze %dma_start3A_114 : memref<1x2048xi32, #tpu.memory_space<hbm>> -> memref<2048xi32, #tpu.memory_space<hbm>>
        tpu.enqueue_dma source(%dma_start3A_115 : memref<2048xi32, #tpu.memory_space<hbm>>) target(%arg12 : memref<2048xi32, #tpu.memory_space<vmem>>) target_semaphore(%run_scoped3A : memref<!tpu.dma_semaphore, #tpu.memory_space<semaphore_mem>>)
        %dma_wait3A = tpu.memref_slice %arg8[%add3A, %multiple_of3A_73] : memref<32x278784xi32, #tpu.memory_space<hbm>> -> memref<1x2048xi32, #tpu.memory_space<hbm>>
        %dma_wait3A_116 = tpu.memref_squeeze %dma_wait3A : memref<1x2048xi32, #tpu.memory_space<hbm>> -> memref<2048xi32, #tpu.memory_space<hbm>>
        %dma_wait3A_117 = tpu.memref_slice %arg8[%add3A, %multiple_of3A_73] : memref<32x278784xi32, #tpu.memory_space<hbm>> -> memref<1x2048xi32, #tpu.memory_space<hbm>>
        %dma_wait3A_118 = tpu.memref_squeeze %dma_wait3A_117 : memref<1x2048xi32, #tpu.memory_space<hbm>> -> memref<2048xi32, #tpu.memory_space<hbm>>
        tpu.wait_dma2 semaphore(%run_scoped3A : memref<!tpu.dma_semaphore, #tpu.memory_space<semaphore_mem>>) src(%dma_wait3A_118 : memref<2048xi32, #tpu.memory_space<hbm>>) dst(%arg12 : memref<2048xi32, #tpu.memory_space<vmem>>)
        tpu.yield
      }) : () -> ()
      "tpu.region"() ({
        %run_scoped3A = tpu.sem_alloc : memref<!tpu.dma_semaphore, #tpu.memory_space<semaphore_mem>>
        %dma_start3A = tpu.memref_slice %arg9[%add3A, %multiple_of3A_73] : memref<32x278784xf32, #tpu.memory_space<hbm>> -> memref<1x2048xf32, #tpu.memory_space<hbm>>
        %dma_start3A_113 = tpu.memref_squeeze %dma_start3A : memref<1x2048xf32, #tpu.memory_space<hbm>> -> memref<2048xf32, #tpu.memory_space<hbm>>
        %dma_start3A_114 = tpu.memref_slice %arg9[%add3A, %multiple_of3A_73] : memref<32x278784xf32, #tpu.memory_space<hbm>> -> memref<1x2048xf32, #tpu.memory_space<hbm>>
        %dma_start3A_115 = tpu.memref_squeeze %dma_start3A_114 : memref<1x2048xf32, #tpu.memory_space<hbm>> -> memref<2048xf32, #tpu.memory_space<hbm>>
        tpu.enqueue_dma source(%dma_start3A_115 : memref<2048xf32, #tpu.memory_space<hbm>>) target(%arg13 : memref<2048xf32, #tpu.memory_space<vmem>>) target_semaphore(%run_scoped3A : memref<!tpu.dma_semaphore, #tpu.memory_space<semaphore_mem>>)
        %dma_wait3A = tpu.memref_slice %arg9[%add3A, %multiple_of3A_73] : memref<32x278784xf32, #tpu.memory_space<hbm>> -> memref<1x2048xf32, #tpu.memory_space<hbm>>
        %dma_wait3A_116 = tpu.memref_squeeze %dma_wait3A : memref<1x2048xf32, #tpu.memory_space<hbm>> -> memref<2048xf32, #tpu.memory_space<hbm>>
        %dma_wait3A_117 = tpu.memref_slice %arg9[%add3A, %multiple_of3A_73] : memref<32x278784xf32, #tpu.memory_space<hbm>> -> memref<1x2048xf32, #tpu.memory_space<hbm>>
        %dma_wait3A_118 = tpu.memref_squeeze %dma_wait3A_117 : memref<1x2048xf32, #tpu.memory_space<hbm>> -> memref<2048xf32, #tpu.memory_space<hbm>>
        tpu.wait_dma2 semaphore(%run_scoped3A : memref<!tpu.dma_semaphore, #tpu.memory_space<semaphore_mem>>) src(%dma_wait3A_118 : memref<2048xf32, #tpu.memory_space<hbm>>) dst(%arg13 : memref<2048xf32, #tpu.memory_space<vmem>>)
        tpu.yield
      }) : () -> ()
      %sub3A_74 = arith.subi %scan3A_20, %multiple_of3A_73 : i32
      %min3A = arith.constant 2048 : i32
      %min3A_75 = arith.minsi %sub3A_74, %min3A : i32
      %jit3A_76 = arith.constant 64 : i32
      %div3A_77 = arith.divsi %min3A_75, %jit3A_76 : i32
      %sign3A_78 = arith.constant 0 : i32
      %sign3A_79 = arith.cmpi sgt, %min3A_75, %sign3A_78 : i32
      %sign3A_80 = arith.extui %sign3A_79 : i1 to i32
      %sign3A_81 = arith.constant 0 : i32
      %sign3A_82 = arith.cmpi slt, %min3A_75, %sign3A_81 : i32
      %sign3A_83 = arith.extui %sign3A_82 : i1 to i32
      %sign3A_84 = arith.subi %sign3A_80, %sign3A_83 : i32
      %sign3A_85 = arith.constant 0 : i32
      %sign3A_86 = arith.cmpi sgt, %jit3A_76, %sign3A_85 : i32
      %sign3A_87 = arith.extui %sign3A_86 : i1 to i32
      %sign3A_88 = arith.constant 0 : i32
      %sign3A_89 = arith.cmpi slt, %jit3A_76, %sign3A_88 : i32
      %sign3A_90 = arith.extui %sign3A_89 : i1 to i32
      %sign3A_91 = arith.subi %sign3A_87, %sign3A_90 : i32
      %ne3A_92 = arith.cmpi ne, %sign3A_84, %sign3A_91 : i32
      %rem3A_93 = arith.remsi %min3A_75, %jit3A_76 : i32
      %ne3A_94 = arith.constant 0 : i32
      %ne3A_95 = arith.cmpi ne, %rem3A_93, %ne3A_94 : i32
      %and3A_96 = arith.andi %ne3A_92, %ne3A_95 : i1
      %sub3A_97 = arith.constant 1 : i32
      %sub3A_98 = arith.subi %div3A_77, %sub3A_97 : i32
      %select_n3A_99 = arith.select %and3A_96, %sub3A_98, %div3A_77 : i32
      %while3A_100 = arith.constant 0 : i32
      %while3A_101 = arith.constant 0 : i32
      %while3A_102 = arith.subi %select_n3A_99, %while3A_100 : i32
      %while3A_103 = arith.addi %while3A_100, %while3A_102 : i32
      %while3A_104 = arith.constant 1 : i32
      %while3A_105 = arith.divsi %while3A_102, %while3A_104 : i32
      %while3A_106 = arith.muli %while3A_105, %while3A_104 : i32
      %while3A_107 = arith.addi %while3A_100, %while3A_106 : i32
      %while3A_108 = arith.constant 1 : i32
      %while3A_109 = scf.for %while3A_113 = %while3A_100 to %while3A_107 step %while3A_108 iter_args(%while3A_114 = %while3A_101) -> (i32)  : i32 {
        %mul3A_115 = arith.constant 64 : i32
        %mul3A_116 = arith.muli %while3A_113, %mul3A_115 : i32
        %multiple_of3A_117 = tpu.assume_multiple %mul3A_116, 64 : i32
        %dma_start3A = tpu.memref_slice %arg12[%multiple_of3A_117] : memref<2048xi32, #tpu.memory_space<vmem>> -> memref<64xi32, #tpu.memory_space<vmem>>
        %dma_start3A_118 = arith.constant 0 : i32
        %dma_start3A_119 = arith.constant 0 : i32
        %dma_start3A_120 = tpu.memref_slice %arg2[%dma_start3A_118, %dma_start3A_119] : memref<16384x256xf32, #tpu.memory_space<hbm>> -> memref<16384x256xf32, #tpu.memory_space<hbm>>
        tpu.enqueue_indirect_dma source(%dma_start3A_120 : memref<16384x256xf32, #tpu.memory_space<hbm>>) target(%arg20 : memref<64x256xf32, #tpu.memory_space<vmem>>) offsets(%dma_start3A : memref<64xi32, #tpu.memory_space<vmem>>) semaphore(%arg21 : memref<!tpu.dma_semaphore, #tpu.memory_space<semaphore_mem>>)
        %dma_wait3A = tpu.memref_slice %arg12[%multiple_of3A_117] : memref<2048xi32, #tpu.memory_space<vmem>> -> memref<64xi32, #tpu.memory_space<vmem>>
        %dma_wait3A_121 = arith.constant 0 : i32
        %dma_wait3A_122 = arith.constant 0 : i32
        %dma_wait3A_123 = tpu.memref_slice %arg2[%dma_wait3A_121, %dma_wait3A_122] : memref<16384x256xf32, #tpu.memory_space<hbm>> -> memref<16384x256xf32, #tpu.memory_space<hbm>>
        tpu.wait_indirect_dma semaphore(%arg21 : memref<!tpu.dma_semaphore, #tpu.memory_space<semaphore_mem>>) src(%dma_wait3A_123 : memref<16384x256xf32, #tpu.memory_space<hbm>>) dst(%arg20 : memref<64x256xf32, #tpu.memory_space<vmem>>)
        %scan3A_124 = arith.constant 0 : i32
        %scan3A_125 = arith.constant 0 : i32
        %scan3A_126 = arith.constant 64 : i32
        %scan3A_127 = arith.addi %scan3A_125, %scan3A_126 : i32
        %scan3A_128 = arith.constant 1 : i32
        %scan3A_129 = scf.for %scan3A_132 = %scan3A_125 to %scan3A_127 step %scan3A_128 iter_args(%scan3A_133 = %scan3A_124) -> (i32)  : i32 {
          %add3A_134 = arith.addi %multiple_of3A_117, %scan3A_132 : i32
          %broadcast_in_dim3A_135 = vector.broadcast %add3A_134 : i32 to vector<16xi32>
          %gather3A = tpu.vector_load_idx %arg11[%broadcast_in_dim3A_135] : memref<2048xi32, #tpu.memory_space<vmem>>[vector<16xi32>], vector<16xi32>,
          %gather3A_136 = tpu.vector_load_idx %arg13[%broadcast_in_dim3A_135] : memref<2048xf32, #tpu.memory_space<vmem>>[vector<16xi32>], vector<16xf32>,
          %mul3A_137 = arith.constant 256 : i32
          %mul3A_138 = vector.broadcast %mul3A_137 : i32 to vector<16xi32>
          %mul3A_139 = arith.muli %gather3A, %mul3A_138 : vector<16xi32>
          %add3A_140 = arith.addi %mul3A_139, %iota3A : vector<16xi32>
          %get3A = arith.index_cast %scan3A_132 : i32 to index
          %get3A_141 = arith.constant 0 : index
          %get3A_142 = tpu.vector_load %arg20[%get3A, %get3A_141] {strides = array<i32>} : memref<64x256xf32, #tpu.memory_space<vmem>>, vector<16xf32>,
          %add3A_143 = arith.constant 0 : i32
          %add3A_144 = vector.broadcast %add3A_143 : i32 to vector<16xi32>
          %add3A_145 = arith.addi %add3A_140, %add3A_144 : vector<16xi32>
          %mul3A_146 = arith.mulf %get3A_142, %gather3A_136 : vector<16xf32>
          tpu.vector_store_idx %arg10[%add3A_145], %mul3A_146 {add = true} : memref<65536xf32, #tpu.memory_space<vmem>>[vector<16xi32>], vector<16xf32>,
          %get3A_147 = arith.index_cast %scan3A_132 : i32 to index
          %get3A_148 = arith.constant 16 : index
          %get3A_149 = tpu.vector_load %arg20[%get3A_147, %get3A_148] {strides = array<i32>} : memref<64x256xf32, #tpu.memory_space<vmem>>, vector<16xf32>,
          %add3A_150 = arith.constant 16 : i32
          %add3A_151 = vector.broadcast %add3A_150 : i32 to vector<16xi32>
          %add3A_152 = arith.addi %add3A_140, %add3A_151 : vector<16xi32>
          %mul3A_153 = arith.mulf %get3A_149, %gather3A_136 : vector<16xf32>
          tpu.vector_store_idx %arg10[%add3A_152], %mul3A_153 {add = true} : memref<65536xf32, #tpu.memory_space<vmem>>[vector<16xi32>], vector<16xf32>,
          %get3A_154 = arith.index_cast %scan3A_132 : i32 to index
          %get3A_155 = arith.constant 32 : index
          %get3A_156 = tpu.vector_load %arg20[%get3A_154, %get3A_155] {strides = array<i32>} : memref<64x256xf32, #tpu.memory_space<vmem>>, vector<16xf32>,
          %add3A_157 = arith.constant 32 : i32
          %add3A_158 = vector.broadcast %add3A_157 : i32 to vector<16xi32>
          %add3A_159 = arith.addi %add3A_140, %add3A_158 : vector<16xi32>
          %mul3A_160 = arith.mulf %get3A_156, %gather3A_136 : vector<16xf32>
          tpu.vector_store_idx %arg10[%add3A_159], %mul3A_160 {add = true} : memref<65536xf32, #tpu.memory_space<vmem>>[vector<16xi32>], vector<16xf32>,
          %get3A_161 = arith.index_cast %scan3A_132 : i32 to index
          %get3A_162 = arith.constant 48 : index
          %get3A_163 = tpu.vector_load %arg20[%get3A_161, %get3A_162] {strides = array<i32>} : memref<64x256xf32, #tpu.memory_space<vmem>>, vector<16xf32>,
          %add3A_164 = arith.constant 48 : i32
          %add3A_165 = vector.broadcast %add3A_164 : i32 to vector<16xi32>
          %add3A_166 = arith.addi %add3A_140, %add3A_165 : vector<16xi32>
          %mul3A_167 = arith.mulf %get3A_163, %gather3A_136 : vector<16xf32>
          tpu.vector_store_idx %arg10[%add3A_166], %mul3A_167 {add = true} : memref<65536xf32, #tpu.memory_space<vmem>>[vector<16xi32>], vector<16xf32>,
          %get3A_168 = arith.index_cast %scan3A_132 : i32 to index
          %get3A_169 = arith.constant 64 : index
          %get3A_170 = tpu.vector_load %arg20[%get3A_168, %get3A_169] {strides = array<i32>} : memref<64x256xf32, #tpu.memory_space<vmem>>, vector<16xf32>,
          %add3A_171 = arith.constant 64 : i32
          %add3A_172 = vector.broadcast %add3A_171 : i32 to vector<16xi32>
          %add3A_173 = arith.addi %add3A_140, %add3A_172 : vector<16xi32>
          %mul3A_174 = arith.mulf %get3A_170, %gather3A_136 : vector<16xf32>
          tpu.vector_store_idx %arg10[%add3A_173], %mul3A_174 {add = true} : memref<65536xf32, #tpu.memory_space<vmem>>[vector<16xi32>], vector<16xf32>,
          %get3A_175 = arith.index_cast %scan3A_132 : i32 to index
          %get3A_176 = arith.constant 80 : index
          %get3A_177 = tpu.vector_load %arg20[%get3A_175, %get3A_176] {strides = array<i32>} : memref<64x256xf32, #tpu.memory_space<vmem>>, vector<16xf32>,
          %add3A_178 = arith.constant 80 : i32
          %add3A_179 = vector.broadcast %add3A_178 : i32 to vector<16xi32>
          %add3A_180 = arith.addi %add3A_140, %add3A_179 : vector<16xi32>
          %mul3A_181 = arith.mulf %get3A_177, %gather3A_136 : vector<16xf32>
          tpu.vector_store_idx %arg10[%add3A_180], %mul3A_181 {add = true} : memref<65536xf32, #tpu.memory_space<vmem>>[vector<16xi32>], vector<16xf32>,
          %get3A_182 = arith.index_cast %scan3A_132 : i32 to index
          %get3A_183 = arith.constant 96 : index
          %get3A_184 = tpu.vector_load %arg20[%get3A_182, %get3A_183] {strides = array<i32>} : memref<64x256xf32, #tpu.memory_space<vmem>>, vector<16xf32>,
          %add3A_185 = arith.constant 96 : i32
          %add3A_186 = vector.broadcast %add3A_185 : i32 to vector<16xi32>
          %add3A_187 = arith.addi %add3A_140, %add3A_186 : vector<16xi32>
          %mul3A_188 = arith.mulf %get3A_184, %gather3A_136 : vector<16xf32>
          tpu.vector_store_idx %arg10[%add3A_187], %mul3A_188 {add = true} : memref<65536xf32, #tpu.memory_space<vmem>>[vector<16xi32>], vector<16xf32>,
          %get3A_189 = arith.index_cast %scan3A_132 : i32 to index
          %get3A_190 = arith.constant 112 : index
          %get3A_191 = tpu.vector_load %arg20[%get3A_189, %get3A_190] {strides = array<i32>} : memref<64x256xf32, #tpu.memory_space<vmem>>, vector<16xf32>,
          %add3A_192 = arith.constant 112 : i32
          %add3A_193 = vector.broadcast %add3A_192 : i32 to vector<16xi32>
          %add3A_194 = arith.addi %add3A_140, %add3A_193 : vector<16xi32>
          %mul3A_195 = arith.mulf %get3A_191, %gather3A_136 : vector<16xf32>
          tpu.vector_store_idx %arg10[%add3A_194], %mul3A_195 {add = true} : memref<65536xf32, #tpu.memory_space<vmem>>[vector<16xi32>], vector<16xf32>,
          %get3A_196 = arith.index_cast %scan3A_132 : i32 to index
          %get3A_197 = arith.constant 128 : index
          %get3A_198 = tpu.vector_load %arg20[%get3A_196, %get3A_197] {strides = array<i32>} : memref<64x256xf32, #tpu.memory_space<vmem>>, vector<16xf32>,
          %add3A_199 = arith.constant 128 : i32
          %add3A_200 = vector.broadcast %add3A_199 : i32 to vector<16xi32>
          %add3A_201 = arith.addi %add3A_140, %add3A_200 : vector<16xi32>
          %mul3A_202 = arith.mulf %get3A_198, %gather3A_136 : vector<16xf32>
          tpu.vector_store_idx %arg10[%add3A_201], %mul3A_202 {add = true} : memref<65536xf32, #tpu.memory_space<vmem>>[vector<16xi32>], vector<16xf32>,
          %get3A_203 = arith.index_cast %scan3A_132 : i32 to index
          %get3A_204 = arith.constant 144 : index
          %get3A_205 = tpu.vector_load %arg20[%get3A_203, %get3A_204] {strides = array<i32>} : memref<64x256xf32, #tpu.memory_space<vmem>>, vector<16xf32>,
          %add3A_206 = arith.constant 144 : i32
          %add3A_207 = vector.broadcast %add3A_206 : i32 to vector<16xi32>
          %add3A_208 = arith.addi %add3A_140, %add3A_207 : vector<16xi32>
          %mul3A_209 = arith.mulf %get3A_205, %gather3A_136 : vector<16xf32>
          tpu.vector_store_idx %arg10[%add3A_208], %mul3A_209 {add = true} : memref<65536xf32, #tpu.memory_space<vmem>>[vector<16xi32>], vector<16xf32>,
          %get3A_210 = arith.index_cast %scan3A_132 : i32 to index
          %get3A_211 = arith.constant 160 : index
          %get3A_212 = tpu.vector_load %arg20[%get3A_210, %get3A_211] {strides = array<i32>} : memref<64x256xf32, #tpu.memory_space<vmem>>, vector<16xf32>,
          %add3A_213 = arith.constant 160 : i32
          %add3A_214 = vector.broadcast %add3A_213 : i32 to vector<16xi32>
          %add3A_215 = arith.addi %add3A_140, %add3A_214 : vector<16xi32>
          %mul3A_216 = arith.mulf %get3A_212, %gather3A_136 : vector<16xf32>
          tpu.vector_store_idx %arg10[%add3A_215], %mul3A_216 {add = true} : memref<65536xf32, #tpu.memory_space<vmem>>[vector<16xi32>], vector<16xf32>,
          %get3A_217 = arith.index_cast %scan3A_132 : i32 to index
          %get3A_218 = arith.constant 176 : index
          %get3A_219 = tpu.vector_load %arg20[%get3A_217, %get3A_218] {strides = array<i32>} : memref<64x256xf32, #tpu.memory_space<vmem>>, vector<16xf32>,
          %add3A_220 = arith.constant 176 : i32
          %add3A_221 = vector.broadcast %add3A_220 : i32 to vector<16xi32>
          %add3A_222 = arith.addi %add3A_140, %add3A_221 : vector<16xi32>
          %mul3A_223 = arith.mulf %get3A_219, %gather3A_136 : vector<16xf32>
          tpu.vector_store_idx %arg10[%add3A_222], %mul3A_223 {add = true} : memref<65536xf32, #tpu.memory_space<vmem>>[vector<16xi32>], vector<16xf32>,
          %get3A_224 = arith.index_cast %scan3A_132 : i32 to index
          %get3A_225 = arith.constant 192 : index
          %get3A_226 = tpu.vector_load %arg20[%get3A_224, %get3A_225] {strides = array<i32>} : memref<64x256xf32, #tpu.memory_space<vmem>>, vector<16xf32>,
          %add3A_227 = arith.constant 192 : i32
          %add3A_228 = vector.broadcast %add3A_227 : i32 to vector<16xi32>
          %add3A_229 = arith.addi %add3A_140, %add3A_228 : vector<16xi32>
          %mul3A_230 = arith.mulf %get3A_226, %gather3A_136 : vector<16xf32>
          tpu.vector_store_idx %arg10[%add3A_229], %mul3A_230 {add = true} : memref<65536xf32, #tpu.memory_space<vmem>>[vector<16xi32>], vector<16xf32>,
          %get3A_231 = arith.index_cast %scan3A_132 : i32 to index
          %get3A_232 = arith.constant 208 : index
          %get3A_233 = tpu.vector_load %arg20[%get3A_231, %get3A_232] {strides = array<i32>} : memref<64x256xf32, #tpu.memory_space<vmem>>, vector<16xf32>,
          %add3A_234 = arith.constant 208 : i32
          %add3A_235 = vector.broadcast %add3A_234 : i32 to vector<16xi32>
          %add3A_236 = arith.addi %add3A_140, %add3A_235 : vector<16xi32>
          %mul3A_237 = arith.mulf %get3A_233, %gather3A_136 : vector<16xf32>
          tpu.vector_store_idx %arg10[%add3A_236], %mul3A_237 {add = true} : memref<65536xf32, #tpu.memory_space<vmem>>[vector<16xi32>], vector<16xf32>,
          %get3A_238 = arith.index_cast %scan3A_132 : i32 to index
          %get3A_239 = arith.constant 224 : index
          %get3A_240 = tpu.vector_load %arg20[%get3A_238, %get3A_239] {strides = array<i32>} : memref<64x256xf32, #tpu.memory_space<vmem>>, vector<16xf32>,
          %add3A_241 = arith.constant 224 : i32
          %add3A_242 = vector.broadcast %add3A_241 : i32 to vector<16xi32>
          %add3A_243 = arith.addi %add3A_140, %add3A_242 : vector<16xi32>
          %mul3A_244 = arith.mulf %get3A_240, %gather3A_136 : vector<16xf32>
          tpu.vector_store_idx %arg10[%add3A_243], %mul3A_244 {add = true} : memref<65536xf32, #tpu.memory_space<vmem>>[vector<16xi32>], vector<16xf32>,
          %get3A_245 = arith.index_cast %scan3A_132 : i32 to index
          %get3A_246 = arith.constant 240 : index
          %get3A_247 = tpu.vector_load %arg20[%get3A_245, %get3A_246] {strides = array<i32>} : memref<64x256xf32, #tpu.memory_space<vmem>>, vector<16xf32>,
          %add3A_248 = arith.constant 240 : i32
          %add3A_249 = vector.broadcast %add3A_248 : i32 to vector<16xi32>
          %add3A_250 = arith.addi %add3A_140, %add3A_249 : vector<16xi32>
          %mul3A_251 = arith.mulf %get3A_247, %gather3A_136 : vector<16xf32>
          tpu.vector_store_idx %arg10[%add3A_250], %mul3A_251 {add = true} : memref<65536xf32, #tpu.memory_space<vmem>>[vector<16xi32>], vector<16xf32>,
          %scan3A_252 = arith.constant 0 : i32
          scf.yield %scan3A_252 : i32
        }
        %scan3A_130 = arith.constant 64 : i32
        %while3A_131 = arith.constant 0 : i32
        scf.yield %while3A_131 : i32
      }
      %while3A_110 = arith.constant 1 : i32
      %while3A_111 = scf.for %while3A_113 = %while3A_107 to %while3A_103 step %while3A_110 iter_args(%while3A_114 = %while3A_109) -> (i32)  : i32 {
        %mul3A_115 = arith.constant 64 : i32
        %mul3A_116 = arith.muli %while3A_113, %mul3A_115 : i32
        %multiple_of3A_117 = tpu.assume_multiple %mul3A_116, 64 : i32
        %dma_start3A = tpu.memref_slice %arg12[%multiple_of3A_117] : memref<2048xi32, #tpu.memory_space<vmem>> -> memref<64xi32, #tpu.memory_space<vmem>>
        %dma_start3A_118 = arith.constant 0 : i32
        %dma_start3A_119 = arith.constant 0 : i32
        %dma_start3A_120 = tpu.memref_slice %arg2[%dma_start3A_118, %dma_start3A_119] : memref<16384x256xf32, #tpu.memory_space<hbm>> -> memref<16384x256xf32, #tpu.memory_space<hbm>>
        tpu.enqueue_indirect_dma source(%dma_start3A_120 : memref<16384x256xf32, #tpu.memory_space<hbm>>) target(%arg20 : memref<64x256xf32, #tpu.memory_space<vmem>>) offsets(%dma_start3A : memref<64xi32, #tpu.memory_space<vmem>>) semaphore(%arg21 : memref<!tpu.dma_semaphore, #tpu.memory_space<semaphore_mem>>)
        %dma_wait3A = tpu.memref_slice %arg12[%multiple_of3A_117] : memref<2048xi32, #tpu.memory_space<vmem>> -> memref<64xi32, #tpu.memory_space<vmem>>
        %dma_wait3A_121 = arith.constant 0 : i32
        %dma_wait3A_122 = arith.constant 0 : i32
        %dma_wait3A_123 = tpu.memref_slice %arg2[%dma_wait3A_121, %dma_wait3A_122] : memref<16384x256xf32, #tpu.memory_space<hbm>> -> memref<16384x256xf32, #tpu.memory_space<hbm>>
        tpu.wait_indirect_dma semaphore(%arg21 : memref<!tpu.dma_semaphore, #tpu.memory_space<semaphore_mem>>) src(%dma_wait3A_123 : memref<16384x256xf32, #tpu.memory_space<hbm>>) dst(%arg20 : memref<64x256xf32, #tpu.memory_space<vmem>>)
        %scan3A_124 = arith.constant 0 : i32
        %scan3A_125 = arith.constant 0 : i32
        %scan3A_126 = arith.constant 64 : i32
        %scan3A_127 = arith.addi %scan3A_125, %scan3A_126 : i32
        %scan3A_128 = arith.constant 1 : i32
        %scan3A_129 = scf.for %scan3A_132 = %scan3A_125 to %scan3A_127 step %scan3A_128 iter_args(%scan3A_133 = %scan3A_124) -> (i32)  : i32 {
          %add3A_134 = arith.addi %multiple_of3A_117, %scan3A_132 : i32
          %broadcast_in_dim3A_135 = vector.broadcast %add3A_134 : i32 to vector<16xi32>
          %gather3A = tpu.vector_load_idx %arg11[%broadcast_in_dim3A_135] : memref<2048xi32, #tpu.memory_space<vmem>>[vector<16xi32>], vector<16xi32>,
          %gather3A_136 = tpu.vector_load_idx %arg13[%broadcast_in_dim3A_135] : memref<2048xf32, #tpu.memory_space<vmem>>[vector<16xi32>], vector<16xf32>,
          %mul3A_137 = arith.constant 256 : i32
          %mul3A_138 = vector.broadcast %mul3A_137 : i32 to vector<16xi32>
          %mul3A_139 = arith.muli %gather3A, %mul3A_138 : vector<16xi32>
          %add3A_140 = arith.addi %mul3A_139, %iota3A : vector<16xi32>
          %get3A = arith.index_cast %scan3A_132 : i32 to index
          %get3A_141 = arith.constant 0 : index
          %get3A_142 = tpu.vector_load %arg20[%get3A, %get3A_141] {strides = array<i32>} : memref<64x256xf32, #tpu.memory_space<vmem>>, vector<16xf32>,
          %add3A_143 = arith.constant 0 : i32
          %add3A_144 = vector.broadcast %add3A_143 : i32 to vector<16xi32>
          %add3A_145 = arith.addi %add3A_140, %add3A_144 : vector<16xi32>
          %mul3A_146 = arith.mulf %get3A_142, %gather3A_136 : vector<16xf32>
          tpu.vector_store_idx %arg10[%add3A_145], %mul3A_146 {add = true} : memref<65536xf32, #tpu.memory_space<vmem>>[vector<16xi32>], vector<16xf32>,
          %get3A_147 = arith.index_cast %scan3A_132 : i32 to index
          %get3A_148 = arith.constant 16 : index
          %get3A_149 = tpu.vector_load %arg20[%get3A_147, %get3A_148] {strides = array<i32>} : memref<64x256xf32, #tpu.memory_space<vmem>>, vector<16xf32>,
          %add3A_150 = arith.constant 16 : i32
          %add3A_151 = vector.broadcast %add3A_150 : i32 to vector<16xi32>
          %add3A_152 = arith.addi %add3A_140, %add3A_151 : vector<16xi32>
          %mul3A_153 = arith.mulf %get3A_149, %gather3A_136 : vector<16xf32>
          tpu.vector_store_idx %arg10[%add3A_152], %mul3A_153 {add = true} : memref<65536xf32, #tpu.memory_space<vmem>>[vector<16xi32>], vector<16xf32>,
          %get3A_154 = arith.index_cast %scan3A_132 : i32 to index
          %get3A_155 = arith.constant 32 : index
          %get3A_156 = tpu.vector_load %arg20[%get3A_154, %get3A_155] {strides = array<i32>} : memref<64x256xf32, #tpu.memory_space<vmem>>, vector<16xf32>,
          %add3A_157 = arith.constant 32 : i32
          %add3A_158 = vector.broadcast %add3A_157 : i32 to vector<16xi32>
          %add3A_159 = arith.addi %add3A_140, %add3A_158 : vector<16xi32>
          %mul3A_160 = arith.mulf %get3A_156, %gather3A_136 : vector<16xf32>
          tpu.vector_store_idx %arg10[%add3A_159], %mul3A_160 {add = true} : memref<65536xf32, #tpu.memory_space<vmem>>[vector<16xi32>], vector<16xf32>,
          %get3A_161 = arith.index_cast %scan3A_132 : i32 to index
          %get3A_162 = arith.constant 48 : index
          %get3A_163 = tpu.vector_load %arg20[%get3A_161, %get3A_162] {strides = array<i32>} : memref<64x256xf32, #tpu.memory_space<vmem>>, vector<16xf32>,
          %add3A_164 = arith.constant 48 : i32
          %add3A_165 = vector.broadcast %add3A_164 : i32 to vector<16xi32>
          %add3A_166 = arith.addi %add3A_140, %add3A_165 : vector<16xi32>
          %mul3A_167 = arith.mulf %get3A_163, %gather3A_136 : vector<16xf32>
          tpu.vector_store_idx %arg10[%add3A_166], %mul3A_167 {add = true} : memref<65536xf32, #tpu.memory_space<vmem>>[vector<16xi32>], vector<16xf32>,
          %get3A_168 = arith.index_cast %scan3A_132 : i32 to index
          %get3A_169 = arith.constant 64 : index
          %get3A_170 = tpu.vector_load %arg20[%get3A_168, %get3A_169] {strides = array<i32>} : memref<64x256xf32, #tpu.memory_space<vmem>>, vector<16xf32>,
          %add3A_171 = arith.constant 64 : i32
          %add3A_172 = vector.broadcast %add3A_171 : i32 to vector<16xi32>
          %add3A_173 = arith.addi %add3A_140, %add3A_172 : vector<16xi32>
          %mul3A_174 = arith.mulf %get3A_170, %gather3A_136 : vector<16xf32>
          tpu.vector_store_idx %arg10[%add3A_173], %mul3A_174 {add = true} : memref<65536xf32, #tpu.memory_space<vmem>>[vector<16xi32>], vector<16xf32>,
          %get3A_175 = arith.index_cast %scan3A_132 : i32 to index
          %get3A_176 = arith.constant 80 : index
          %get3A_177 = tpu.vector_load %arg20[%get3A_175, %get3A_176] {strides = array<i32>} : memref<64x256xf32, #tpu.memory_space<vmem>>, vector<16xf32>,
          %add3A_178 = arith.constant 80 : i32
          %add3A_179 = vector.broadcast %add3A_178 : i32 to vector<16xi32>
          %add3A_180 = arith.addi %add3A_140, %add3A_179 : vector<16xi32>
          %mul3A_181 = arith.mulf %get3A_177, %gather3A_136 : vector<16xf32>
          tpu.vector_store_idx %arg10[%add3A_180], %mul3A_181 {add = true} : memref<65536xf32, #tpu.memory_space<vmem>>[vector<16xi32>], vector<16xf32>,
          %get3A_182 = arith.index_cast %scan3A_132 : i32 to index
          %get3A_183 = arith.constant 96 : index
          %get3A_184 = tpu.vector_load %arg20[%get3A_182, %get3A_183] {strides = array<i32>} : memref<64x256xf32, #tpu.memory_space<vmem>>, vector<16xf32>,
          %add3A_185 = arith.constant 96 : i32
          %add3A_186 = vector.broadcast %add3A_185 : i32 to vector<16xi32>
          %add3A_187 = arith.addi %add3A_140, %add3A_186 : vector<16xi32>
          %mul3A_188 = arith.mulf %get3A_184, %gather3A_136 : vector<16xf32>
          tpu.vector_store_idx %arg10[%add3A_187], %mul3A_188 {add = true} : memref<65536xf32, #tpu.memory_space<vmem>>[vector<16xi32>], vector<16xf32>,
          %get3A_189 = arith.index_cast %scan3A_132 : i32 to index
          %get3A_190 = arith.constant 112 : index
          %get3A_191 = tpu.vector_load %arg20[%get3A_189, %get3A_190] {strides = array<i32>} : memref<64x256xf32, #tpu.memory_space<vmem>>, vector<16xf32>,
          %add3A_192 = arith.constant 112 : i32
          %add3A_193 = vector.broadcast %add3A_192 : i32 to vector<16xi32>
          %add3A_194 = arith.addi %add3A_140, %add3A_193 : vector<16xi32>
          %mul3A_195 = arith.mulf %get3A_191, %gather3A_136 : vector<16xf32>
          tpu.vector_store_idx %arg10[%add3A_194], %mul3A_195 {add = true} : memref<65536xf32, #tpu.memory_space<vmem>>[vector<16xi32>], vector<16xf32>,
          %get3A_196 = arith.index_cast %scan3A_132 : i32 to index
          %get3A_197 = arith.constant 128 : index
          %get3A_198 = tpu.vector_load %arg20[%get3A_196, %get3A_197] {strides = array<i32>} : memref<64x256xf32, #tpu.memory_space<vmem>>, vector<16xf32>,
          %add3A_199 = arith.constant 128 : i32
          %add3A_200 = vector.broadcast %add3A_199 : i32 to vector<16xi32>
          %add3A_201 = arith.addi %add3A_140, %add3A_200 : vector<16xi32>
          %mul3A_202 = arith.mulf %get3A_198, %gather3A_136 : vector<16xf32>
          tpu.vector_store_idx %arg10[%add3A_201], %mul3A_202 {add = true} : memref<65536xf32, #tpu.memory_space<vmem>>[vector<16xi32>], vector<16xf32>,
          %get3A_203 = arith.index_cast %scan3A_132 : i32 to index
          %get3A_204 = arith.constant 144 : index
          %get3A_205 = tpu.vector_load %arg20[%get3A_203, %get3A_204] {strides = array<i32>} : memref<64x256xf32, #tpu.memory_space<vmem>>, vector<16xf32>,
          %add3A_206 = arith.constant 144 : i32
          %add3A_207 = vector.broadcast %add3A_206 : i32 to vector<16xi32>
          %add3A_208 = arith.addi %add3A_140, %add3A_207 : vector<16xi32>
          %mul3A_209 = arith.mulf %get3A_205, %gather3A_136 : vector<16xf32>
          tpu.vector_store_idx %arg10[%add3A_208], %mul3A_209 {add = true} : memref<65536xf32, #tpu.memory_space<vmem>>[vector<16xi32>], vector<16xf32>,
          %get3A_210 = arith.index_cast %scan3A_132 : i32 to index
          %get3A_211 = arith.constant 160 : index
          %get3A_212 = tpu.vector_load %arg20[%get3A_210, %get3A_211] {strides = array<i32>} : memref<64x256xf32, #tpu.memory_space<vmem>>, vector<16xf32>,
          %add3A_213 = arith.constant 160 : i32
          %add3A_214 = vector.broadcast %add3A_213 : i32 to vector<16xi32>
          %add3A_215 = arith.addi %add3A_140, %add3A_214 : vector<16xi32>
          %mul3A_216 = arith.mulf %get3A_212, %gather3A_136 : vector<16xf32>
          tpu.vector_store_idx %arg10[%add3A_215], %mul3A_216 {add = true} : memref<65536xf32, #tpu.memory_space<vmem>>[vector<16xi32>], vector<16xf32>,
          %get3A_217 = arith.index_cast %scan3A_132 : i32 to index
          %get3A_218 = arith.constant 176 : index
          %get3A_219 = tpu.vector_load %arg20[%get3A_217, %get3A_218] {strides = array<i32>} : memref<64x256xf32, #tpu.memory_space<vmem>>, vector<16xf32>,
          %add3A_220 = arith.constant 176 : i32
          %add3A_221 = vector.broadcast %add3A_220 : i32 to vector<16xi32>
          %add3A_222 = arith.addi %add3A_140, %add3A_221 : vector<16xi32>
          %mul3A_223 = arith.mulf %get3A_219, %gather3A_136 : vector<16xf32>
          tpu.vector_store_idx %arg10[%add3A_222], %mul3A_223 {add = true} : memref<65536xf32, #tpu.memory_space<vmem>>[vector<16xi32>], vector<16xf32>,
          %get3A_224 = arith.index_cast %scan3A_132 : i32 to index
          %get3A_225 = arith.constant 192 : index
          %get3A_226 = tpu.vector_load %arg20[%get3A_224, %get3A_225] {strides = array<i32>} : memref<64x256xf32, #tpu.memory_space<vmem>>, vector<16xf32>,
          %add3A_227 = arith.constant 192 : i32
          %add3A_228 = vector.broadcast %add3A_227 : i32 to vector<16xi32>
          %add3A_229 = arith.addi %add3A_140, %add3A_228 : vector<16xi32>
          %mul3A_230 = arith.mulf %get3A_226, %gather3A_136 : vector<16xf32>
          tpu.vector_store_idx %arg10[%add3A_229], %mul3A_230 {add = true} : memref<65536xf32, #tpu.memory_space<vmem>>[vector<16xi32>], vector<16xf32>,
          %get3A_231 = arith.index_cast %scan3A_132 : i32 to index
          %get3A_232 = arith.constant 208 : index
          %get3A_233 = tpu.vector_load %arg20[%get3A_231, %get3A_232] {strides = array<i32>} : memref<64x256xf32, #tpu.memory_space<vmem>>, vector<16xf32>,
          %add3A_234 = arith.constant 208 : i32
          %add3A_235 = vector.broadcast %add3A_234 : i32 to vector<16xi32>
          %add3A_236 = arith.addi %add3A_140, %add3A_235 : vector<16xi32>
          %mul3A_237 = arith.mulf %get3A_233, %gather3A_136 : vector<16xf32>
          tpu.vector_store_idx %arg10[%add3A_236], %mul3A_237 {add = true} : memref<65536xf32, #tpu.memory_space<vmem>>[vector<16xi32>], vector<16xf32>,
          %get3A_238 = arith.index_cast %scan3A_132 : i32 to index
          %get3A_239 = arith.constant 224 : index
          %get3A_240 = tpu.vector_load %arg20[%get3A_238, %get3A_239] {strides = array<i32>} : memref<64x256xf32, #tpu.memory_space<vmem>>, vector<16xf32>,
          %add3A_241 = arith.constant 224 : i32
          %add3A_242 = vector.broadcast %add3A_241 : i32 to vector<16xi32>
          %add3A_243 = arith.addi %add3A_140, %add3A_242 : vector<16xi32>
          %mul3A_244 = arith.mulf %get3A_240, %gather3A_136 : vector<16xf32>
          tpu.vector_store_idx %arg10[%add3A_243], %mul3A_244 {add = true} : memref<65536xf32, #tpu.memory_space<vmem>>[vector<16xi32>], vector<16xf32>,
          %get3A_245 = arith.index_cast %scan3A_132 : i32 to index
          %get3A_246 = arith.constant 240 : index
          %get3A_247 = tpu.vector_load %arg20[%get3A_245, %get3A_246] {strides = array<i32>} : memref<64x256xf32, #tpu.memory_space<vmem>>, vector<16xf32>,
          %add3A_248 = arith.constant 240 : i32
          %add3A_249 = vector.broadcast %add3A_248 : i32 to vector<16xi32>
          %add3A_250 = arith.addi %add3A_140, %add3A_249 : vector<16xi32>
          %mul3A_251 = arith.mulf %get3A_247, %gather3A_136 : vector<16xf32>
          tpu.vector_store_idx %arg10[%add3A_250], %mul3A_251 {add = true} : memref<65536xf32, #tpu.memory_space<vmem>>[vector<16xi32>], vector<16xf32>,
          %scan3A_252 = arith.constant 0 : i32
          scf.yield %scan3A_252 : i32
        }
        %scan3A_130 = arith.constant 64 : i32
        %while3A_131 = arith.constant 0 : i32
        scf.yield %while3A_131 : i32
      }
      %while3A_112 = arith.constant 0 : i32
      scf.yield %while3A_112 : i32
    }
    %mul3A_64 = arith.constant 256 : i32
    %mul3A_65 = arith.muli %add3A_8, %mul3A_64 : i32
    %mul3A_66 = arith.constant 256 : i32
    %mul3A_67 = arith.muli %mul3A_65, %mul3A_66 : i32
    %multiple_of3A_68 = tpu.assume_multiple %mul3A_67, 65536 : i32
    "tpu.region"() ({
      %run_scoped3A = tpu.sem_alloc : memref<!tpu.dma_semaphore, #tpu.memory_space<semaphore_mem>>
      %dma_start3A = tpu.memref_slice %arg6[%multiple_of3A_68] : memref<4194304xf32, #tpu.memory_space<hbm>> -> memref<65536xf32, #tpu.memory_space<hbm>>
      %dma_start3A_69 = tpu.memref_slice %arg6[%multiple_of3A_68] : memref<4194304xf32, #tpu.memory_space<hbm>> -> memref<65536xf32, #tpu.memory_space<hbm>>
      tpu.enqueue_dma source(%arg10 : memref<65536xf32, #tpu.memory_space<vmem>>) target(%dma_start3A_69 : memref<65536xf32, #tpu.memory_space<hbm>>) target_semaphore(%run_scoped3A : memref<!tpu.dma_semaphore, #tpu.memory_space<semaphore_mem>>)
      %dma_wait3A = tpu.memref_slice %arg6[%multiple_of3A_68] : memref<4194304xf32, #tpu.memory_space<hbm>> -> memref<65536xf32, #tpu.memory_space<hbm>>
      %dma_wait3A_70 = tpu.memref_slice %arg6[%multiple_of3A_68] : memref<4194304xf32, #tpu.memory_space<hbm>> -> memref<65536xf32, #tpu.memory_space<hbm>>
      tpu.wait_dma2 semaphore(%run_scoped3A : memref<!tpu.dma_semaphore, #tpu.memory_space<semaphore_mem>>) src(%arg10 : memref<65536xf32, #tpu.memory_space<vmem>>) dst(%dma_wait3A_70 : memref<65536xf32, #tpu.memory_space<hbm>>)
      tpu.yield
    }) : () -> ()
    return
  }
}

</mosaic_0001>

<sc_bundles>
// kernel: kernel.3.cloned.1.call-start
scs
__scs_entry_jumppad:
0x0: {  	(pc) =	sbr.rel $0x88, $3  }
0x1: {  	(tag) =	ssettag $0x0;
	lr =	simm.s32 $0x1  }
0x2: {  	[smem:$0x3F9C] =	sst lr;
	_ =	strace $0xD0000000  }
0x3: {  	_ = 	snop  }
0x4: {  	_ = 	snop  }
0x5: {  	_ = 	snop  }
0x6: {  	_ = 	snop  }
0x7: {  	_ = 	snop  }
__scs_overlays_trampoline_lowered:
0x8: {  	[smem:$0x3FAB] =	sst s0  }
0x9: {  	[smem:$0x3FAC] =	sst s1  }
0xa: {  	[smem:$0x3FAD] =	sst s2  }
0xb: {  	[smem:$0x3FAE] =	sst s3  }
0xc: {  	[smem:$0x3FAF] =	sst s4  }
0xd: {  	[smem:$0x3FB0] =	sst s5  }
0xe: {  	[smem:$0x3FB1] =	sst s6  }
0xf: {  	[smem:$0x3FB2] =	sst s7  }
0x10: {  	[smem:$0x3FB3] =	sst s8  }
0x11: {  	[smem:$0x3FB4] =	sst s9;
	s0 =	simm.s32 @!p0 $0x0  }
0x12: {  	s1 =	sld [smem:$0x3F9A];
	s0 =	simm.s32 @p0 $0x1  }
0x13: {  	[smem:$0x3FB5] =	sst s0;
	s0 =	simm.s32 @!p1 $0x0  }
0x14: {  	s2 =	sld [smem:$0x3F99];
	s0 =	simm.s32 @p1 $0x1  }
0x15: {  	[smem:$0x3FB6] =	sst s0;
	s0 =	simm.s32 @!p2 $0x0  }
0x16: {  	s3 =	sld [smem:$0x3FDB];
	s0 =	simm.s32 @p2 $0x1  }
0x17: {  	s4 =	simm.s32 $0x1BF5;
	[smem:$0x3FB8] =	sst s0  }
0x18: {  	s0 =	sld [smem:$0x3F9B];
	_ =	swait.ge [sflag:s4], $0x0  }
0x19: {  	s7 =	sld [smem:$0x3F9C]  }
0x1a: {  	s8 =	sadd.s32 $0xFFFFE003, lr  }
0x1b: {  	s9 =	sadd.s32 $0xFFFFFEF7, lr;
	s5 =	simm.s32 $0xFFFFFFFF;
	p2 =	slt.u32 s8, $0xFFFFF086  }
0x1c: {  	p1 =	slt.u32 s9, $0xF7A;
	s5 =	simm.s32 @!p2 $0x0  }
0x1d: {  	s5 =	simm.s32 @p1 $0x1;
	p0 =	seq.s32 s7, s2  }
0x1e: {  	s7 =	smul.u32 @!p0 $0xF7A, s2;
	p2 =	seq.s32 @!p0 s5, $0x0  }
0x1f: {  	s9 =	smul.u32 $0xF7A, s1;
	s8 =	simm.s32 @!p0 $0x1BF5;
	p2 =	por !p2, p0  }
0x20: {  	[sflag:s8] =	ssyncset.s32 @!p0 $0xFFFFF086;
	s6 =	sadd.s32 @!p0 s3, s7;
	s7 =	simm.s32 @!p0 $0x108  }
0x21: {  	s3 =	sadd.s32 s3, s9;
	s6 =	sadd.s32 @!p0 $0x88, s6;
	s7 =	simm.s32 @p2 $0x1082  }
0x22: {  	[simem:s7], [sflag:s8] =	dma.local @!p0 [hbm:s6], $0xF7A  }
0x23: {  	s9 =	sor.u32 $0xD0000000, s2;
	s6 =	simm.s32 $0x108;
	_ =	swait.ge @!p0 [sflag:s8], $0x0  }
0x24: {  	s3 =	sadd.s32 $0x88, s3;
	s6 =	simm.s32 @!p1 $0x1082;
	[sflag:s4] =	ssyncset.s32 $0xFFFFF086  }
0x25: {  	[simem:s6], [sflag:s4] =	dma.local [hbm:s3], $0xF7A  }
0x26: {  	[smem:$0x3F9C] =	sst s1;
	(tag) =	ssettag s2;
	_ =	strace s9  }
0x27: {  	s1 =	sld [smem:$0x3FAC]  }
0x28: {  	s2 =	sld [smem:$0x3FAD]  }
0x29: {  	s4 =	sld [smem:$0x3FAF]  }
0x2a: {  	p0 =	seq.s32 s5, $0x0;
	s5 =	sld [smem:$0x3FB0]  }
0x2b: {  	s6 =	sld [smem:$0x3FB1]  }
0x2c: {  	s7 =	sld [smem:$0x3FB2]  }
0x2d: {  	s3 =	simm.s32 $0x108;
	s8 =	sld [smem:$0x3FB3]  }
0x2e: {  	s3 =	simm.s32 @!p0 $0x1082;
	s9 =	sld [smem:$0x3FB4]  }
0x2f: {  	lr =	sadd.s32 s0, s3;
	s0 =	sld [smem:$0x3FAB]  }
0x30: {  	s3 =	sld [smem:$0x3FAE]  }
0x31: {  	[smem:$0x3FB7] =	sst s10  }
0x32: {  	s10 =	sld [smem:$0x3FB5];
	_ =	sdelay $0x3  }
0x33: {  	p0 =	seq.s32 s10, $0x1;
	s10 =	sld [smem:$0x3FB7];
	_ =	sdelay $0x3  }
0x34: {  	[smem:$0x3FB7] =	sst s10  }
0x35: {  	s10 =	sld [smem:$0x3FB6];
	_ =	sdelay $0x3  }
0x36: {  	p1 =	seq.s32 s10, $0x1;
	s10 =	sld [smem:$0x3FB7];
	_ =	sdelay $0x3  }
0x37: {  	[smem:$0x3FB7] =	sst s10  }
0x38: {  	s10 =	sld [smem:$0x3FB8]  }
0x39: {  	_ = 	snop;
	(pc) =	sbr.ind lr, $3  }
0x3a: {  	_ = 	snop  }
0x3b: {  	_ = 	snop  }
0x3c: {  	p2 =	seq.s32 s10, $0x1;
	s10 =	sld [smem:$0x3FB7]  }
0x3d: {  	_ =	shalt  }
0x3e: {  	_ =	shalt  }
0x3f: {  	_ =	shalt  }
0x40: {  	_ =	shalt  }
0x41: {  	_ =	shalt  }
0x42: {  	_ =	shalt  }
0x43: {  	_ =	shalt  }
0x44: {  	_ =	shalt  }
0x45: {  	_ =	shalt  }
0x46: {  	_ =	shalt  }
0x47: {  	_ =	shalt  }
0x48: {  	_ =	shalt  }
0x49: {  	_ =	shalt  }
0x4a: {  	_ =	shalt  }
0x4b: {  	_ =	shalt  }
0x4c: {  	_ =	shalt  }
0x4d: {  	_ =	shalt  }
0x4e: {  	_ =	shalt  }
0x4f: {  	_ =	shalt  }
0x50: {  	_ =	shalt  }
0x51: {  	_ =	shalt  }
0x52: {  	_ =	shalt  }
0x53: {  	_ =	shalt  }
0x54: {  	_ =	shalt  }
0x55: {  	_ =	shalt  }
0x56: {  	_ =	shalt  }
0x57: {  	_ =	shalt  }
0x58: {  	_ =	shalt  }
0x59: {  	_ =	shalt  }
0x5a: {  	_ =	shalt  }
0x5b: {  	_ =	shalt  }
0x5c: {  	_ =	shalt  }
0x5d: {  	_ =	shalt  }
0x5e: {  	_ =	shalt  }
0x5f: {  	_ =	shalt  }
0x60: {  	_ =	shalt  }
0x61: {  	_ =	shalt  }
0x62: {  	_ =	shalt  }
0x63: {  	_ =	shalt  }
0x64: {  	_ =	shalt  }
0x65: {  	_ =	shalt  }
0x66: {  	_ =	shalt  }
0x67: {  	_ =	shalt  }
0x68: {  	_ =	shalt  }
0x69: {  	_ =	shalt  }
0x6a: {  	_ =	shalt  }
0x6b: {  	_ =	shalt  }
0x6c: {  	_ =	shalt  }
0x6d: {  	_ =	shalt  }
0x6e: {  	_ =	shalt  }
0x6f: {  	_ =	shalt  }
0x70: {  	_ =	shalt  }
0x71: {  	_ =	shalt  }
0x72: {  	_ =	shalt  }
0x73: {  	_ =	shalt  }
0x74: {  	_ =	shalt  }
0x75: {  	_ =	shalt  }
0x76: {  	_ =	shalt  }
0x77: {  	_ =	shalt  }
0x78: {  	_ =	shalt  }
0x79: {  	_ =	shalt  }
0x7a: {  	_ =	shalt  }
0x7b: {  	_ =	shalt  }
0x7c: {  	_ =	shalt  }
0x7d: {  	_ =	shalt  }
0x7e: {  	_ =	shalt  }
0x7f: {  	_ =	shalt  }
0x80: {  	_ =	shalt  }
0x81: {  	_ =	shalt  }
0x82: {  	_ =	shalt  }
0x83: {  	_ =	shalt  }
0x84: {  	_ =	shalt  }
0x85: {  	_ =	shalt  }
0x86: {  	_ =	shalt  }
0x87: {  	_ =	shalt  }
.Lfunc_end0:
.L_simem_size_0:
called_computation_lowered:
.L_overlay_start_0:
0x88: {  	s2 =	sld [smem:$0x3FD9]  }
0x89: {  	s3 =	sld [smem:$0x3FFE];
	_ =	sdelay $0x1  }
0x8a: {  	s1 =	srdreg.scid  }
0x8b: {  	s0 =	sand.u32 $0x1, s1  }
0x8c: {  	s17 =	sshll.u32 s0, $0xA;
	s2 =	sadd.s32 s3, s2  }
0x8d: {  	s2 =	sadd.s32 s2, s17  }
0x8e: {  	[smem:$0x3FC3] =	sst s2  }
0x8f: {  	_ = 	snop  }
0x90: {  	s2 =	sld [smem:$0x3FD0];
	(tm) =	ssettm $0x1  }
0x91: {  	s18 =	sld [smem:$0x3FFB];
	_ =	sdelay $0x3  }
0x92: {  	_ =	strace s18  }
0x93: {  	s3 =	sld [smem:$0x3FFC];
	_ =	sdelay $0x3  }
0x94: {  	_ =	strace s3  }
0x95: {  	s3 =	sld [smem:$0x3FFD];
	_ =	sdelay $0x3  }
0x96: {  	_ =	strace s3  }
0x97: {  	_ =	strace $0x8FFFFFFF  }
0x98: {  	s19 =	sld [smem:$0x3FDB];
	_ =	sdelay $0x1  }
0x99: {  	s4 =	simm.s32 $_scs_section_size  }
0x9a: {  	s5 =	simm.s32 $_size__tile_overlayer_lowered;
	s6 =	simm.s32 $_tile_overlayer_lowered  }
0x9b: {  	s22 =	simm.s32 $0x1BFF;
	s21 =	sshll.u32 s6, $0x1;
	s3 =	sadd.s32 s4, s19  }
0x9c: {  	s7 =	simm.s32 $0x0;
	s20 =	sshll.u32 s5, $0x1;
	s5 =	sadd.s32 s21, s3  }
0x9d: {  	[timem:s7], [sflag:s22] =	dma.local [hbm:s5], s20  }
0x9e: {  	_ =	swait.ge [sflag:s22], s20  }
0x9f: {  	s4 =	ssub.s32 $0x0, s20;
	[sflag:s22] =	ssyncset.done $0x0  }
0xa0: {  	[sflag:s22] =	ssyncadd.s32 s4;
	_ =	sdelay $0x1  }
0xa1: {  	s23 =	simm.s32 $0x1B8B  }
0xa2: {  	_ =	swait.ge [sflag:s23], $0x1  }
0xa3: {  	[sflag:s23] =	ssyncset.done $0x0  }
0xa4: {  	s25 =	simm.s32 $0x1B8E;
	s24 =	sld [smem:$0x3FFE];
	[sflag:s23] =	ssyncadd.s32 $0xFFFFFFFF  }
0xa5: {  	s26 =	simm.s32 $execute0_lowered;
	[smem:$0x3FD2] =	sst s25  }
0xa6: {  	s5 =	sshll.u32 s26, $0x1;
	_ =	strace $0x80000046;
	[dreg:$0x1] =	wrdreg $0xFFFFFFFF  }
0xa7: {  	s28 =	simm.s32 $_size_execute0_lowered;
	s3 =	sadd.s32 s3, s5;
	[dreg:$0x0] =	wrdreg $0x0  }
0xa8: {  	s5 =	sshll.u32 s28, $0x1;
	[dreg:$0x2] =	wrdreg s3  }
0xa9: {  	[dreg:$0x3] =	wrdreg s5  }
0xaa: {  	[dreg:$0x4] =	wrdreg $0xC0  }
0xab: {  	_ =	task [dreg:s7], $0x5FFFF  }
0xac: {  	[dreg:$0x1] =	wrdreg $0xFFFFFFFF  }
0xad: {  	[dreg:$0x0] =	wrdreg $0x60  }
0xae: {  	[dreg:$0x2] =	wrdreg s2  }
0xaf: {  	[dreg:$0x3] =	wrdreg s24  }
0xb0: {  	[dreg:$0x4] =	wrdreg $0x9  }
0xb1: {  	_ =	task.clear_ibuf [dreg:s7], $0x5FFFF;
	_ =	strace $0x90000046  }
0xb2: {  	s29 =	simm.s32 $0x9;
	_ =	strace $0x80000048  }
0xb3: {  	_ =	swait.ge [sflag:s29], $0x1  }
0xb4: {  	[sflag:s29] =	ssyncadd.s32 $0xFFFFFFFF  }
0xb5: {  	_ =	strace $0x90000048  }
0xb6: {  	_ =	sfence  }
0xb7: {  	s30 =	sld [smem:$0x0];
	_ =	sdelay $0x2  }
0xb8: {  	s31 =	sshll.u32 s1, $0xD;
	s1 =	sshrl.u32 s1, $0x2  }
0xb9: {  	s3 =	sand.u32 $0x4000, s31;
	s1 =	sadd.s32 s1, s30  }
0xba: {  	s0 =	sor.u32 s3, s0;
	s1 =	sshll.u32 s1, $0x11  }
0xbb: {  	s0 =	sor.u32 s1, s0  }
0xbc: {  	s0 =	sadd.s32 $0x8F2B, s0  }
0xbd: {  	[sflag:s0] =	ssyncadd.remote.s32 $0x1  }
0xbe: {  	_ =	sfence.sel $0xFFFF  }
0xbf: {  	[dreg:$0x0] =	wrdreg $0xFFFFFFFF;
	(pc) =	sbr.abs _section_cstart, $3  }
0xc0: {  	[dreg:$0x1] =	wrdreg $0xFFFFFFFF  }
0xc1: {  	_ =	task.clear_ibuf [dreg:s7], $0x2FFFF;
	_ =	strace $0x9FFFFFFF  }
0xc2: {  	(tm) =	ssettm $0x7FFFFFFF  }
0xc3: {  	_ =	shalt  }
tec
execute0_lowered:
.L_overlay_start_1:
0x0: {  	(tag) =	ssettag $0x1  }
0x1: {  	s1 =	rddreg [dreg:$0x0]  }
0x2: {  	s0 =	rddreg [dreg:$0x1];
	s2 =	simm.s32 $0x0  }
0x3: {  	s4 =	srdreg.scid;
	s10 =	stileid.u32;
	s14 =	simm.s32 $0x10000  }
0x4: {  	s15 =	simm.s32 $0x2;
	s17 =	simm.s32 $0x11000;
	s18 =	simm.s32 $0x12080  }
0x5: {  	s19 =	simm.s32 $0x11800;
	s20 =	simm.s32 $0x12900;
	s21 =	simm.s32 $0x13A00  }
0x6: {  	s31 =	simm.s32 $0x17300;
	[smem:$0x7FF] =	sst s2;
	s3 =	sadd.s32 $0x1E00, s0  }
0x7: {  	s22 =	sadd.s32 $0xA200, s0;
	s23 =	sadd.s32 $0x12600, s0;
	s24 =	sadd.s32 $0x34B600, s0  }
0x8: {  	s7 =	sadd.s32 $0x1AA00, s0;
	_ =	strace $0x80000047;
	[dreg:$0x3] =	wrdreg s3  }
0x9: {  	s8 =	sadd.s32 $0x12AE00, s0;
	s4 =	sand.u32 $0x1, s4;
	[dreg:$0x4] =	wrdreg s22  }
0xa: {  	s9 =	sadd.s32 $0x23B200, s0;
	s28 =	sshll.u32 s10, $0x7;
	[dreg:$0x5] =	wrdreg s23  }
0xb: {  	v2 =	vimm.f32 $0.0e+00;
	s5 =	ssub.s32 $0x2, s4;
	s6 =	sshll.u32 s4, $0x4;
	s4 =	sshll.u32 s4, $0x5  }
0xc: {  	v3 =	vlaneseq.u32;
	v4 =	vimm.s32 $0x0;
	vm0 =	vmmov $0xffff;
	s22 =	simm.s32 $0x13180;
	s23 =	simm.s32 $0x14280;
	s25 =	sshrl.u32 s5, $0x1  }
0xd: {  	v5 =	vand.u32 $0x7, v3;
	v6 =	vshrl.u32 v3, $0x3;
	v7 =	vor.u32 $0x8, v3;
	s6 =	sor.u32 s10, s6;
	s4 =	sor.u32 s10, s4;
	s0 =	ssub.s32 s5, s25  }
0xe: {  	v8 =	vor.u32 $0x10, v3;
	v9 =	vor.u32 $0x20, v3;
	v10 =	vor.u32 $0x30, v3;
	s26 =	sshrl.u32 s6, $0x3;
	s11 =	sor.u32 $0x10, s4;
	s6 =	sand.u32 $0x380, s28  }
.Ltmp0:
0xf: {  	v11 =	vor.u32 $0x40, v3;
	v12 =	vor.u32 $0x50, v3;
	s12 =	sshll.u32 s4, $0xD;
	v0 =	vmov s4;
	s4 =	simm.s32 $0x0;
	(pc) =	sbr.rel .LBB2_1-.Ltmp0, $4  }
0x10: {  	v13 =	vor.u32 $0x60, v3;
	v14 =	vor.u32 $0x70, v3;
	v15 =	vor.u32 $0x80, v3;
	s5 =	smul.u32 $0x220800, s26;
	s29 =	sadd.s32 s24, s12;
	s30 =	sshll.u32 s11, $0xD  }
0x11: {  	v16 =	vor.u32 $0x90, v3;
	v17 =	vor.u32 $0xA0, v3;
	v18 =	vor.u32 $0xB0, v3;
	s0 =	smax.u32 s0, $0x1;
	[dreg:$0x6] =	wrdreg s29;
	s3 =	sadd.s32 s24, s30  }
0x12: {  	v19 =	vor.u32 $0xC0, v3;
	v20 =	vor.u32 $0xD0, v3;
	v21 =	vor.u32 $0xE0, v3;
	[dreg:$0x8] =	wrdreg s0;
	s24 =	simm.s32 $0x1;
	s0 =	simm.s32 $0x17B00  }
0x13: {  	v22 =	vor.u32 $0xF0, v3;
	v6 =	vmul.u32 $0x8, v6;
	v1 =	vmov s11;
	s10 =	sor.u32 s6, s5;
	[dreg:$0x7] =	wrdreg s3;
	s6 =	simm.s32 $0x18300  }
.LBB2_26:
0x14: {  	s3 =	rddreg [dreg:$0x7]  }
0x15: {  	[hbm4b:s3+s2] =	stream.linear.scatter [tilespmem:s2], [sflag:$0x2], $0x10000, $0x38;
	[tilespmem:$0x18B00] =	vst v63  }
0x16: {  	_ =	swait.ge [sflag:s15], $0x10000  }
0x17: {  	s4 =	rddreg [dreg:$0x9]  }
0x18: {  	s30 =	rddreg [dreg:$0x8];
	s4 =	sadd.s32 $0x1, s4  }
0x19: {  	p0 =	sne.s32 s4, s30  }
.Ltmp1:
0x1a: {  	_ = 	snop;
	(pc) =	sbr.rel @!p0 .LBB2_27-.Ltmp1, $3  }
0x1b: {  	_ =	sdelay $0x1  }
0x1c: {  	[sflag:s15] =	ssyncset.done $0x0  }
0x1d: {  	[sflag:s15] =	ssyncadd.s32 $0xFFFF0000  }
.LBB2_1:
0x1e: {  	[dreg:$0x9] =	wrdreg s4;
	s3 =	simm.s32 $0x40;
	s4 =	simm.s32 $0x0  }
.LBB2_2:
0x1f: {  	p0 =	sne.s32 s3, $0x3FFC0;
	[tilespmem:s4+$0x0] =	vst v2;
	s4 =	smov.u32 s3;
	s3 =	sadd.s32 $0x40, s3  }
.Ltmp2:
0x20: {  	(pc) =	sbr.rel @p0 .LBB2_2-.Ltmp2, $2  }
0x21: {  	_ =	sdelay $0x2  }
0x22: {  	s4 =	sshra.s32 s4, $0x2  }
.Ltmp3:
0x23: {  	(pc) =	sbr.rel .LBB2_4-.Ltmp3, $2  }
0x24: {  	_ =	sdelay $0x2  }
0x25: {  	[tilespmem:s4+$0x0] =	vst v2;
	s30 =	simm.s32 $0x0;
	s4 =	simm.s32 $0x0  }
.LBB2_12:
0x26: {  	s16 =	simm.s32 $0x13180  }
.LBB2_16:
0x27: {  	s11 =	sshrl.u32 s26, $0x3;
	s12 =	sadd.s32 @p0 $0x40, s16  }
0x28: {  	[sflag:s15] =	ssyncadd.s32 @p0 $0xFFFFFFC0;
	s13 =	sadd.s32 s7, s11;
	s4 =	smov.u32 @p0 s12  }
0x29: {  	[hbm4b:s13+s2] =	stream.linear.scatter [tilespmem:s4], [sflag:$0x2], $0x40, $0x38;
	[tilespmem:$0x18B00] =	vst v63  }
0x2a: {  	_ =	swait.ge [sflag:s15], $0x40  }
0x2b: {  	[sflag:s15] =	ssyncset.done $0x0  }
0x2c: {  	s28 =	sadd.s32 s8, s11;
	[sflag:s15] =	ssyncadd.s32 $0xFFFFFFC0  }
0x2d: {  	[hbm4b:s28+s2] =	stream.linear.scatter [tilespmem:s5], [sflag:$0x2], $0x40, $0x38;
	[tilespmem:$0x18B00] =	vst v63  }
0x2e: {  	_ =	swait.ge [sflag:s15], $0x40  }
0x2f: {  	[sflag:s15] =	ssyncset.done $0x0  }
0x30: {  	s29 =	sadd.s32 s9, s11;
	[sflag:s15] =	ssyncadd.s32 $0xFFFFFFC0  }
0x31: {  	[hbm4b:s29+s2] =	stream.linear.scatter [tilespmem:s25], [sflag:$0x2], $0x40, $0x38;
	[tilespmem:$0x18B00] =	vst v63  }
0x32: {  	_ =	swait.ge [sflag:s15], $0x40  }
0x33: {  	[sflag:s15] =	ssyncset.done $0x0  }
0x34: {  	[sflag:s15] =	ssyncadd.s32 $0xFFFFFFC0  }
.LBB2_17:
0x35: {  	s4 =	rddreg [dreg:$0xb]  }
0x36: {  	s4 =	sadd.s32 $0x1, s4  }
0x37: {  	p0 =	sne.s32 s4, $0x84  }
.Ltmp4:
0x38: {  	_ = 	snop;
	(pc) =	sbr.rel @!p0 .LBB2_18-.Ltmp4, $3  }
0x39: {  	_ =	sdelay $0x1  }
0x3a: {  	s3 =	sshll.u32 s3, $0x6  }
0x3b: {  	s30 =	sadd.s32 s30, s3  }
.LBB2_4:
0x3c: {  	[dreg:$0xa] =	wrdreg s30  }
0x3d: {  	s3 =	sshll.u32 s4, $0x8;
	s26 =	rddreg [dreg:$0x3]  }
0x3e: {  	[dreg:$0xb] =	wrdreg s4;
	s11 =	simm.s32 $0x0;
	s4 =	sadd.s32 s26, s3  }
0x3f: {  	[tilespmem:s14], [sflag:$0x2] =	stream.linear.gather [hbm4b:s4+s11], $0x800, $0x38;
	[tilespmem:$0x18B00] =	vst v63  }
0x40: {  	_ =	swait.ge [sflag:s15], $0x800  }
0x41: {  	[sflag:s15] =	ssyncset.done $0x0;
	s28 =	rddreg [dreg:$0x4]  }
0x42: {  	s5 =	simm.s32 $0x10800;
	[sflag:s15] =	ssyncadd.s32 $0xFFFFF800;
	s4 =	sadd.s32 s28, s3  }
0x43: {  	[tilespmem:s5], [sflag:$0x2] =	stream.linear.gather [hbm4b:s4+s11], $0x800, $0x38;
	[tilespmem:$0x18B00] =	vst v63  }
0x44: {  	_ =	swait.ge [sflag:s15], $0x800  }
0x45: {  	[sflag:s15] =	ssyncset.done $0x0;
	s29 =	rddreg [dreg:$0x5]  }
0x46: {  	[sflag:s15] =	ssyncadd.s32 $0xFFFFF800;
	s3 =	sadd.s32 s29, s3  }
0x47: {  	[tilespmem:s17], [sflag:$0x2] =	stream.linear.gather [hbm4b:s3+s11], $0x800, $0x38;
	[tilespmem:$0x18B00] =	vst v63  }
0x48: {  	_ =	swait.ge [sflag:s15], $0x800  }
0x49: {  	[sflag:s15] =	ssyncset.done $0x0  }
0x4a: {  	s30 =	simm.s32 $0x0;
	[sflag:s15] =	ssyncadd.s32 $0xFFFFF800  }
0x4b: {  	v23 =	vld [tilespmem:s30+$0x10000];
	_ =	sdelay $0x4  }
0x4c: {  	v24 =	vshrl.u32 v23, $0x8  }
0x4d: {  	vm1 =	veq.s32 v24, v0  }
0x4e: {  	v25 =	vsel vm1, $0x1, v4  }
0x4f: {  	(xrf0) =	vadd.scan.msk.s32 $0xffff, v25;
	_ =	sdelay $0x3  }
0x50: {  	vm2 =	veq.s32 v24, v1  }
0x51: {  	v24 =	vsel vm2, $0x1, v4  }
0x52: {  	v25, _, _ =	vpop (xrf0);
	(xrf0) =	vadd.scan.msk.s32 $0xffff, v24;
	_ =	sdelay $0x1  }
0x53: {  	v26 =	vmov s11  }
0x54: {  	v62 =	vadd.s32 $0xFFFFFFFF, v26  }
0x55: {  	v24 =	vbroadcast v62, $0x0  }
0x56: {  	(v2sf) =	vpush v25, $0xF  }
0x57: {  	v63 =	vld [tilespmem:s30+$0x10800];
	v25 =	vadd.s32 v25, v24;
	v27, _, _ =	vpop (xrf0)  }
0x58: {  	(v2sf) =	vpush v27, $0xF  }
0x59: {  	v28 =	vld [tilespmem:s30+$0x11000]  }
0x5a: {  	v24 =	vadd.s32 v27, v24;
	_ =	sdelay $0x1  }
0x5b: {  	v23 =	vand.u32 $0xFF, v23;
	[tilespmem:v25+s18+$0x0] =	vst.idx.msk vm1, v63  }
0x5c: {  	[tilespmem:v25+s19+$0x0] =	vst.idx.msk vm1, v23  }
0x5d: {  	[tilespmem:v25+s20+$0x0] =	vst.idx.msk vm1, v28  }
0x5e: {  	[tilespmem:v24+s21+$0x0] =	vst.idx.msk vm2, v63  }
0x5f: {  	[tilespmem:v24+s22+$0x0] =	vst.idx.msk vm2, v23  }
0x60: {  	s4 =	simm.s32 $0x10;
	[tilespmem:v24+s23+$0x0] =	vst.idx.msk vm2, v28  }
0x61: {  	v23 =	vld [tilespmem:s4+$0x10000];
	_ =	sdelay $0x1  }
0x62: {  	s5 =	simm.s32 $0x0  }
0x63: {  	s11 =	simm.s32 $0x80;
	s3 =	simm.s32 $0x0;
	s12 =	spop (v2sf)  }
.LBB2_5:
0x64: {  	s5 =	sadd.s32 s5, s12  }
0x65: {  	v24 =	vshrl.u32 v23, $0x8;
	s12 =	spop (v2sf);
	s13 =	smov.u32 s11;
	s16 =	sadd.s32 $0x40, s11  }
0x66: {  	p0 =	sne.s32 s11, $0x1FC0;
	vm2 =	veq.s32 v24, v0;
	vm1 =	veq.s32 v24, v1;
	v24 =	vmov s5;
	s3 =	sadd.s32 s3, s12  }
0x67: {  	v25 =	vsel vm2, $0x1, v4;
	v26 =	vsel vm1, $0x1, v4;
	v24 =	vadd.s32 $0xFFFFFFFF, v24  }
0x68: {  	v27 =	vmov s3;
	(xrf0) =	vadd.scan.msk.s32 $0xffff, v25  }
0x69: {  	v25 =	vadd.s32 $0xFFFFFFFF, v27;
	(xrf0) =	vadd.scan.msk.s32 $0xffff, v26;
	_ =	sdelay $0x3  }
0x6a: {  	v24 =	vbroadcast v24, $0x0  }
0x6b: {  	v26, _, _ =	vpop (xrf0)  }
0x6c: {  	v27 =	vld [tilespmem:s4+$0x10800];
	v24 =	vadd.s32 v26, v24;
	v28, _, _ =	vpop (xrf0);
	(v2sf) =	vpush v26, $0xF  }
0x6d: {  	v25 =	vbroadcast v25, $0x0;
	(v2sf) =	vpush v28, $0xF  }
0x6e: {  	v26 =	vld [tilespmem:s4+$0x11000]  }
0x6f: {  	v25 =	vadd.s32 v28, v25;
	_ =	sdelay $0x1  }
0x70: {  	v23 =	vand.u32 $0xFF, v23;
	[tilespmem:v24+s18+$0x0] =	vst.idx.msk vm2, v27  }
0x71: {  	[tilespmem:v24+s19+$0x0] =	vst.idx.msk vm2, v23  }
0x72: {  	[tilespmem:v24+s20+$0x0] =	vst.idx.msk vm2, v26  }
0x73: {  	[tilespmem:v25+s21+$0x0] =	vst.idx.msk vm1, v27  }
0x74: {  	[tilespmem:v25+s22+$0x0] =	vst.idx.msk vm1, v23  }
0x75: {  	s4 =	sshra.s32 s13, $0x2;
	[tilespmem:v25+s23+$0x0] =	vst.idx.msk vm1, v26  }
.Ltmp5:
0x76: {  	v23 =	vld [tilespmem:s4+$0x10000];
	(pc) =	sbr.rel @p0 .LBB2_5-.Ltmp5, $2  }
0x77: {  	_ =	sdelay $0x2  }
0x78: {  	s11 =	smov.u32 s16;
	s12 =	spop (v2sf)  }
0x79: {  	v24 =	vshrl.u32 v23, $0x8  }
0x7a: {  	vm1 =	veq.s32 v24, v0  }
0x7b: {  	v25 =	vsel vm1, $0x1, v4  }
0x7c: {  	(xrf0) =	vadd.scan.msk.s32 $0xffff, v25;
	_ =	sdelay $0x5  }
0x7d: {  	v25, _, _ =	vpop (xrf0)  }
0x7e: {  	(v2sf) =	vpush v25, $0xF;
	_ =	sdelay $0x4  }
0x7f: {  	vm2 =	veq.s32 v24, v1  }
0x80: {  	s5 =	sadd.s32 s5, s12;
	v24 =	vsel vm2, $0x1, v4  }
0x81: {  	v26 =	vmov s5;
	(xrf0) =	vadd.scan.msk.s32 $0xffff, v24  }
0x82: {  	s11 =	spop (v2sf);
	v57 =	vadd.s32 $0xFFFFFFFF, v26  }
0x83: {  	s11 =	sadd.s32 s3, s11;
	v24 =	vbroadcast v57, $0x0  }
0x84: {  	v58 =	vmov s11  }
0x85: {  	v27 =	vld [tilespmem:s4+$0x10800];
	v26 =	vadd.s32 $0xFFFFFFFF, v58;
	v24 =	vadd.s32 v25, v24  }
0x86: {  	v59 =	vbroadcast v26, $0x0  }
0x87: {  	v28 =	vld [tilespmem:s4+$0x11000];
	v60, _, _ =	vpop (xrf0)  }
0x88: {  	v25 =	vadd.s32 v60, v59  }
0x89: {  	s12 =	spop (v2sf)  }
0x8a: {  	v23 =	vand.u32 $0xFF, v23;
	[tilespmem:v24+s18+$0x0] =	vst.idx.msk vm1, v27;
	s3 =	sadd.s32 s5, s12  }
0x8b: {  	(v2sf) =	vpush v60, $0xF;
	[tilespmem:v24+s19+$0x0] =	vst.idx.msk vm1, v23;
	v61 =	vadd.s32 s3, v3  }
0x8c: {  	[tilespmem:v24+s20+$0x0] =	vst.idx.msk vm1, v28  }
0x8d: {  	[tilespmem:v25+s21+$0x0] =	vst.idx.msk vm2, v27;
	s13 =	sadd.s32 $0x10, s3  }
0x8e: {  	[tilespmem:v25+s22+$0x0] =	vst.idx.msk vm2, v23;
	v23 =	vadd.s32 s13, v3  }
0x8f: {  	[tilespmem:v25+s23+$0x0] =	vst.idx.msk vm2, v28;
	s16 =	sadd.s32 $0x20, s3;
	s25 =	sadd.s32 $0x30, s3;
	s3 =	sadd.s32 $0x3F, s3  }
0x90: {  	s26 =	sand.u32 $0x3F, s3;
	[tilespmem:v61+s18+$0x0] =	vst.idx.msk $0xffff, v4  }
0x91: {  	v62 =	vadd.s32 s16, v3;
	s28 =	sshra.s32 s3, $0x1F;
	p0 =	slt.s32 s3, $0x1;
	p1 =	sne.s32 s26, $0x0;
	[tilespmem:v61+s19+$0x0] =	vst.idx.msk $0xffff, v4  }
0x92: {  	s29 =	sshrl.u32 s28, $0x1A;
	p0 =	por !p0, !p1;
	[tilespmem:v61+s20+$0x0] =	vst.idx.msk $0xffff, v2  }
0x93: {  	s4 =	simm.s32 $0x1;
	s3 =	sadd.s32 s29, s3;
	p0 =	por !p0, !p0;
	[tilespmem:v23+s18+$0x0] =	vst.idx.msk $0xffff, v4  }
0x94: {  	v63 =	vadd.s32 s25, v3;
	s3 =	sshra.s32 s3, $0x6;
	s4 =	simm.s32 @!p0 $0x0;
	[tilespmem:v23+s19+$0x0] =	vst.idx.msk $0xffff, v4  }
0x95: {  	s3 =	ssub.s32 s3, s4;
	[tilespmem:v23+s20+$0x0] =	vst.idx.msk $0xffff, v2  }
0x96: {  	p0 =	slt.s32 s3, $0x1;
	[tilespmem:v62+s18+$0x0] =	vst.idx.msk $0xffff, v4  }
.Ltmp6:
0x97: {  	[tilespmem:v62+s19+$0x0] =	vst.idx.msk $0xffff, v4;
	(pc) =	sbr.rel @p0 .LBB2_10-.Ltmp6, $4  }
0x98: {  	[tilespmem:v62+s20+$0x0] =	vst.idx.msk $0xffff, v2  }
0x99: {  	[tilespmem:v63+s18+$0x0] =	vst.idx.msk $0xffff, v4  }
0x9a: {  	s5 =	simm.s32 $0x0;
	s30 =	spop (v2sf);
	[tilespmem:v63+s19+$0x0] =	vst.idx.msk $0xffff, v4  }
0x9b: {  	s16 =	simm.s32 $0x0;
	s12 =	sadd.s32 s11, s30;
	s4 =	simm.s32 $0x0;
	[tilespmem:v63+s20+$0x0] =	vst.idx.msk $0xffff, v2  }
.LBB2_7:
0x9c: {  	s11 =	sshll.u32 s16, $0x6  }
0x9d: {  	v23 =	vld [tilespmem:s11+$0x12080];
	_ =	sdelay $0x4  }
0x9e: {  	v24 =	vshll.u32 v23, $0x1  }
0x9f: {  	v23 =	vand.u32 $0x7, v23;
	v24 =	vand.u32 $0xFFFFFFF0, v24  }
0xa0: {  	v23 =	vor.u32 v23, v24  }
0xa1: {  	v24 =	vperm.xlane v23, v5;
	_ =	sdelay $0x1  }
0xa2: {  	v23 =	vperm.xlane v23, v7;
	v24 =	vadd.s32 v6, v24;
	_ =	sdelay $0x1  }
0xa3: {  	v23 =	vadd.s32 v6, v23;
	_ =	sdelay $0x1  }
0xa4: {  	s13 =	simm.s32 $0x14B00  }
0xa5: {  	[tilespmem:s13], [sflag:$0x1] =	stream.indirect_vreg.gather [hbm4b:s1+s4], $0x80, v24, vm0, $0xb8;
	[tilespmem:$0x18B00] =	vst v63  }
0xa6: {  	s30 =	simm.s32 $0x15300  }
0xa7: {  	[tilespmem:s30], [sflag:$0x1] =	stream.indirect_vreg.gather [hbm4b:s1+s4], $0x80, v23, vm0, $0xb8;
	[tilespmem:$0x18B00] =	vst v63  }
0xa8: {  	v23 =	vld [tilespmem:s11+$0x12090];
	_ =	sdelay $0x4  }
0xa9: {  	v24 =	vshll.u32 v23, $0x1  }
0xaa: {  	v23 =	vand.u32 $0x7, v23;
	v24 =	vand.u32 $0xFFFFFFF0, v24  }
0xab: {  	v23 =	vor.u32 v23, v24  }
0xac: {  	v24 =	vperm.xlane v23, v5;
	_ =	sdelay $0x1  }
0xad: {  	v23 =	vperm.xlane v23, v7;
	v24 =	vadd.s32 v6, v24;
	_ =	sdelay $0x1  }
0xae: {  	v23 =	vadd.s32 v6, v23;
	_ =	sdelay $0x1  }
0xaf: {  	s25 =	simm.s32 $0x15B00  }
0xb0: {  	[tilespmem:s25], [sflag:$0x1] =	stream.indirect_vreg.gather [hbm4b:s1+s4], $0x80, v24, vm0, $0xb8;
	[tilespmem:$0x18B00] =	vst v63  }
0xb1: {  	s26 =	simm.s32 $0x16300  }
0xb2: {  	[tilespmem:s26], [sflag:$0x1] =	stream.indirect_vreg.gather [hbm4b:s1+s4], $0x80, v23, vm0, $0xb8;
	[tilespmem:$0x18B00] =	vst v63  }
0xb3: {  	v23 =	vld [tilespmem:s11+$0x120A0];
	_ =	sdelay $0x4  }
0xb4: {  	v24 =	vshll.u32 v23, $0x1  }
0xb5: {  	v23 =	vand.u32 $0x7, v23;
	v24 =	vand.u32 $0xFFFFFFF0, v24  }
0xb6: {  	v23 =	vor.u32 v23, v24  }
0xb7: {  	v24 =	vperm.xlane v23, v5;
	_ =	sdelay $0x1  }
0xb8: {  	v23 =	vperm.xlane v23, v7;
	v24 =	vadd.s32 v6, v24;
	_ =	sdelay $0x1  }
0xb9: {  	v23 =	vadd.s32 v6, v23;
	_ =	sdelay $0x1  }
0xba: {  	s28 =	simm.s32 $0x16B00  }
0xbb: {  	[tilespmem:s28], [sflag:$0x1] =	stream.indirect_vreg.gather [hbm4b:s1+s4], $0x80, v24, vm0, $0xb8;
	[tilespmem:$0x18B00] =	vst v63  }
0xbc: {  	_ = 	snop  }
0xbd: {  	[tilespmem:s31], [sflag:$0x1] =	stream.indirect_vreg.gather [hbm4b:s1+s4], $0x80, v23, vm0, $0xb8;
	[tilespmem:$0x18B00] =	vst v63  }
0xbe: {  	v23 =	vld [tilespmem:s11+$0x120B0];
	_ =	sdelay $0x4  }
0xbf: {  	v24 =	vshll.u32 v23, $0x1  }
0xc0: {  	v23 =	vand.u32 $0x7, v23;
	v24 =	vand.u32 $0xFFFFFFF0, v24  }
0xc1: {  	v23 =	vor.u32 v23, v24  }
0xc2: {  	v24 =	vperm.xlane v23, v5;
	_ =	sdelay $0x1  }
0xc3: {  	v23 =	vperm.xlane v23, v7;
	v24 =	vadd.s32 v6, v24;
	_ =	sdelay $0x1  }
0xc4: {  	v23 =	vadd.s32 v6, v23;
	_ =	sdelay $0x2  }
0xc5: {  	[tilespmem:s0], [sflag:$0x1] =	stream.indirect_vreg.gather [hbm4b:s1+s4], $0x80, v24, vm0, $0xb8;
	[tilespmem:$0x18B00] =	vst v63  }
0xc6: {  	v24 =	vmov s5  }
0xc7: {  	[tilespmem:s6], [sflag:$0x1] =	stream.indirect_vreg.gather [hbm4b:s1+s4], $0x80, v23, vm0, $0xb8;
	[tilespmem:$0x18B00] =	vst v63  }
0xc8: {  	_ =	swait.ge [sflag:s24], $0x4000  }
0xc9: {  	[sflag:s24] =	ssyncset.done $0x0  }
0xca: {  	[sflag:s24] =	ssyncadd.s32 $0xFFFFC000  }
0xcb: {  	v23 =	vld.idx.msk [tilespmem:v24+s19+$0x0], $0xffff;
	_ =	sdelay $0x1  }
0xcc: {  	s29 =	sand.u32 $0x3800, s4;
	s30 =	sand.u32 $0x380, s4  }
0xcd: {  	s11 =	sor.u32 s30, s29;
	v26 =	vld.idx.msk [tilespmem:v24+s20+$0x0], $0xffff  }
0xce: {  	v24 =	vld [tilespmem:s11+$0x14B00]  }
0xcf: {  	v23 =	vshll.u32 v23, $0x8  }
0xd0: {  	v25 =	vor.u32 v3, v23;
	_ =	sdelay $0x2  }
0xd1: {  	v24 =	vmul.f32 v24, v26;
	_ =	sdelay $0x1  }
0xd2: {  	s11 =	sadd.s32 $0x14B00, s11;
	[tilespmem:v25+s2+$0x0] =	vst.idx.add.f32.msk $0xffff, v24  }
0xd3: {  	v24 =	vld [tilespmem:s11+$0x10];
	_ =	sdelay $0x1  }
0xd4: {  	v25 =	vor.u32 v8, v23;
	_ =	sdelay $0x2  }
0xd5: {  	v24 =	vmul.f32 v24, v26;
	_ =	sdelay $0x1  }
0xd6: {  	[tilespmem:v25+s2+$0x0] =	vst.idx.add.f32.msk $0xffff, v24  }
0xd7: {  	v24 =	vld [tilespmem:s11+$0x20];
	_ =	sdelay $0x1  }
0xd8: {  	v25 =	vor.u32 v9, v23;
	_ =	sdelay $0x2  }
0xd9: {  	v24 =	vmul.f32 v24, v26;
	_ =	sdelay $0x1  }
0xda: {  	[tilespmem:v25+s2+$0x0] =	vst.idx.add.f32.msk $0xffff, v24  }
0xdb: {  	v24 =	vld [tilespmem:s11+$0x30];
	_ =	sdelay $0x1  }
0xdc: {  	v25 =	vor.u32 v10, v23;
	_ =	sdelay $0x2  }
0xdd: {  	v24 =	vmul.f32 v24, v26;
	_ =	sdelay $0x1  }
0xde: {  	[tilespmem:v25+s2+$0x0] =	vst.idx.add.f32.msk $0xffff, v24  }
0xdf: {  	v24 =	vld [tilespmem:s11+$0x40];
	_ =	sdelay $0x1  }
0xe0: {  	v25 =	vor.u32 v11, v23;
	_ =	sdelay $0x2  }
0xe1: {  	v24 =	vmul.f32 v24, v26;
	_ =	sdelay $0x1  }
0xe2: {  	[tilespmem:v25+s2+$0x0] =	vst.idx.add.f32.msk $0xffff, v24  }
0xe3: {  	v24 =	vld [tilespmem:s11+$0x50];
	_ =	sdelay $0x1  }
0xe4: {  	v25 =	vor.u32 v12, v23;
	_ =	sdelay $0x2  }
0xe5: {  	v24 =	vmul.f32 v24, v26;
	_ =	sdelay $0x1  }
0xe6: {  	[tilespmem:v25+s2+$0x0] =	vst.idx.add.f32.msk $0xffff, v24  }
0xe7: {  	v24 =	vld [tilespmem:s11+$0x60];
	_ =	sdelay $0x1  }
0xe8: {  	v25 =	vor.u32 v13, v23;
	_ =	sdelay $0x2  }
0xe9: {  	v24 =	vmul.f32 v24, v26;
	_ =	sdelay $0x1  }
0xea: {  	[tilespmem:v25+s2+$0x0] =	vst.idx.add.f32.msk $0xffff, v24  }
0xeb: {  	v24 =	vld [tilespmem:s11+$0x70];
	_ =	sdelay $0x1  }
0xec: {  	v25 =	vor.u32 v14, v23;
	_ =	sdelay $0x2  }
0xed: {  	v24 =	vmul.f32 v24, v26;
	_ =	sdelay $0x1  }
0xee: {  	[tilespmem:v25+s2+$0x0] =	vst.idx.add.f32.msk $0xffff, v24  }
0xef: {  	v24 =	vld [tilespmem:s11+$0x400];
	_ =	sdelay $0x1  }
0xf0: {  	v25 =	vor.u32 v15, v23;
	_ =	sdelay $0x2  }
0xf1: {  	v24 =	vmul.f32 v24, v26;
	_ =	sdelay $0x1  }
0xf2: {  	[tilespmem:v25+s2+$0x0] =	vst.idx.add.f32.msk $0xffff, v24  }
0xf3: {  	v24 =	vld [tilespmem:s11+$0x410];
	_ =	sdelay $0x1  }
0xf4: {  	v25 =	vor.u32 v16, v23;
	_ =	sdelay $0x2  }
0xf5: {  	v24 =	vmul.f32 v24, v26;
	_ =	sdelay $0x1  }
0xf6: {  	[tilespmem:v25+s2+$0x0] =	vst.idx.add.f32.msk $0xffff, v24  }
0xf7: {  	v24 =	vld [tilespmem:s11+$0x420];
	_ =	sdelay $0x1  }
0xf8: {  	v25 =	vor.u32 v17, v23;
	_ =	sdelay $0x2  }
0xf9: {  	v24 =	vmul.f32 v24, v26;
	_ =	sdelay $0x1  }
0xfa: {  	[tilespmem:v25+s2+$0x0] =	vst.idx.add.f32.msk $0xffff, v24  }
0xfb: {  	v24 =	vld [tilespmem:s11+$0x430];
	_ =	sdelay $0x1  }
0xfc: {  	v25 =	vor.u32 v18, v23;
	_ =	sdelay $0x2  }
0xfd: {  	v24 =	vmul.f32 v24, v26;
	_ =	sdelay $0x1  }
0xfe: {  	[tilespmem:v25+s2+$0x0] =	vst.idx.add.f32.msk $0xffff, v24  }
0xff: {  	v24 =	vld [tilespmem:s11+$0x440];
	_ =	sdelay $0x1  }
0x100: {  	v25 =	vor.u32 v19, v23;
	_ =	sdelay $0x2  }
0x101: {  	v24 =	vmul.f32 v24, v26;
	_ =	sdelay $0x1  }
0x102: {  	[tilespmem:v25+s2+$0x0] =	vst.idx.add.f32.msk $0xffff, v24  }
0x103: {  	v24 =	vld [tilespmem:s11+$0x450];
	_ =	sdelay $0x1  }
0x104: {  	v25 =	vor.u32 v20, v23;
	_ =	sdelay $0x2  }
0x105: {  	v24 =	vmul.f32 v24, v26;
	_ =	sdelay $0x1  }
0x106: {  	[tilespmem:v25+s2+$0x0] =	vst.idx.add.f32.msk $0xffff, v24  }
0x107: {  	v24 =	vld [tilespmem:s11+$0x460];
	_ =	sdelay $0x1  }
0x108: {  	v25 =	vor.u32 v21, v23;
	_ =	sdelay $0x2  }
0x109: {  	v24 =	vmul.f32 v24, v26;
	_ =	sdelay $0x1  }
0x10a: {  	[tilespmem:v25+s2+$0x0] =	vst.idx.add.f32.msk $0xffff, v24  }
0x10b: {  	v27 =	vld [tilespmem:s11+$0x470];
	_ =	sdelay $0x1  }
0x10c: {  	v25 =	vor.u32 v22, v23;
	s11 =	sadd.s32 $0x1, s5  }
0x10d: {  	v24 =	vmov s11;
	_ =	sdelay $0x1  }
0x10e: {  	s13 =	simm.s32 $0x100;
	s25 =	simm.s32 $0x200;
	s26 =	simm.s32 $0x0;
	v23 =	vmul.f32 v27, v26  }
.LBB2_8:
0x10f: {  	p0 =	sne.s32 s25, $0x3F00  }
0x110: {  	s26 =	sadd.s32 $0x80, s26;
	s28 =	smov.u32 s25;
	s25 =	sadd.s32 $0x100, s25;
	[tilespmem:v25+s2+$0x0] =	vst.idx.add.f32.msk $0xffff, v23  }
0x111: {  	v25 =	vld.idx.msk [tilespmem:v24+s19+$0x0], $0xffff;
	_ =	sdelay $0x2  }
0x112: {  	s29 =	sand.u32 $0x3800, s13;
	s30 =	sand.u32 $0x380, s26;
	s13 =	smov.u32 s28  }
0x113: {  	s28 =	sor.u32 s30, s29;
	v23 =	vld.idx.msk [tilespmem:v24+s20+$0x0], $0xffff  }
0x114: {  	v26 =	vld [tilespmem:s28+$0x14B00]  }
0x115: {  	v24 =	vshll.u32 v25, $0x8  }
0x116: {  	v25 =	vor.u32 v3, v24;
	_ =	sdelay $0x2  }
0x117: {  	v26 =	vmul.f32 v26, v23;
	_ =	sdelay $0x1  }
0x118: {  	s28 =	sadd.s32 $0x14B00, s28;
	[tilespmem:v25+s2+$0x0] =	vst.idx.add.f32.msk $0xffff, v26  }
0x119: {  	v25 =	vld [tilespmem:s28+$0x10];
	_ =	sdelay $0x1  }
0x11a: {  	v26 =	vor.u32 v8, v24;
	_ =	sdelay $0x2  }
0x11b: {  	v25 =	vmul.f32 v25, v23;
	_ =	sdelay $0x1  }
0x11c: {  	[tilespmem:v26+s2+$0x0] =	vst.idx.add.f32.msk $0xffff, v25  }
0x11d: {  	v25 =	vld [tilespmem:s28+$0x20];
	_ =	sdelay $0x1  }
0x11e: {  	v26 =	vor.u32 v9, v24;
	_ =	sdelay $0x2  }
0x11f: {  	v25 =	vmul.f32 v25, v23;
	_ =	sdelay $0x1  }
0x120: {  	[tilespmem:v26+s2+$0x0] =	vst.idx.add.f32.msk $0xffff, v25  }
0x121: {  	v25 =	vld [tilespmem:s28+$0x30];
	_ =	sdelay $0x1  }
0x122: {  	v26 =	vor.u32 v10, v24;
	_ =	sdelay $0x2  }
0x123: {  	v25 =	vmul.f32 v25, v23;
	_ =	sdelay $0x1  }
0x124: {  	[tilespmem:v26+s2+$0x0] =	vst.idx.add.f32.msk $0xffff, v25  }
0x125: {  	v25 =	vld [tilespmem:s28+$0x40];
	_ =	sdelay $0x1  }
0x126: {  	v26 =	vor.u32 v11, v24;
	_ =	sdelay $0x2  }
0x127: {  	v25 =	vmul.f32 v25, v23;
	_ =	sdelay $0x1  }
0x128: {  	[tilespmem:v26+s2+$0x0] =	vst.idx.add.f32.msk $0xffff, v25  }
0x129: {  	v25 =	vld [tilespmem:s28+$0x50];
	_ =	sdelay $0x1  }
0x12a: {  	v26 =	vor.u32 v12, v24;
	_ =	sdelay $0x2  }
0x12b: {  	v25 =	vmul.f32 v25, v23;
	_ =	sdelay $0x1  }
0x12c: {  	[tilespmem:v26+s2+$0x0] =	vst.idx.add.f32.msk $0xffff, v25  }
0x12d: {  	v25 =	vld [tilespmem:s28+$0x60];
	_ =	sdelay $0x1  }
0x12e: {  	v26 =	vor.u32 v13, v24;
	_ =	sdelay $0x2  }
0x12f: {  	v25 =	vmul.f32 v25, v23;
	_ =	sdelay $0x1  }
0x130: {  	[tilespmem:v26+s2+$0x0] =	vst.idx.add.f32.msk $0xffff, v25  }
0x131: {  	v25 =	vld [tilespmem:s28+$0x70];
	_ =	sdelay $0x1  }
0x132: {  	v26 =	vor.u32 v14, v24;
	_ =	sdelay $0x2  }
0x133: {  	v25 =	vmul.f32 v25, v23;
	_ =	sdelay $0x1  }
0x134: {  	[tilespmem:v26+s2+$0x0] =	vst.idx.add.f32.msk $0xffff, v25  }
0x135: {  	v25 =	vld [tilespmem:s28+$0x400];
	_ =	sdelay $0x1  }
0x136: {  	v26 =	vor.u32 v15, v24;
	_ =	sdelay $0x2  }
0x137: {  	v25 =	vmul.f32 v25, v23;
	_ =	sdelay $0x1  }
0x138: {  	[tilespmem:v26+s2+$0x0] =	vst.idx.add.f32.msk $0xffff, v25  }
0x139: {  	v25 =	vld [tilespmem:s28+$0x410];
	_ =	sdelay $0x1  }
0x13a: {  	v26 =	vor.u32 v16, v24;
	_ =	sdelay $0x2  }
0x13b: {  	v25 =	vmul.f32 v25, v23;
	_ =	sdelay $0x1  }
0x13c: {  	[tilespmem:v26+s2+$0x0] =	vst.idx.add.f32.msk $0xffff, v25  }
0x13d: {  	v25 =	vld [tilespmem:s28+$0x420];
	_ =	sdelay $0x1  }
0x13e: {  	v26 =	vor.u32 v17, v24;
	_ =	sdelay $0x2  }
0x13f: {  	v25 =	vmul.f32 v25, v23;
	_ =	sdelay $0x1  }
0x140: {  	[tilespmem:v26+s2+$0x0] =	vst.idx.add.f32.msk $0xffff, v25  }
0x141: {  	v25 =	vld [tilespmem:s28+$0x430];
	_ =	sdelay $0x1  }
0x142: {  	v26 =	vor.u32 v18, v24;
	_ =	sdelay $0x2  }
0x143: {  	v25 =	vmul.f32 v25, v23;
	_ =	sdelay $0x1  }
0x144: {  	[tilespmem:v26+s2+$0x0] =	vst.idx.add.f32.msk $0xffff, v25  }
0x145: {  	v25 =	vld [tilespmem:s28+$0x440];
	_ =	sdelay $0x1  }
0x146: {  	v26 =	vor.u32 v19, v24;
	_ =	sdelay $0x2  }
0x147: {  	v25 =	vmul.f32 v25, v23;
	_ =	sdelay $0x1  }
0x148: {  	[tilespmem:v26+s2+$0x0] =	vst.idx.add.f32.msk $0xffff, v25  }
0x149: {  	v25 =	vld [tilespmem:s28+$0x450];
	_ =	sdelay $0x1  }
0x14a: {  	v26 =	vor.u32 v20, v24;
	_ =	sdelay $0x2  }
0x14b: {  	v25 =	vmul.f32 v25, v23;
	_ =	sdelay $0x1  }
0x14c: {  	[tilespmem:v26+s2+$0x0] =	vst.idx.add.f32.msk $0xffff, v25  }
0x14d: {  	v25 =	vld [tilespmem:s28+$0x460];
	_ =	sdelay $0x1  }
0x14e: {  	v26 =	vor.u32 v21, v24;
	_ =	sdelay $0x2  }
0x14f: {  	v25 =	vmul.f32 v25, v23;
	_ =	sdelay $0x1  }
0x150: {  	[tilespmem:v26+s2+$0x0] =	vst.idx.add.f32.msk $0xffff, v25  }
0x151: {  	v26 =	vld [tilespmem:s28+$0x470]  }
.Ltmp7:
0x152: {  	(pc) =	sbr.rel @p0 .LBB2_8-.Ltmp7, $3  }
0x153: {  	s11 =	sadd.s32 $0x1, s11;
	v25 =	vor.u32 v22, v24  }
0x154: {  	v24 =	vmov s11;
	_ =	sdelay $0x1  }
0x155: {  	v23 =	vmul.f32 v26, v23  }
0x156: {  	_ =	sdelay $0x3  }
0x157: {  	[tilespmem:v25+s2+$0x0] =	vst.idx.add.f32.msk $0xffff, v23  }
0x158: {  	v23 =	vld.idx.msk [tilespmem:v24+s19+$0x0], $0xffff  }
0x159: {  	s11 =	sadd.s32 $0x80, s26  }
0x15a: {  	s13 =	sand.u32 $0x3800, s13;
	s11 =	sand.u32 $0x380, s11  }
0x15b: {  	v49 =	vld.idx.msk [tilespmem:v24+s20+$0x0], $0xffff;
	s11 =	sor.u32 s11, s13  }
0x15c: {  	v25 =	vld [tilespmem:s11+$0x14B00]  }
0x15d: {  	v23 =	vshll.u32 v23, $0x8  }
0x15e: {  	v26 =	vor.u32 v3, v23;
	_ =	sdelay $0x2  }
0x15f: {  	v25 =	vmul.f32 v25, v49;
	_ =	sdelay $0x1  }
0x160: {  	s11 =	sadd.s32 $0x14B00, s11;
	[tilespmem:v26+s2+$0x0] =	vst.idx.add.f32.msk $0xffff, v25  }
0x161: {  	v25 =	vld [tilespmem:s11+$0x10];
	_ =	sdelay $0x1  }
0x162: {  	v50 =	vor.u32 v8, v23;
	_ =	sdelay $0x2  }
0x163: {  	v25 =	vmul.f32 v25, v49;
	_ =	sdelay $0x1  }
0x164: {  	[tilespmem:v50+s2+$0x0] =	vst.idx.add.f32.msk $0xffff, v25  }
0x165: {  	v25 =	vld [tilespmem:s11+$0x20];
	_ =	sdelay $0x1  }
0x166: {  	v51 =	vor.u32 v9, v23;
	_ =	sdelay $0x2  }
0x167: {  	v25 =	vmul.f32 v25, v49;
	_ =	sdelay $0x1  }
0x168: {  	[tilespmem:v51+s2+$0x0] =	vst.idx.add.f32.msk $0xffff, v25  }
0x169: {  	v25 =	vld [tilespmem:s11+$0x30];
	_ =	sdelay $0x1  }
0x16a: {  	v52 =	vor.u32 v10, v23;
	_ =	sdelay $0x2  }
0x16b: {  	v25 =	vmul.f32 v25, v49;
	_ =	sdelay $0x1  }
0x16c: {  	[tilespmem:v52+s2+$0x0] =	vst.idx.add.f32.msk $0xffff, v25  }
0x16d: {  	v25 =	vld [tilespmem:s11+$0x40];
	_ =	sdelay $0x1  }
0x16e: {  	v53 =	vor.u32 v11, v23;
	_ =	sdelay $0x2  }
0x16f: {  	v25 =	vmul.f32 v25, v49;
	_ =	sdelay $0x1  }
0x170: {  	[tilespmem:v53+s2+$0x0] =	vst.idx.add.f32.msk $0xffff, v25  }
0x171: {  	v25 =	vld [tilespmem:s11+$0x50];
	_ =	sdelay $0x1  }
0x172: {  	v54 =	vor.u32 v12, v23;
	_ =	sdelay $0x2  }
0x173: {  	v25 =	vmul.f32 v25, v49;
	_ =	sdelay $0x1  }
0x174: {  	[tilespmem:v54+s2+$0x0] =	vst.idx.add.f32.msk $0xffff, v25  }
0x175: {  	v25 =	vld [tilespmem:s11+$0x60];
	_ =	sdelay $0x1  }
0x176: {  	v55 =	vor.u32 v13, v23;
	_ =	sdelay $0x2  }
0x177: {  	v25 =	vmul.f32 v25, v49;
	_ =	sdelay $0x1  }
0x178: {  	[tilespmem:v55+s2+$0x0] =	vst.idx.add.f32.msk $0xffff, v25  }
0x179: {  	v25 =	vld [tilespmem:s11+$0x70];
	_ =	sdelay $0x1  }
0x17a: {  	v56 =	vor.u32 v14, v23;
	_ =	sdelay $0x2  }
0x17b: {  	v25 =	vmul.f32 v25, v49;
	_ =	sdelay $0x1  }
0x17c: {  	[tilespmem:v56+s2+$0x0] =	vst.idx.add.f32.msk $0xffff, v25  }
0x17d: {  	v25 =	vld [tilespmem:s11+$0x400];
	_ =	sdelay $0x1  }
0x17e: {  	v57 =	vor.u32 v15, v23;
	_ =	sdelay $0x2  }
0x17f: {  	v25 =	vmul.f32 v25, v49;
	_ =	sdelay $0x1  }
0x180: {  	[tilespmem:v57+s2+$0x0] =	vst.idx.add.f32.msk $0xffff, v25  }
0x181: {  	v25 =	vld [tilespmem:s11+$0x410];
	_ =	sdelay $0x1  }
0x182: {  	v58 =	vor.u32 v16, v23;
	_ =	sdelay $0x2  }
0x183: {  	v25 =	vmul.f32 v25, v49;
	_ =	sdelay $0x1  }
0x184: {  	[tilespmem:v58+s2+$0x0] =	vst.idx.add.f32.msk $0xffff, v25  }
0x185: {  	v25 =	vld [tilespmem:s11+$0x420];
	_ =	sdelay $0x1  }
0x186: {  	v59 =	vor.u32 v17, v23;
	_ =	sdelay $0x2  }
0x187: {  	v25 =	vmul.f32 v25, v49;
	_ =	sdelay $0x1  }
0x188: {  	[tilespmem:v59+s2+$0x0] =	vst.idx.add.f32.msk $0xffff, v25  }
0x189: {  	v25 =	vld [tilespmem:s11+$0x430];
	_ =	sdelay $0x1  }
0x18a: {  	v60 =	vor.u32 v18, v23;
	_ =	sdelay $0x2  }
0x18b: {  	v25 =	vmul.f32 v25, v49;
	_ =	sdelay $0x1  }
0x18c: {  	[tilespmem:v60+s2+$0x0] =	vst.idx.add.f32.msk $0xffff, v25  }
0x18d: {  	v25 =	vld [tilespmem:s11+$0x440];
	_ =	sdelay $0x1  }
0x18e: {  	v61 =	vor.u32 v19, v23;
	_ =	sdelay $0x2  }
0x18f: {  	v25 =	vmul.f32 v25, v49;
	_ =	sdelay $0x1  }
0x190: {  	[tilespmem:v61+s2+$0x0] =	vst.idx.add.f32.msk $0xffff, v25  }
0x191: {  	v25 =	vld [tilespmem:s11+$0x450];
	_ =	sdelay $0x1  }
0x192: {  	v62 =	vor.u32 v20, v23;
	_ =	sdelay $0x2  }
0x193: {  	v25 =	vmul.f32 v25, v49;
	_ =	sdelay $0x1  }
0x194: {  	[tilespmem:v62+s2+$0x0] =	vst.idx.add.f32.msk $0xffff, v25  }
0x195: {  	v25 =	vld [tilespmem:s11+$0x460];
	_ =	sdelay $0x1  }
0x196: {  	v63 =	vor.u32 v21, v23;
	_ =	sdelay $0x2  }
0x197: {  	v25 =	vmul.f32 v25, v49;
	_ =	sdelay $0x1  }
0x198: {  	[tilespmem:v63+s2+$0x0] =	vst.idx.add.f32.msk $0xffff, v25  }
0x199: {  	v25 =	vld [tilespmem:s11+$0x470]  }
0x19a: {  	s16 =	sadd.s32 $0x1, s16  }
0x19b: {  	p0 =	sne.s32 s16, s3;
	v23 =	vor.u32 v22, v23  }
.Ltmp8:
0x19c: {  	_ = 	snop;
	(pc) =	sbr.rel @p0 .LBB2_7-.Ltmp8, $3  }
0x19d: {  	_ = 	snop  }
0x19e: {  	v24 =	vmul.f32 v25, v49;
	_ =	sdelay $0x1  }
0x19f: {  	s5 =	sadd.s32 $0x40, s5;
	[tilespmem:v23+s2+$0x0] =	vst.idx.add.f32.msk $0xffff, v24  }
.LBB2_10:
0x1a0: {  	v23 =	vadd.s32 s12, v3;
	_ =	sdelay $0x1  }
0x1a1: {  	s3 =	sadd.s32 $0x10, s12  }
0x1a2: {  	v24 =	vadd.s32 s3, v3  }
0x1a3: {  	s4 =	sadd.s32 $0x3F, s12  }
0x1a4: {  	s25 =	sadd.s32 $0x20, s12;
	s28 =	sand.u32 $0x3F, s4;
	[tilespmem:v23+s21+$0x0] =	vst.idx.msk $0xffff, v4  }
0x1a5: {  	v25 =	vadd.s32 s25, v3;
	s29 =	sshra.s32 s4, $0x1F;
	p1 =	slt.s32 s4, $0x1;
	p0 =	sne.s32 s28, $0x0;
	[tilespmem:v23+s22+$0x0] =	vst.idx.msk $0xffff, v4  }
0x1a6: {  	s26 =	sadd.s32 $0x30, s12;
	s3 =	sshrl.u32 s29, $0x1A;
	p0 =	por !p1, !p0;
	[tilespmem:v23+s23+$0x0] =	vst.idx.msk $0xffff, v2  }
0x1a7: {  	s3 =	sadd.s32 s3, s4;
	s4 =	simm.s32 $0x1;
	p0 =	por !p0, !p0;
	[tilespmem:v24+s21+$0x0] =	vst.idx.msk $0xffff, v4  }
0x1a8: {  	s3 =	sshra.s32 s3, $0x6;
	s4 =	simm.s32 @!p0 $0x0;
	v23 =	vadd.s32 s26, v3;
	[tilespmem:v24+s22+$0x0] =	vst.idx.msk $0xffff, v4  }
0x1a9: {  	s3 =	ssub.s32 s3, s4;
	[tilespmem:v24+s23+$0x0] =	vst.idx.msk $0xffff, v2  }
0x1aa: {  	p0 =	slt.s32 s3, $0x1;
	[tilespmem:v25+s21+$0x0] =	vst.idx.msk $0xffff, v4  }
.Ltmp9:
0x1ab: {  	[tilespmem:v25+s22+$0x0] =	vst.idx.msk $0xffff, v4;
	(pc) =	sbr.rel @p0 .LBB2_17-.Ltmp9, $4  }
0x1ac: {  	[tilespmem:v25+s23+$0x0] =	vst.idx.msk $0xffff, v2  }
0x1ad: {  	[tilespmem:v23+s21+$0x0] =	vst.idx.msk $0xffff, v4  }
0x1ae: {  	[tilespmem:v23+s22+$0x0] =	vst.idx.msk $0xffff, v4  }
0x1af: {  	s30 =	rddreg [dreg:$0xa];
	[tilespmem:v23+s23+$0x0] =	vst.idx.msk $0xffff, v2  }
0x1b0: {  	p1 =	sne.s32 s3, $0x1  }
.Ltmp10:
0x1b1: {  	_ = 	snop;
	(pc) =	sbr.rel @!p1 .LBB2_12-.Ltmp10, $4  }
0x1b2: {  	s12 =	sshll.u32 s30, $0x3  }
0x1b3: {  	s4 =	simm.s32 $0x13180;
	s5 =	simm.s32 $0x13A00;
	s11 =	sand.u32 $0xFFFFFC00, s12  }
0x1b4: {  	s25 =	simm.s32 $0x14280;
	s16 =	sand.u32 $0x40, s30;
	s13 =	sadd.s32 s10, s11  }
0x1b5: {  	p0 =	por $0x0, $0x0;
	s11 =	sadd.s32 $0xFFFFFFFF, s3;
	s26 =	sor.u32 s16, s13  }
0x1b6: {  	s16 =	sshrl.u32 s26, $0x3  }
0x1b7: {  	s13 =	sadd.s32 s7, s16  }
0x1b8: {  	[hbm4b:s13+s2] =	stream.linear.scatter [tilespmem:s4], [sflag:$0x2], $0x40, $0x38;
	[tilespmem:$0x18B00] =	vst v63  }
0x1b9: {  	p1 =	sne.s32 s11, $0x1;
	_ =	swait.ge [sflag:s15], $0x40  }
0x1ba: {  	s11 =	sadd.s32 $0xFFFFFFFF, s11;
	s12 =	sadd.s32 $0x200, s12;
	[sflag:s15] =	ssyncset.done $0x0  }
0x1bb: {  	p0 =	por $0x1, $0x1;
	s26 =	sadd.s32 s8, s16;
	[sflag:s15] =	ssyncadd.s32 $0xFFFFFFC0  }
0x1bc: {  	[hbm4b:s26+s2] =	stream.linear.scatter [tilespmem:s5], [sflag:$0x2], $0x40, $0x38;
	[tilespmem:$0x18B00] =	vst v63  }
0x1bd: {  	s28 =	sand.u32 $0xFFFFFC00, s12;
	s16 =	sadd.s32 s9, s16;
	_ =	swait.ge [sflag:s15], $0x40  }
.Ltmp11:
0x1be: {  	s13 =	sadd.s32 $0x40, s30;
	[sflag:s15] =	ssyncset.done $0x0;
	(pc) =	sbr.rel @!p1 .LBB2_14-.Ltmp11, $4  }
0x1bf: {  	s29 =	sand.u32 $0x40, s13;
	s5 =	sadd.s32 s10, s28;
	[sflag:s15] =	ssyncadd.s32 $0xFFFFFFC0  }
0x1c0: {  	[hbm4b:s16+s2] =	stream.linear.scatter [tilespmem:s25], [sflag:$0x2], $0x40, $0x38;
	[tilespmem:$0x18B00] =	vst v63  }
0x1c1: {  	s26 =	sor.u32 s29, s5;
	s5 =	simm.s32 $0x13A40;
	_ =	swait.ge [sflag:s15], $0x40  }
0x1c2: {  	s25 =	simm.s32 $0x142C0;
	s16 =	simm.s32 $0x13180;
	[sflag:s15] =	ssyncset.done $0x0  }
.LBB2_15:
0x1c3: {  	s26 =	sshrl.u32 s26, $0x3;
	[sflag:s15] =	ssyncadd.s32 $0xFFFFFFC0;
	s16 =	sadd.s32 $0x40, s16  }
0x1c4: {  	p1 =	sne.s32 s11, $0x1;
	s11 =	sadd.s32 $0xFFFFFFFF, s11;
	s28 =	sadd.s32 s7, s26  }
0x1c5: {  	[hbm4b:s28+s2] =	stream.linear.scatter [tilespmem:s16], [sflag:$0x2], $0x40, $0x38;
	[tilespmem:$0x18B00] =	vst v63  }
0x1c6: {  	s28 =	smov.u32 s25;
	_ =	swait.ge [sflag:s15], $0x40  }
0x1c7: {  	[sflag:s15] =	ssyncset.done $0x0  }
0x1c8: {  	s29 =	sadd.s32 s8, s26;
	[sflag:s15] =	ssyncadd.s32 $0xFFFFFFC0  }
0x1c9: {  	[hbm4b:s29+s2] =	stream.linear.scatter [tilespmem:s5], [sflag:$0x2], $0x40, $0x38;
	[tilespmem:$0x18B00] =	vst v63  }
0x1ca: {  	s12 =	sadd.s32 $0x200, s12;
	s25 =	sadd.s32 $0x40, s25;
	_ =	swait.ge [sflag:s15], $0x40  }
.Ltmp12:
0x1cb: {  	s13 =	sadd.s32 $0x40, s13;
	[sflag:s15] =	ssyncset.done $0x0;
	(pc) =	sbr.rel @p1 .LBB2_15-.Ltmp12, $4  }
0x1cc: {  	s26 =	sadd.s32 s9, s26;
	s29 =	sand.u32 $0xFFFFFC00, s12;
	[sflag:s15] =	ssyncadd.s32 $0xFFFFFFC0  }
0x1cd: {  	[hbm4b:s26+s2] =	stream.linear.scatter [tilespmem:s28], [sflag:$0x2], $0x40, $0x38;
	[tilespmem:$0x18B00] =	vst v63  }
0x1ce: {  	s26 =	sadd.s32 s10, s29;
	s28 =	sand.u32 $0x40, s13;
	_ =	swait.ge [sflag:s15], $0x40  }
0x1cf: {  	s5 =	sadd.s32 $0x40, s5;
	s26 =	sor.u32 s28, s26;
	[sflag:s15] =	ssyncset.done $0x0  }
.Ltmp13:
0x1d0: {  	_ = 	snop;
	(pc) =	sbr.rel .LBB2_16-.Ltmp13, $1  }
0x1d1: {  	_ =	sdelay $0x3  }
.LBB2_14:
.Ltmp14:
0x1d2: {  	(pc) =	sbr.rel .LBB2_16-.Ltmp14, $2  }
0x1d3: {  	_ =	sdelay $0x2  }
0x1d4: {  	s16 =	simm.s32 $0x13180;
	s25 =	simm.s32 $0x142C0  }
.LBB2_18:
0x1d5: {  	s3 =	simm.s32 $0x0;
	s4 =	rddreg [dreg:$0x6]  }
0x1d6: {  	[hbm4b:s4+s3] =	stream.linear.scatter [tilespmem:s3], [sflag:$0x2], $0x10000, $0x38;
	[tilespmem:$0x18B00] =	vst v63  }
0x1d7: {  	_ =	swait.ge [sflag:s15], $0x10000  }
0x1d8: {  	[sflag:s15] =	ssyncset.done $0x0  }
0x1d9: {  	s3 =	simm.s32 $0x40;
	s4 =	simm.s32 $0x0;
	[sflag:s15] =	ssyncadd.s32 $0xFFFF0000  }
.LBB2_19:
0x1da: {  	p0 =	sne.s32 s3, $0x3FFC0;
	[tilespmem:s4+$0x0] =	vst v2;
	s4 =	smov.u32 s3;
	s3 =	sadd.s32 $0x40, s3  }
.Ltmp15:
0x1db: {  	(pc) =	sbr.rel @p0 .LBB2_19-.Ltmp15, $2  }
0x1dc: {  	_ =	sdelay $0x2  }
0x1dd: {  	s4 =	sshra.s32 s4, $0x2  }
0x1de: {  	s3 =	sadd.s32 $0x7FF, s30  }
0x1df: {  	s5 =	sshra.s32 s3, $0x1F  }
0x1e0: {  	s11 =	sshrl.u32 s5, $0x15  }
0x1e1: {  	s3 =	sadd.s32 s11, s3  }
0x1e2: {  	s3 =	sshra.s32 s3, $0xB  }
0x1e3: {  	s3 =	sadd.s32 s5, s3  }
0x1e4: {  	p0 =	slt.s32 s3, $0x1  }
.Ltmp16:
0x1e5: {  	_ = 	snop;
	(pc) =	sbr.rel @!p0 .LBB2_21-.Ltmp16, $4  }
.Ltmp17:
0x1e6: {  	_ = 	snop;
	(pc) =	sbr.rel @p0 .LBB2_26-.Ltmp17, $4  }
0x1e7: {  	_ = 	snop  }
0x1e8: {  	_ = 	snop  }
0x1e9: {  	[tilespmem:s4+$0x0] =	vst v2;
	s16 =	simm.s32 $0x0;
	[dreg:$0xc] =	wrdreg s3  }
0x1ea: {  	_ = 	snop  }
.LBB2_25:
0x1eb: {  	s16 =	sadd.s32 $0x1, s16;
	s3 =	rddreg [dreg:$0xc]  }
0x1ec: {  	p0 =	sne.s32 s16, s3  }
.Ltmp18:
0x1ed: {  	_ = 	snop;
	(pc) =	sbr.rel @!p0 .LBB2_26-.Ltmp18, $1  }
0x1ee: {  	_ =	sdelay $0x3  }
.LBB2_21:
0x1ef: {  	s3 =	sshll.u32 s16, $0xE  }
0x1f0: {  	s3 =	sadd.s32 s10, s3  }
0x1f1: {  	s3 =	sshrl.u32 s3, $0x3  }
0x1f2: {  	s11 =	simm.s32 $0x80;
	s12 =	simm.s32 $0x400;
	s4 =	sadd.s32 s7, s3  }
0x1f3: {  	[tilespmem:s14], [sflag:$0x2] =	stream.strided.gather [hbm4b:s4+s11], $0x800, s12, s11, $0x38;
	[tilespmem:$0x18B00] =	vst v63  }
0x1f4: {  	_ =	swait.ge [sflag:s15], $0x800  }
0x1f5: {  	[sflag:s15] =	ssyncset.done $0x0  }
0x1f6: {  	s5 =	simm.s32 $0x10800;
	s28 =	sadd.s32 s8, s3;
	[sflag:s15] =	ssyncadd.s32 $0xFFFFF800  }
0x1f7: {  	[tilespmem:s5], [sflag:$0x2] =	stream.strided.gather [hbm4b:s28+s11], $0x800, s12, s11, $0x38;
	[tilespmem:$0x18B00] =	vst v63  }
0x1f8: {  	_ =	swait.ge [sflag:s15], $0x800  }
0x1f9: {  	[sflag:s15] =	ssyncset.done $0x0  }
0x1fa: {  	s29 =	sshll.u32 s16, $0xB;
	s3 =	sadd.s32 s9, s3;
	[sflag:s15] =	ssyncadd.s32 $0xFFFFF800  }
0x1fb: {  	[tilespmem:s17], [sflag:$0x2] =	stream.strided.gather [hbm4b:s3+s11], $0x800, s12, s11, $0x38;
	[tilespmem:$0x18B00] =	vst v63  }
0x1fc: {  	s3 =	ssub.s32 s30, s29  }
0x1fd: {  	p0 =	slt.s32 s3, $0x800  }
0x1fe: {  	s3 =	simm.s32 @!p0 $0x800  }
0x1ff: {  	s3 =	sshra.s32 s3, $0x6  }
0x200: {  	p0 =	slt.s32 s3, $0x1  }
.Ltmp19:
0x201: {  	_ = 	snop;
	(pc) =	sbr.rel @p0 .LBB2_25-.Ltmp19, $4  }
0x202: {  	_ = 	snop  }
0x203: {  	_ =	swait.ge [sflag:s15], $0x800  }
0x204: {  	[sflag:s15] =	ssyncset.done $0x0  }
0x205: {  	s4 =	simm.s32 $0x0;
	s5 =	simm.s32 $0x0;
	[sflag:s15] =	ssyncadd.s32 $0xFFFFF800  }
.LBB2_22:
0x206: {  	s11 =	sshll.u32 s5, $0x6  }
0x207: {  	v23 =	vld [tilespmem:s11+$0x10800];
	_ =	sdelay $0x4  }
0x208: {  	v24 =	vshll.u32 v23, $0x1  }
0x209: {  	v23 =	vand.u32 $0x7, v23;
	v24 =	vand.u32 $0xFFFFFFF0, v24  }
0x20a: {  	v23 =	vor.u32 v23, v24  }
0x20b: {  	v24 =	vperm.xlane v23, v5;
	_ =	sdelay $0x1  }
0x20c: {  	v23 =	vperm.xlane v23, v7;
	v24 =	vadd.s32 v6, v24;
	_ =	sdelay $0x1  }
0x20d: {  	v23 =	vadd.s32 v6, v23;
	_ =	sdelay $0x1  }
0x20e: {  	s12 =	simm.s32 $0x0;
	s13 =	simm.s32 $0x14B00  }
0x20f: {  	[tilespmem:s13], [sflag:$0x1] =	stream.indirect_vreg.gather [hbm4b:s1+s12], $0x80, v24, vm0, $0xb8;
	[tilespmem:$0x18B00] =	vst v63  }
0x210: {  	s28 =	simm.s32 $0x15300  }
0x211: {  	[tilespmem:s28], [sflag:$0x1] =	stream.indirect_vreg.gather [hbm4b:s1+s12], $0x80, v23, vm0, $0xb8;
	[tilespmem:$0x18B00] =	vst v63  }
0x212: {  	v23 =	vld [tilespmem:s11+$0x10810];
	_ =	sdelay $0x4  }
0x213: {  	v24 =	vshll.u32 v23, $0x1  }
0x214: {  	v23 =	vand.u32 $0x7, v23;
	v24 =	vand.u32 $0xFFFFFFF0, v24  }
0x215: {  	v23 =	vor.u32 v23, v24  }
0x216: {  	v24 =	vperm.xlane v23, v5;
	_ =	sdelay $0x1  }
0x217: {  	v23 =	vperm.xlane v23, v7;
	v24 =	vadd.s32 v6, v24;
	_ =	sdelay $0x1  }
0x218: {  	v23 =	vadd.s32 v6, v23;
	_ =	sdelay $0x1  }
0x219: {  	s29 =	simm.s32 $0x15B00  }
0x21a: {  	[tilespmem:s29], [sflag:$0x1] =	stream.indirect_vreg.gather [hbm4b:s1+s12], $0x80, v24, vm0, $0xb8;
	[tilespmem:$0x18B00] =	vst v63  }
0x21b: {  	s25 =	simm.s32 $0x16300  }
0x21c: {  	[tilespmem:s25], [sflag:$0x1] =	stream.indirect_vreg.gather [hbm4b:s1+s12], $0x80, v23, vm0, $0xb8;
	[tilespmem:$0x18B00] =	vst v63  }
0x21d: {  	v23 =	vld [tilespmem:s11+$0x10820];
	_ =	sdelay $0x4  }
0x21e: {  	v24 =	vshll.u32 v23, $0x1  }
0x21f: {  	v23 =	vand.u32 $0x7, v23;
	v24 =	vand.u32 $0xFFFFFFF0, v24  }
0x220: {  	v23 =	vor.u32 v23, v24  }
0x221: {  	v24 =	vperm.xlane v23, v5;
	_ =	sdelay $0x1  }
0x222: {  	v23 =	vperm.xlane v23, v7;
	v24 =	vadd.s32 v6, v24;
	_ =	sdelay $0x1  }
0x223: {  	v23 =	vadd.s32 v6, v23;
	_ =	sdelay $0x1  }
0x224: {  	s26 =	simm.s32 $0x16B00  }
0x225: {  	[tilespmem:s26], [sflag:$0x1] =	stream.indirect_vreg.gather [hbm4b:s1+s12], $0x80, v24, vm0, $0xb8;
	[tilespmem:$0x18B00] =	vst v63  }
0x226: {  	_ = 	snop  }
0x227: {  	[tilespmem:s31], [sflag:$0x1] =	stream.indirect_vreg.gather [hbm4b:s1+s12], $0x80, v23, vm0, $0xb8;
	[tilespmem:$0x18B00] =	vst v63  }
0x228: {  	v23 =	vld [tilespmem:s11+$0x10830];
	_ =	sdelay $0x4  }
0x229: {  	v24 =	vshll.u32 v23, $0x1  }
0x22a: {  	v23 =	vand.u32 $0x7, v23;
	v24 =	vand.u32 $0xFFFFFFF0, v24  }
0x22b: {  	v23 =	vor.u32 v23, v24  }
0x22c: {  	v24 =	vperm.xlane v23, v5;
	_ =	sdelay $0x1  }
0x22d: {  	v23 =	vperm.xlane v23, v7;
	v24 =	vadd.s32 v6, v24;
	_ =	sdelay $0x1  }
0x22e: {  	v23 =	vadd.s32 v6, v23;
	_ =	sdelay $0x2  }
0x22f: {  	[tilespmem:s0], [sflag:$0x1] =	stream.indirect_vreg.gather [hbm4b:s1+s12], $0x80, v24, vm0, $0xb8;
	[tilespmem:$0x18B00] =	vst v63  }
0x230: {  	v24 =	vmov s4  }
0x231: {  	[tilespmem:s6], [sflag:$0x1] =	stream.indirect_vreg.gather [hbm4b:s1+s12], $0x80, v23, vm0, $0xb8;
	[tilespmem:$0x18B00] =	vst v63  }
0x232: {  	_ =	swait.ge [sflag:s24], $0x4000  }
0x233: {  	[sflag:s24] =	ssyncset.done $0x0  }
0x234: {  	[sflag:s24] =	ssyncadd.s32 $0xFFFFC000  }
0x235: {  	v23 =	vld.idx.msk [tilespmem:v24+s14+$0x0], $0xffff;
	_ =	sdelay $0x1  }
0x236: {  	s28 =	sand.u32 $0x3800, s12;
	s29 =	sand.u32 $0x380, s12  }
0x237: {  	s11 =	sor.u32 s29, s28;
	v26 =	vld.idx.msk [tilespmem:v24+s17+$0x0], $0xffff  }
0x238: {  	v24 =	vld [tilespmem:s11+$0x14B00]  }
0x239: {  	v23 =	vshll.u32 v23, $0x8  }
0x23a: {  	v25 =	vor.u32 v3, v23;
	_ =	sdelay $0x2  }
0x23b: {  	v24 =	vmul.f32 v24, v26;
	_ =	sdelay $0x1  }
0x23c: {  	s11 =	sadd.s32 $0x14B00, s11;
	[tilespmem:v25+s2+$0x0] =	vst.idx.add.f32.msk $0xffff, v24  }
0x23d: {  	v24 =	vld [tilespmem:s11+$0x10];
	_ =	sdelay $0x1  }
0x23e: {  	v25 =	vor.u32 v8, v23;
	_ =	sdelay $0x2  }
0x23f: {  	v24 =	vmul.f32 v24, v26;
	_ =	sdelay $0x1  }
0x240: {  	[tilespmem:v25+s2+$0x0] =	vst.idx.add.f32.msk $0xffff, v24  }
0x241: {  	v24 =	vld [tilespmem:s11+$0x20];
	_ =	sdelay $0x1  }
0x242: {  	v25 =	vor.u32 v9, v23;
	_ =	sdelay $0x2  }
0x243: {  	v24 =	vmul.f32 v24, v26;
	_ =	sdelay $0x1  }
0x244: {  	[tilespmem:v25+s2+$0x0] =	vst.idx.add.f32.msk $0xffff, v24  }
0x245: {  	v24 =	vld [tilespmem:s11+$0x30];
	_ =	sdelay $0x1  }
0x246: {  	v25 =	vor.u32 v10, v23;
	_ =	sdelay $0x2  }
0x247: {  	v24 =	vmul.f32 v24, v26;
	_ =	sdelay $0x1  }
0x248: {  	[tilespmem:v25+s2+$0x0] =	vst.idx.add.f32.msk $0xffff, v24  }
0x249: {  	v24 =	vld [tilespmem:s11+$0x40];
	_ =	sdelay $0x1  }
0x24a: {  	v25 =	vor.u32 v11, v23;
	_ =	sdelay $0x2  }
0x24b: {  	v24 =	vmul.f32 v24, v26;
	_ =	sdelay $0x1  }
0x24c: {  	[tilespmem:v25+s2+$0x0] =	vst.idx.add.f32.msk $0xffff, v24  }
0x24d: {  	v24 =	vld [tilespmem:s11+$0x50];
	_ =	sdelay $0x1  }
0x24e: {  	v25 =	vor.u32 v12, v23;
	_ =	sdelay $0x2  }
0x24f: {  	v24 =	vmul.f32 v24, v26;
	_ =	sdelay $0x1  }
0x250: {  	[tilespmem:v25+s2+$0x0] =	vst.idx.add.f32.msk $0xffff, v24  }
0x251: {  	v24 =	vld [tilespmem:s11+$0x60];
	_ =	sdelay $0x1  }
0x252: {  	v25 =	vor.u32 v13, v23;
	_ =	sdelay $0x2  }
0x253: {  	v24 =	vmul.f32 v24, v26;
	_ =	sdelay $0x1  }
0x254: {  	[tilespmem:v25+s2+$0x0] =	vst.idx.add.f32.msk $0xffff, v24  }
0x255: {  	v24 =	vld [tilespmem:s11+$0x70];
	_ =	sdelay $0x1  }
0x256: {  	v25 =	vor.u32 v14, v23;
	_ =	sdelay $0x2  }
0x257: {  	v24 =	vmul.f32 v24, v26;
	_ =	sdelay $0x1  }
0x258: {  	[tilespmem:v25+s2+$0x0] =	vst.idx.add.f32.msk $0xffff, v24  }
0x259: {  	v24 =	vld [tilespmem:s11+$0x400];
	_ =	sdelay $0x1  }
0x25a: {  	v25 =	vor.u32 v15, v23;
	_ =	sdelay $0x2  }
0x25b: {  	v24 =	vmul.f32 v24, v26;
	_ =	sdelay $0x1  }
0x25c: {  	[tilespmem:v25+s2+$0x0] =	vst.idx.add.f32.msk $0xffff, v24  }
0x25d: {  	v24 =	vld [tilespmem:s11+$0x410];
	_ =	sdelay $0x1  }
0x25e: {  	v25 =	vor.u32 v16, v23;
	_ =	sdelay $0x2  }
0x25f: {  	v24 =	vmul.f32 v24, v26;
	_ =	sdelay $0x1  }
0x260: {  	[tilespmem:v25+s2+$0x0] =	vst.idx.add.f32.msk $0xffff, v24  }
0x261: {  	v24 =	vld [tilespmem:s11+$0x420];
	_ =	sdelay $0x1  }
0x262: {  	v25 =	vor.u32 v17, v23;
	_ =	sdelay $0x2  }
0x263: {  	v24 =	vmul.f32 v24, v26;
	_ =	sdelay $0x1  }
0x264: {  	[tilespmem:v25+s2+$0x0] =	vst.idx.add.f32.msk $0xffff, v24  }
0x265: {  	v24 =	vld [tilespmem:s11+$0x430];
	_ =	sdelay $0x1  }
0x266: {  	v25 =	vor.u32 v18, v23;
	_ =	sdelay $0x2  }
0x267: {  	v24 =	vmul.f32 v24, v26;
	_ =	sdelay $0x1  }
0x268: {  	[tilespmem:v25+s2+$0x0] =	vst.idx.add.f32.msk $0xffff, v24  }
0x269: {  	v24 =	vld [tilespmem:s11+$0x440];
	_ =	sdelay $0x1  }
0x26a: {  	v25 =	vor.u32 v19, v23;
	_ =	sdelay $0x2  }
0x26b: {  	v24 =	vmul.f32 v24, v26;
	_ =	sdelay $0x1  }
0x26c: {  	[tilespmem:v25+s2+$0x0] =	vst.idx.add.f32.msk $0xffff, v24  }
0x26d: {  	v24 =	vld [tilespmem:s11+$0x450];
	_ =	sdelay $0x1  }
0x26e: {  	v25 =	vor.u32 v20, v23;
	_ =	sdelay $0x2  }
0x26f: {  	v24 =	vmul.f32 v24, v26;
	_ =	sdelay $0x1  }
0x270: {  	[tilespmem:v25+s2+$0x0] =	vst.idx.add.f32.msk $0xffff, v24  }
0x271: {  	v24 =	vld [tilespmem:s11+$0x460];
	_ =	sdelay $0x1  }
0x272: {  	v25 =	vor.u32 v21, v23;
	_ =	sdelay $0x2  }
0x273: {  	v24 =	vmul.f32 v24, v26;
	_ =	sdelay $0x1  }
0x274: {  	[tilespmem:v25+s2+$0x0] =	vst.idx.add.f32.msk $0xffff, v24  }
0x275: {  	v27 =	vld [tilespmem:s11+$0x470];
	_ =	sdelay $0x1  }
0x276: {  	v25 =	vor.u32 v22, v23;
	s11 =	sadd.s32 $0x1, s4  }
0x277: {  	v24 =	vmov s11;
	_ =	sdelay $0x1  }
0x278: {  	s13 =	simm.s32 $0x100;
	s25 =	simm.s32 $0x200;
	v23 =	vmul.f32 v27, v26  }
.LBB2_23:
0x279: {  	p0 =	sne.s32 s25, $0x3F00  }
0x27a: {  	s12 =	sadd.s32 $0x80, s12;
	s26 =	smov.u32 s25;
	s25 =	sadd.s32 $0x100, s25;
	[tilespmem:v25+s2+$0x0] =	vst.idx.add.f32.msk $0xffff, v23  }
0x27b: {  	v25 =	vld.idx.msk [tilespmem:v24+s14+$0x0], $0xffff;
	_ =	sdelay $0x2  }
0x27c: {  	s28 =	sand.u32 $0x3800, s13;
	s29 =	sand.u32 $0x380, s12;
	s13 =	smov.u32 s26  }
0x27d: {  	s26 =	sor.u32 s29, s28;
	v23 =	vld.idx.msk [tilespmem:v24+s17+$0x0], $0xffff  }
0x27e: {  	v26 =	vld [tilespmem:s26+$0x14B00]  }
0x27f: {  	v24 =	vshll.u32 v25, $0x8  }
0x280: {  	v25 =	vor.u32 v3, v24;
	_ =	sdelay $0x2  }
0x281: {  	v26 =	vmul.f32 v26, v23;
	_ =	sdelay $0x1  }
0x282: {  	s26 =	sadd.s32 $0x14B00, s26;
	[tilespmem:v25+s2+$0x0] =	vst.idx.add.f32.msk $0xffff, v26  }
0x283: {  	v25 =	vld [tilespmem:s26+$0x10];
	_ =	sdelay $0x1  }
0x284: {  	v26 =	vor.u32 v8, v24;
	_ =	sdelay $0x2  }
0x285: {  	v25 =	vmul.f32 v25, v23;
	_ =	sdelay $0x1  }
0x286: {  	[tilespmem:v26+s2+$0x0] =	vst.idx.add.f32.msk $0xffff, v25  }
0x287: {  	v25 =	vld [tilespmem:s26+$0x20];
	_ =	sdelay $0x1  }
0x288: {  	v26 =	vor.u32 v9, v24;
	_ =	sdelay $0x2  }
0x289: {  	v25 =	vmul.f32 v25, v23;
	_ =	sdelay $0x1  }
0x28a: {  	[tilespmem:v26+s2+$0x0] =	vst.idx.add.f32.msk $0xffff, v25  }
0x28b: {  	v25 =	vld [tilespmem:s26+$0x30];
	_ =	sdelay $0x1  }
0x28c: {  	v26 =	vor.u32 v10, v24;
	_ =	sdelay $0x2  }
0x28d: {  	v25 =	vmul.f32 v25, v23;
	_ =	sdelay $0x1  }
0x28e: {  	[tilespmem:v26+s2+$0x0] =	vst.idx.add.f32.msk $0xffff, v25  }
0x28f: {  	v25 =	vld [tilespmem:s26+$0x40];
	_ =	sdelay $0x1  }
0x290: {  	v26 =	vor.u32 v11, v24;
	_ =	sdelay $0x2  }
0x291: {  	v25 =	vmul.f32 v25, v23;
	_ =	sdelay $0x1  }
0x292: {  	[tilespmem:v26+s2+$0x0] =	vst.idx.add.f32.msk $0xffff, v25  }
0x293: {  	v25 =	vld [tilespmem:s26+$0x50];
	_ =	sdelay $0x1  }
0x294: {  	v26 =	vor.u32 v12, v24;
	_ =	sdelay $0x2  }
0x295: {  	v25 =	vmul.f32 v25, v23;
	_ =	sdelay $0x1  }
0x296: {  	[tilespmem:v26+s2+$0x0] =	vst.idx.add.f32.msk $0xffff, v25  }
0x297: {  	v25 =	vld [tilespmem:s26+$0x60];
	_ =	sdelay $0x1  }
0x298: {  	v26 =	vor.u32 v13, v24;
	_ =	sdelay $0x2  }
0x299: {  	v25 =	vmul.f32 v25, v23;
	_ =	sdelay $0x1  }
0x29a: {  	[tilespmem:v26+s2+$0x0] =	vst.idx.add.f32.msk $0xffff, v25  }
0x29b: {  	v25 =	vld [tilespmem:s26+$0x70];
	_ =	sdelay $0x1  }
0x29c: {  	v26 =	vor.u32 v14, v24;
	_ =	sdelay $0x2  }
0x29d: {  	v25 =	vmul.f32 v25, v23;
	_ =	sdelay $0x1  }
0x29e: {  	[tilespmem:v26+s2+$0x0] =	vst.idx.add.f32.msk $0xffff, v25  }
0x29f: {  	v25 =	vld [tilespmem:s26+$0x400];
	_ =	sdelay $0x1  }
0x2a0: {  	v26 =	vor.u32 v15, v24;
	_ =	sdelay $0x2  }
0x2a1: {  	v25 =	vmul.f32 v25, v23;
	_ =	sdelay $0x1  }
0x2a2: {  	[tilespmem:v26+s2+$0x0] =	vst.idx.add.f32.msk $0xffff, v25  }
0x2a3: {  	v25 =	vld [tilespmem:s26+$0x410];
	_ =	sdelay $0x1  }
0x2a4: {  	v26 =	vor.u32 v16, v24;
	_ =	sdelay $0x2  }
0x2a5: {  	v25 =	vmul.f32 v25, v23;
	_ =	sdelay $0x1  }
0x2a6: {  	[tilespmem:v26+s2+$0x0] =	vst.idx.add.f32.msk $0xffff, v25  }
0x2a7: {  	v25 =	vld [tilespmem:s26+$0x420];
	_ =	sdelay $0x1  }
0x2a8: {  	v26 =	vor.u32 v17, v24;
	_ =	sdelay $0x2  }
0x2a9: {  	v25 =	vmul.f32 v25, v23;
	_ =	sdelay $0x1  }
0x2aa: {  	[tilespmem:v26+s2+$0x0] =	vst.idx.add.f32.msk $0xffff, v25  }
0x2ab: {  	v25 =	vld [tilespmem:s26+$0x430];
	_ =	sdelay $0x1  }
0x2ac: {  	v26 =	vor.u32 v18, v24;
	_ =	sdelay $0x2  }
0x2ad: {  	v25 =	vmul.f32 v25, v23;
	_ =	sdelay $0x1  }
0x2ae: {  	[tilespmem:v26+s2+$0x0] =	vst.idx.add.f32.msk $0xffff, v25  }
0x2af: {  	v25 =	vld [tilespmem:s26+$0x440];
	_ =	sdelay $0x1  }
0x2b0: {  	v26 =	vor.u32 v19, v24;
	_ =	sdelay $0x2  }
0x2b1: {  	v25 =	vmul.f32 v25, v23;
	_ =	sdelay $0x1  }
0x2b2: {  	[tilespmem:v26+s2+$0x0] =	vst.idx.add.f32.msk $0xffff, v25  }
0x2b3: {  	v25 =	vld [tilespmem:s26+$0x450];
	_ =	sdelay $0x1  }
0x2b4: {  	v26 =	vor.u32 v20, v24;
	_ =	sdelay $0x2  }
0x2b5: {  	v25 =	vmul.f32 v25, v23;
	_ =	sdelay $0x1  }
0x2b6: {  	[tilespmem:v26+s2+$0x0] =	vst.idx.add.f32.msk $0xffff, v25  }
0x2b7: {  	v25 =	vld [tilespmem:s26+$0x460];
	_ =	sdelay $0x1  }
0x2b8: {  	v26 =	vor.u32 v21, v24;
	_ =	sdelay $0x2  }
0x2b9: {  	v25 =	vmul.f32 v25, v23;
	_ =	sdelay $0x1  }
0x2ba: {  	[tilespmem:v26+s2+$0x0] =	vst.idx.add.f32.msk $0xffff, v25  }
0x2bb: {  	v26 =	vld [tilespmem:s26+$0x470]  }
.Ltmp20:
0x2bc: {  	(pc) =	sbr.rel @p0 .LBB2_23-.Ltmp20, $3  }
0x2bd: {  	s11 =	sadd.s32 $0x1, s11;
	v25 =	vor.u32 v22, v24  }
0x2be: {  	v24 =	vmov s11;
	_ =	sdelay $0x1  }
0x2bf: {  	v23 =	vmul.f32 v26, v23  }
0x2c0: {  	_ =	sdelay $0x3  }
0x2c1: {  	[tilespmem:v25+s2+$0x0] =	vst.idx.add.f32.msk $0xffff, v23  }
0x2c2: {  	v23 =	vld.idx.msk [tilespmem:v24+s14+$0x0], $0xffff  }
0x2c3: {  	s11 =	sadd.s32 $0x80, s12  }
0x2c4: {  	s29 =	sand.u32 $0x3800, s13;
	s11 =	sand.u32 $0x380, s11  }
0x2c5: {  	v49 =	vld.idx.msk [tilespmem:v24+s17+$0x0], $0xffff;
	s11 =	sor.u32 s11, s29  }
0x2c6: {  	v25 =	vld [tilespmem:s11+$0x14B00]  }
0x2c7: {  	v23 =	vshll.u32 v23, $0x8  }
0x2c8: {  	v26 =	vor.u32 v3, v23;
	_ =	sdelay $0x2  }
0x2c9: {  	v25 =	vmul.f32 v25, v49;
	_ =	sdelay $0x1  }
0x2ca: {  	s11 =	sadd.s32 $0x14B00, s11;
	[tilespmem:v26+s2+$0x0] =	vst.idx.add.f32.msk $0xffff, v25  }
0x2cb: {  	v25 =	vld [tilespmem:s11+$0x10];
	_ =	sdelay $0x1  }
0x2cc: {  	v50 =	vor.u32 v8, v23;
	_ =	sdelay $0x2  }
0x2cd: {  	v25 =	vmul.f32 v25, v49;
	_ =	sdelay $0x1  }
0x2ce: {  	[tilespmem:v50+s2+$0x0] =	vst.idx.add.f32.msk $0xffff, v25  }
0x2cf: {  	v25 =	vld [tilespmem:s11+$0x20];
	_ =	sdelay $0x1  }
0x2d0: {  	v51 =	vor.u32 v9, v23;
	_ =	sdelay $0x2  }
0x2d1: {  	v25 =	vmul.f32 v25, v49;
	_ =	sdelay $0x1  }
0x2d2: {  	[tilespmem:v51+s2+$0x0] =	vst.idx.add.f32.msk $0xffff, v25  }
0x2d3: {  	v25 =	vld [tilespmem:s11+$0x30];
	_ =	sdelay $0x1  }
0x2d4: {  	v52 =	vor.u32 v10, v23;
	_ =	sdelay $0x2  }
0x2d5: {  	v25 =	vmul.f32 v25, v49;
	_ =	sdelay $0x1  }
0x2d6: {  	[tilespmem:v52+s2+$0x0] =	vst.idx.add.f32.msk $0xffff, v25  }
0x2d7: {  	v25 =	vld [tilespmem:s11+$0x40];
	_ =	sdelay $0x1  }
0x2d8: {  	v53 =	vor.u32 v11, v23;
	_ =	sdelay $0x2  }
0x2d9: {  	v25 =	vmul.f32 v25, v49;
	_ =	sdelay $0x1  }
0x2da: {  	[tilespmem:v53+s2+$0x0] =	vst.idx.add.f32.msk $0xffff, v25  }
0x2db: {  	v25 =	vld [tilespmem:s11+$0x50];
	_ =	sdelay $0x1  }
0x2dc: {  	v54 =	vor.u32 v12, v23;
	_ =	sdelay $0x2  }
0x2dd: {  	v25 =	vmul.f32 v25, v49;
	_ =	sdelay $0x1  }
0x2de: {  	[tilespmem:v54+s2+$0x0] =	vst.idx.add.f32.msk $0xffff, v25  }
0x2df: {  	v25 =	vld [tilespmem:s11+$0x60];
	_ =	sdelay $0x1  }
0x2e0: {  	v55 =	vor.u32 v13, v23;
	_ =	sdelay $0x2  }
0x2e1: {  	v25 =	vmul.f32 v25, v49;
	_ =	sdelay $0x1  }
0x2e2: {  	[tilespmem:v55+s2+$0x0] =	vst.idx.add.f32.msk $0xffff, v25  }
0x2e3: {  	v25 =	vld [tilespmem:s11+$0x70];
	_ =	sdelay $0x1  }
0x2e4: {  	v56 =	vor.u32 v14, v23;
	_ =	sdelay $0x2  }
0x2e5: {  	v25 =	vmul.f32 v25, v49;
	_ =	sdelay $0x1  }
0x2e6: {  	[tilespmem:v56+s2+$0x0] =	vst.idx.add.f32.msk $0xffff, v25  }
0x2e7: {  	v25 =	vld [tilespmem:s11+$0x400];
	_ =	sdelay $0x1  }
0x2e8: {  	v57 =	vor.u32 v15, v23;
	_ =	sdelay $0x2  }
0x2e9: {  	v25 =	vmul.f32 v25, v49;
	_ =	sdelay $0x1  }
0x2ea: {  	[tilespmem:v57+s2+$0x0] =	vst.idx.add.f32.msk $0xffff, v25  }
0x2eb: {  	v25 =	vld [tilespmem:s11+$0x410];
	_ =	sdelay $0x1  }
0x2ec: {  	v58 =	vor.u32 v16, v23;
	_ =	sdelay $0x2  }
0x2ed: {  	v25 =	vmul.f32 v25, v49;
	_ =	sdelay $0x1  }
0x2ee: {  	[tilespmem:v58+s2+$0x0] =	vst.idx.add.f32.msk $0xffff, v25  }
0x2ef: {  	v25 =	vld [tilespmem:s11+$0x420];
	_ =	sdelay $0x1  }
0x2f0: {  	v59 =	vor.u32 v17, v23;
	_ =	sdelay $0x2  }
0x2f1: {  	v25 =	vmul.f32 v25, v49;
	_ =	sdelay $0x1  }
0x2f2: {  	[tilespmem:v59+s2+$0x0] =	vst.idx.add.f32.msk $0xffff, v25  }
0x2f3: {  	v25 =	vld [tilespmem:s11+$0x430];
	_ =	sdelay $0x1  }
0x2f4: {  	v60 =	vor.u32 v18, v23;
	_ =	sdelay $0x2  }
0x2f5: {  	v25 =	vmul.f32 v25, v49;
	_ =	sdelay $0x1  }
0x2f6: {  	[tilespmem:v60+s2+$0x0] =	vst.idx.add.f32.msk $0xffff, v25  }
0x2f7: {  	v25 =	vld [tilespmem:s11+$0x440];
	_ =	sdelay $0x1  }
0x2f8: {  	v61 =	vor.u32 v19, v23;
	_ =	sdelay $0x2  }
0x2f9: {  	v25 =	vmul.f32 v25, v49;
	_ =	sdelay $0x1  }
0x2fa: {  	[tilespmem:v61+s2+$0x0] =	vst.idx.add.f32.msk $0xffff, v25  }
0x2fb: {  	v25 =	vld [tilespmem:s11+$0x450];
	_ =	sdelay $0x1  }
0x2fc: {  	v62 =	vor.u32 v20, v23;
	_ =	sdelay $0x2  }
0x2fd: {  	v25 =	vmul.f32 v25, v49;
	_ =	sdelay $0x1  }
0x2fe: {  	[tilespmem:v62+s2+$0x0] =	vst.idx.add.f32.msk $0xffff, v25  }
0x2ff: {  	v25 =	vld [tilespmem:s11+$0x460];
	_ =	sdelay $0x1  }
0x300: {  	v63 =	vor.u32 v21, v23;
	_ =	sdelay $0x2  }
0x301: {  	v25 =	vmul.f32 v25, v49;
	_ =	sdelay $0x1  }
0x302: {  	[tilespmem:v63+s2+$0x0] =	vst.idx.add.f32.msk $0xffff, v25  }
0x303: {  	v25 =	vld [tilespmem:s11+$0x470]  }
0x304: {  	s5 =	sadd.s32 $0x1, s5  }
0x305: {  	p0 =	sne.s32 s5, s3;
	v23 =	vor.u32 v22, v23  }
.Ltmp21:
0x306: {  	_ = 	snop;
	(pc) =	sbr.rel @p0 .LBB2_22-.Ltmp21, $4  }
.Ltmp22:
0x307: {  	_ = 	snop;
	(pc) =	sbr.rel @!p0 .LBB2_25-.Ltmp22, $4  }
0x308: {  	v24 =	vmul.f32 v25, v49  }
0x309: {  	_ = 	snop  }
0x30a: {  	s4 =	sadd.s32 $0x40, s4;
	[tilespmem:v23+s2+$0x0] =	vst.idx.add.f32.msk $0xffff, v24  }
0x30b: {  	_ = 	snop  }
.LBB2_27:
0x30c: {  	_ =	sfence.sel $0x180000  }
0x30d: {  	[bflag:$0x0] =	sbarrier.arrive $0xFFFF  }
0x30e: {  	_ =	strace $0x90000047  }
0x30f: {  	s0 =	stileid.u32;
	[bflag:$0x2] =	sbarrier.arrive $0xFFFF  }
0x310: {  	p0 =	sne.s32 s0, $0x0;
	s0 =	rddreg [dreg:$0x2]  }
0x311: {  	s0 =	sadd.s32 @!p0 $0x100000, s0  }
0x312: {  	[sflag:s0] =	ssyncadd.tile.s32 @!p0 $0x1;
	_ =	shalt  }
.Lfunc_end2:
_tile_overlayer_lowered:
.L_overlay_start_2:
0x313: {  	(tag) =	ssettag $0x2  }
0x314: {  	s0 =	rddreg [dreg:$0x0];
	s2 =	stileid.u32  }
0x315: {  	s1 =	rddreg [dreg:$0x1];
	p0 =	sne.s32 s2, $0x0  }
0x316: {  	s3 =	rddreg [dreg:$0x2];
	[bflag:$0x3] =	sbarrier.arrive $0xFFFF;
	s2 =	simm.s32 @!p0 $0x1C02  }
0x317: {  	[timem:s3], [sflag:s2] =	dma.local @!p0 [hbm:s0], s1  }
0x318: {  	s0 =	simm.s32 @!p0 $0x2  }
0x319: {  	_ =	swait.ge @!p0 [sflag:s0], s1  }
0x31a: {  	s1 =	ssub.s32 @!p0 $0x0, s1;
	[sflag:s0] =	ssyncset.done @!p0 $0x0  }
0x31b: {  	[sflag:s0] =	ssyncadd.s32 @!p0 s1  }
0x31c: {  	[bflag:$0x3] =	sbarrier.arrive $0xFFFF  }
0x31d: {  	_ =	shalt  }

</sc_bundles>
